<compile_context>
chip_gen: v7x
topology: tpu7x:2x2x1
jax: 0.10.2.dev20260603
libtpu: 0.0.44.dev20260713+nightly
codegen_flags: <defaults>
</compile_context>

<pallas_src>
import jax
import jax.numpy as jnp
from jax import lax
from jax.experimental import pallas as pl
from jax.experimental.pallas import tpu as pltpu
from jax.experimental.pallas import tpu_sc as plsc

N = 10000
D = 128
E = 320000

NC = 2
NS = 16
NW = NC * NS

R = 10240
EPT = 10240
EPAD = NW * EPT
C = 128
ITERS = EPT // C
ZR = R // NS

BR = 1280
GRID = R // BR
NB = 2



def _make_sc_scatter():
  mesh = plsc.VectorSubcoreMesh(core_axis_name="c", subcore_axis_name="s")

  def body(y_h, sd_h, z_h, out_h, *scr):
    sd = scr[0:NB]
    r = scr[NB:2 * NB]
    acc = scr[2 * NB]
    sem = scr[2 * NB + 1:]

    c = lax.axis_index("c")
    s = lax.axis_index("s")
    cbase = (c * NS + s) * ITERS
    zb = s * ZR
    nzc = ZR // C

    pltpu.sync_copy(z_h, r[0])
    for k in range(nzc):
      pltpu.sync_copy(r[0], acc.at[pl.ds(zb + k * C, C)])
    plsc.subcore_barrier()

    for b in range(NB):
      pltpu.sync_copy(sd_h.at[cbase + b], sd[b])
      pltpu.async_copy(y_h.at[sd[b].at[0]], r[b], sem[b])

    last = cbase + ITERS - 1

    def stepn(j, carry):
      i0 = cbase + NB * j
      for b in range(NB):
        i = i0 + b
        pltpu.make_async_copy(y_h.at[sd[b].at[0]], r[b], sem[b]).wait()
        pltpu.sync_copy(r[b], acc.at[sd[b].at[1]], add=True)
        nxt = jnp.minimum(i + NB, last)
        pltpu.sync_copy(sd_h.at[nxt], sd[b])
        pltpu.async_copy(y_h.at[sd[b].at[0]], r[b], sem[b])
      return carry

    lax.fori_loop(0, ITERS // NB, stepn, 0)
    for b in range(NB):
      pltpu.make_async_copy(y_h.at[sd[b].at[0]], r[b], sem[b]).wait()
    plsc.subcore_barrier()

    for k in range(nzc):
      pltpu.sync_copy(acc.at[pl.ds(zb + k * C, C)], r[0])
      pltpu.sync_copy(r[0], out_h.at[pl.ds(c * R + zb + k * C, C)])

  return pl.kernel(
      body,
      out_type=jax.ShapeDtypeStruct((NC * R, D), jnp.float32),
      mesh=mesh,
      scratch_types=(
          [pltpu.VMEM((2, C), jnp.int32) for _ in range(NB)]
          + [pltpu.VMEM((C, D), jnp.float32) for _ in range(NB)]
          + [pltpu.VMEM_SHARED((R, D), jnp.float32)]
          + [pltpu.SemaphoreType.DMA for _ in range(NB)]
      ))


def _make_sc_deg():
  mesh = plsc.VectorSubcoreMesh(core_axis_name="c", subcore_axis_name="s")

  def body(sd_h, z_h, one_h, deg_h, sd0, sd1, stg_v, ones_v, acc, sem0, sem1):
    c = lax.axis_index("c")
    s = lax.axis_index("s")
    cbase = (c * NS + s) * ITERS
    zb = s * ZR
    nzc = ZR // C

    pltpu.sync_copy(z_h, stg_v)
    pltpu.sync_copy(one_h, ones_v)
    for k in range(nzc):
      pltpu.sync_copy(stg_v, acc.at[pl.ds(zb + k * C, C)])
    plsc.subcore_barrier()

    pltpu.async_copy(sd_h.at[cbase], sd0, sem0)

    def step2(j, carry):
      i = cbase + 2 * j
      pltpu.async_copy(sd_h.at[i + 1], sd1, sem1)
      pltpu.make_async_copy(sd_h.at[i], sd0, sem0).wait()
      pltpu.sync_copy(ones_v, acc.at[sd0.at[1]], add=True)
      nxt = jnp.minimum(i + 2, cbase + ITERS - 1)
      pltpu.async_copy(sd_h.at[nxt], sd0, sem0)
      pltpu.make_async_copy(sd_h.at[i + 1], sd1, sem1).wait()
      pltpu.sync_copy(ones_v, acc.at[sd1.at[1]], add=True)
      return carry

    lax.fori_loop(0, ITERS // 2, step2, 0)
    pltpu.make_async_copy(sd_h.at[cbase], sd0, sem0).wait()
    plsc.subcore_barrier()

    for k in range(nzc):
      pltpu.sync_copy(acc.at[pl.ds(zb + k * C, C)], stg_v)
      pltpu.sync_copy(stg_v, deg_h.at[pl.ds(c * R + zb + k * C, C)])

  return pl.kernel(
      body,
      out_type=jax.ShapeDtypeStruct((NC * R, D), jnp.float32),
      mesh=mesh,
      scratch_types=[
          pltpu.VMEM((2, C), jnp.int32),
          pltpu.VMEM((2, C), jnp.int32),
          pltpu.VMEM((C, D), jnp.float32),
          pltpu.VMEM((C, D), jnp.float32),
          pltpu.VMEM_SHARED((R, D), jnp.float32),
          pltpu.SemaphoreType.DMA,
          pltpu.SemaphoreType.DMA,
      ])


_sc_scatter = _make_sc_scatter()
_sc_deg = _make_sc_deg()



def _mm2_body(x_ref, wl_ref, wr_ref, yl_ref, yr_ref):
  x = x_ref[...]
  yl_ref[...] = jnp.dot(x, wl_ref[...], preferred_element_type=jnp.float32)
  yr_ref[...] = jnp.dot(x, wr_ref[...], preferred_element_type=jnp.float32)


def _mid_body(s_ref, deg_ref, r_ref, b_ref, wl_ref, wr_ref, yl_ref, yr_ref):
  s = s_ref[0] + s_ref[1]
  h = jnp.maximum(s / deg_ref[...] + r_ref[...] + b_ref[...], 0.0)
  yl_ref[...] = jnp.dot(h, wl_ref[...], preferred_element_type=jnp.float32)
  yr_ref[...] = jnp.dot(h, wr_ref[...], preferred_element_type=jnp.float32)


def _out_body(s_ref, deg_ref, r_ref, b_ref, o_ref):
  s = s_ref[0] + s_ref[1]
  o_ref[...] = jax.nn.sigmoid(s / deg_ref[...] + r_ref[...] + b_ref[...])


_row_spec = pl.BlockSpec((BR, D), lambda i: (i, 0))
_w_spec = pl.BlockSpec((D, D), lambda i: (0, 0))
_b_spec = pl.BlockSpec((1, D), lambda i: (0, 0))
_acc_spec = pl.BlockSpec((NC, BR, D), lambda i: (0, i, 0))
_deg_spec = pl.BlockSpec((BR, 1), lambda i: (i, 0))
_rowD = jax.ShapeDtypeStruct((R, D), jnp.float32)

_tc_mm2 = pl.pallas_call(
    _mm2_body, grid=(GRID,),
    in_specs=[_row_spec, _w_spec, _w_spec],
    out_specs=[_row_spec, _row_spec],
    out_shape=[_rowD, _rowD])

_tc_mid = pl.pallas_call(
    _mid_body, grid=(GRID,),
    in_specs=[_acc_spec, _deg_spec, _row_spec, _b_spec, _w_spec, _w_spec],
    out_specs=[_row_spec, _row_spec],
    out_shape=[_rowD, _rowD])

_tc_out = pl.pallas_call(
    _out_body, grid=(GRID,),
    in_specs=[_acc_spec, _deg_spec, _row_spec, _b_spec],
    out_specs=_row_spec,
    out_shape=_rowD)



@jax.jit
def kernel(x, edge_index, W1_l, b1_l, W1_r, W2_l, b2_l, W2_r):
  xp = jnp.zeros((R, D), x.dtype).at[:N].set(x)
  src = jnp.zeros((EPAD,), jnp.int32).at[:E].set(edge_index[0])
  dst = jnp.full((EPAD,), N, jnp.int32).at[:E].set(edge_index[1])
  sd = jnp.concatenate(
      [src.reshape(-1, 1, C), dst.reshape(-1, 1, C)], axis=1)
  z128 = jnp.zeros((C, D), jnp.float32)
  b1 = b1_l.reshape(1, D)
  b2 = b2_l.reshape(1, D)

  ones128 = jnp.ones((C, D), jnp.float32)

  degp = _sc_deg(sd, z128, ones128).reshape(NC, R, D)
  deg = jnp.maximum(degp[0, :, 0] + degp[1, :, 0], 1.0).reshape(R, 1)
  y1, r1 = _tc_mm2(xp, W1_l, W1_r)
  s1 = _sc_scatter(y1, sd, z128).reshape(NC, R, D)
  y2, r2 = _tc_mid(s1, deg, r1, b1, W2_l, W2_r)
  s2 = _sc_scatter(y2, sd, z128).reshape(NC, R, D)
  out = _tc_out(s2, deg, r2, b2)
  return out[:N]

# --- scband reference (transcript-rebuilt; emitter-appended) ---
"""Pipeline reference for scband-sagenet-51196010169023 (READ-ONLY COPY).

The authoritative reference and input builder live on the scoring server;
editing this copy changes nothing except your own understanding.
"""

import jax, jax.numpy as jnp
import numpy as np

N_NODES = 10000
N_EDGES = 320000
D_IN = 128
D_HID = 128
D_OUT = 128


def setup_inputs(seed: int = 0) -> dict:
    key = jax.random.key(seed)
    ks = jax.random.split(key, 9)
    x = jax.random.normal(ks[0], (N_NODES, D_IN), dtype=jnp.float32)
    edge_index = jax.random.randint(ks[1], (2, N_EDGES), 0, N_NODES, dtype=jnp.int32)
    s1 = 1.0 / np.sqrt(D_IN)
    s2 = 1.0 / np.sqrt(D_HID)
    W1_l = jax.random.normal(ks[2], (D_IN, D_HID), dtype=jnp.float32) * s1
    b1_l = jnp.zeros((D_HID,), dtype=jnp.float32)
    W1_r = jax.random.normal(ks[3], (D_IN, D_HID), dtype=jnp.float32) * s1
    W2_l = jax.random.normal(ks[4], (D_HID, D_OUT), dtype=jnp.float32) * s2
    b2_l = jnp.zeros((D_OUT,), dtype=jnp.float32)
    W2_r = jax.random.normal(ks[5], (D_HID, D_OUT), dtype=jnp.float32) * s2
    return {"x": x, "edge_index": edge_index, "W1_l": W1_l, "b1_l": b1_l,
            "W1_r": W1_r, "W2_l": W2_l, "b2_l": b2_l, "W2_r": W2_r}


def _sage_conv(x, src, dst, W_l, b_l, W_r, num_nodes):
    # PyG SAGEConv (mean aggr): out = lin_l(mean_j x_j) + lin_r(x_i)
    msgs = jnp.take(x, src, axis=0)                      # gather over edges
    summed = jax.ops.segment_sum(msgs, dst, num_segments=num_nodes)  # scatter-add
    deg = jax.ops.segment_sum(jnp.ones((src.shape[0],), dtype=x.dtype), dst,
                              num_segments=num_nodes)
    agg = summed / jnp.clip(deg, 1.0, None)[:, None]
    return agg @ W_l + b_l + x @ W_r


def reference(x, edge_index, W1_l, b1_l, W1_r, W2_l, b2_l, W2_r):
    src = edge_index[0]
    dst = edge_index[1]
    h = jax.nn.relu(_sage_conv(x, src, dst, W1_l, b1_l, W1_r, N_NODES))
    # dropout p=0.5 is identity in eval mode (deterministic reference)
    out = jax.nn.sigmoid(_sage_conv(h, src, dst, W2_l, b2_l, W2_r, N_NODES))
    return out

if __name__ == "__main__":
    import jax
    _d = setup_inputs()
    print(jax.jit(kernel)(*tuple(_d.values())))

</pallas_src>

<mosaic_0001>
#map = affine_map<(d0, d1) -> (0, 0)>
#map1 = affine_map<(d0, d1) -> (0, 0, 0)>
module attributes {stable_mosaic.version = 14 : i64} {
  func.func @body(%arg0: i32, %arg1: i32, %arg2: memref<10240x128xf32, #tpu.memory_space<hbm>>, %arg3: memref<2560x2x128xi32, #tpu.memory_space<hbm>>, %arg4: memref<128x128xf32, #tpu.memory_space<hbm>>, %arg5: memref<20480x128xf32, #tpu.memory_space<hbm>>, %arg6: memref<2x128xi32, #tpu.memory_space<vmem>>, %arg7: memref<2x128xi32, #tpu.memory_space<vmem>>, %arg8: memref<128x128xf32, #tpu.memory_space<vmem>>, %arg9: memref<128x128xf32, #tpu.memory_space<vmem>>, %arg10: memref<10240x128xf32, #tpu.memory_space<vmem_shared>>, %arg11: memref<!tpu.dma_semaphore, #tpu.memory_space<semaphore_mem>>, %arg12: memref<!tpu.dma_semaphore, #tpu.memory_space<semaphore_mem>>) attributes {dimension_semantics = [#tpu.dimension_semantics<core_parallel>, #tpu.dimension_semantics<subcore_parallel>], iteration_bounds = array<i64: 2, 16>, scalar_prefetch = 0 : i64, scratch_operands = 7 : i64, tpu.core_type = #tpu.core_type<sc_vector_subcore>, window_params = [{transform_indices = #map}, {transform_indices = #map1}, {transform_indices = #map}, {transform_indices = #map}]} {
    %mul3A = arith.constant 16 : i32
    %mul3A_0 = arith.muli %arg0, %mul3A : i32
    %add3A = arith.addi %mul3A_0, %arg1 : i32
    %mul3A_1 = arith.constant 80 : i32
    %mul3A_2 = arith.muli %add3A, %mul3A_1 : i32
    %mul3A_3 = arith.constant 640 : i32
    %mul3A_4 = arith.muli %arg1, %mul3A_3 : i32
    "tpu.region"() ({
      %run_scoped3A = tpu.sem_alloc : memref<!tpu.dma_semaphore, #tpu.memory_space<semaphore_mem>>
      tpu.enqueue_dma source(%arg4 : memref<128x128xf32, #tpu.memory_space<hbm>>) target(%arg8 : memref<128x128xf32, #tpu.memory_space<vmem>>) target_semaphore(%run_scoped3A : memref<!tpu.dma_semaphore, #tpu.memory_space<semaphore_mem>>)
      tpu.wait_dma2 semaphore(%run_scoped3A : memref<!tpu.dma_semaphore, #tpu.memory_space<semaphore_mem>>) src(%arg4 : memref<128x128xf32, #tpu.memory_space<hbm>>) dst(%arg8 : memref<128x128xf32, #tpu.memory_space<vmem>>)
      tpu.yield
    }) : () -> ()
    %add3A_5 = arith.constant 0 : i32
    %add3A_6 = arith.addi %mul3A_4, %add3A_5 : i32
    "tpu.region"() ({
      %run_scoped3A = tpu.sem_alloc : memref<!tpu.dma_semaphore, #tpu.memory_space<semaphore_mem>>
      %dma_start3A_89 = arith.constant 0 : i32
      %dma_start3A_90 = tpu.memref_slice %arg10[%add3A_6, %dma_start3A_89] : memref<10240x128xf32, #tpu.memory_space<vmem_shared>> -> memref<128x128xf32, #tpu.memory_space<vmem_shared>>
      %dma_start3A_91 = arith.constant 0 : i32
      %dma_start3A_92 = tpu.memref_slice %arg10[%add3A_6, %dma_start3A_91] : memref<10240x128xf32, #tpu.memory_space<vmem_shared>> -> memref<128x128xf32, #tpu.memory_space<vmem_shared>>
      tpu.enqueue_dma source(%arg8 : memref<128x128xf32, #tpu.memory_space<vmem>>) target(%dma_start3A_92 : memref<128x128xf32, #tpu.memory_space<vmem_shared>>) target_semaphore(%run_scoped3A : memref<!tpu.dma_semaphore, #tpu.memory_space<semaphore_mem>>)
      %dma_wait3A_93 = arith.constant 0 : i32
      %dma_wait3A_94 = tpu.memref_slice %arg10[%add3A_6, %dma_wait3A_93] : memref<10240x128xf32, #tpu.memory_space<vmem_shared>> -> memref<128x128xf32, #tpu.memory_space<vmem_shared>>
      %dma_wait3A_95 = arith.constant 0 : i32
      %dma_wait3A_96 = tpu.memref_slice %arg10[%add3A_6, %dma_wait3A_95] : memref<10240x128xf32, #tpu.memory_space<vmem_shared>> -> memref<128x128xf32, #tpu.memory_space<vmem_shared>>
      tpu.wait_dma2 semaphore(%run_scoped3A : memref<!tpu.dma_semaphore, #tpu.memory_space<semaphore_mem>>) src(%arg8 : memref<128x128xf32, #tpu.memory_space<vmem>>) dst(%dma_wait3A_96 : memref<128x128xf32, #tpu.memory_space<vmem_shared>>)
      tpu.yield
    }) : () -> ()
    %add3A_7 = arith.constant 128 : i32
    %add3A_8 = arith.addi %mul3A_4, %add3A_7 : i32
    "tpu.region"() ({
      %run_scoped3A = tpu.sem_alloc : memref<!tpu.dma_semaphore, #tpu.memory_space<semaphore_mem>>
      %dma_start3A_89 = arith.constant 0 : i32
      %dma_start3A_90 = tpu.memref_slice %arg10[%add3A_8, %dma_start3A_89] : memref<10240x128xf32, #tpu.memory_space<vmem_shared>> -> memref<128x128xf32, #tpu.memory_space<vmem_shared>>
      %dma_start3A_91 = arith.constant 0 : i32
      %dma_start3A_92 = tpu.memref_slice %arg10[%add3A_8, %dma_start3A_91] : memref<10240x128xf32, #tpu.memory_space<vmem_shared>> -> memref<128x128xf32, #tpu.memory_space<vmem_shared>>
      tpu.enqueue_dma source(%arg8 : memref<128x128xf32, #tpu.memory_space<vmem>>) target(%dma_start3A_92 : memref<128x128xf32, #tpu.memory_space<vmem_shared>>) target_semaphore(%run_scoped3A : memref<!tpu.dma_semaphore, #tpu.memory_space<semaphore_mem>>)
      %dma_wait3A_93 = arith.constant 0 : i32
      %dma_wait3A_94 = tpu.memref_slice %arg10[%add3A_8, %dma_wait3A_93] : memref<10240x128xf32, #tpu.memory_space<vmem_shared>> -> memref<128x128xf32, #tpu.memory_space<vmem_shared>>
      %dma_wait3A_95 = arith.constant 0 : i32
      %dma_wait3A_96 = tpu.memref_slice %arg10[%add3A_8, %dma_wait3A_95] : memref<10240x128xf32, #tpu.memory_space<vmem_shared>> -> memref<128x128xf32, #tpu.memory_space<vmem_shared>>
      tpu.wait_dma2 semaphore(%run_scoped3A : memref<!tpu.dma_semaphore, #tpu.memory_space<semaphore_mem>>) src(%arg8 : memref<128x128xf32, #tpu.memory_space<vmem>>) dst(%dma_wait3A_96 : memref<128x128xf32, #tpu.memory_space<vmem_shared>>)
      tpu.yield
    }) : () -> ()
    %add3A_9 = arith.constant 256 : i32
    %add3A_10 = arith.addi %mul3A_4, %add3A_9 : i32
    "tpu.region"() ({
      %run_scoped3A = tpu.sem_alloc : memref<!tpu.dma_semaphore, #tpu.memory_space<semaphore_mem>>
      %dma_start3A_89 = arith.constant 0 : i32
      %dma_start3A_90 = tpu.memref_slice %arg10[%add3A_10, %dma_start3A_89] : memref<10240x128xf32, #tpu.memory_space<vmem_shared>> -> memref<128x128xf32, #tpu.memory_space<vmem_shared>>
      %dma_start3A_91 = arith.constant 0 : i32
      %dma_start3A_92 = tpu.memref_slice %arg10[%add3A_10, %dma_start3A_91] : memref<10240x128xf32, #tpu.memory_space<vmem_shared>> -> memref<128x128xf32, #tpu.memory_space<vmem_shared>>
      tpu.enqueue_dma source(%arg8 : memref<128x128xf32, #tpu.memory_space<vmem>>) target(%dma_start3A_92 : memref<128x128xf32, #tpu.memory_space<vmem_shared>>) target_semaphore(%run_scoped3A : memref<!tpu.dma_semaphore, #tpu.memory_space<semaphore_mem>>)
      %dma_wait3A_93 = arith.constant 0 : i32
      %dma_wait3A_94 = tpu.memref_slice %arg10[%add3A_10, %dma_wait3A_93] : memref<10240x128xf32, #tpu.memory_space<vmem_shared>> -> memref<128x128xf32, #tpu.memory_space<vmem_shared>>
      %dma_wait3A_95 = arith.constant 0 : i32
      %dma_wait3A_96 = tpu.memref_slice %arg10[%add3A_10, %dma_wait3A_95] : memref<10240x128xf32, #tpu.memory_space<vmem_shared>> -> memref<128x128xf32, #tpu.memory_space<vmem_shared>>
      tpu.wait_dma2 semaphore(%run_scoped3A : memref<!tpu.dma_semaphore, #tpu.memory_space<semaphore_mem>>) src(%arg8 : memref<128x128xf32, #tpu.memory_space<vmem>>) dst(%dma_wait3A_96 : memref<128x128xf32, #tpu.memory_space<vmem_shared>>)
      tpu.yield
    }) : () -> ()
    %add3A_11 = arith.constant 384 : i32
    %add3A_12 = arith.addi %mul3A_4, %add3A_11 : i32
    "tpu.region"() ({
      %run_scoped3A = tpu.sem_alloc : memref<!tpu.dma_semaphore, #tpu.memory_space<semaphore_mem>>
      %dma_start3A_89 = arith.constant 0 : i32
      %dma_start3A_90 = tpu.memref_slice %arg10[%add3A_12, %dma_start3A_89] : memref<10240x128xf32, #tpu.memory_space<vmem_shared>> -> memref<128x128xf32, #tpu.memory_space<vmem_shared>>
      %dma_start3A_91 = arith.constant 0 : i32
      %dma_start3A_92 = tpu.memref_slice %arg10[%add3A_12, %dma_start3A_91] : memref<10240x128xf32, #tpu.memory_space<vmem_shared>> -> memref<128x128xf32, #tpu.memory_space<vmem_shared>>
      tpu.enqueue_dma source(%arg8 : memref<128x128xf32, #tpu.memory_space<vmem>>) target(%dma_start3A_92 : memref<128x128xf32, #tpu.memory_space<vmem_shared>>) target_semaphore(%run_scoped3A : memref<!tpu.dma_semaphore, #tpu.memory_space<semaphore_mem>>)
      %dma_wait3A_93 = arith.constant 0 : i32
      %dma_wait3A_94 = tpu.memref_slice %arg10[%add3A_12, %dma_wait3A_93] : memref<10240x128xf32, #tpu.memory_space<vmem_shared>> -> memref<128x128xf32, #tpu.memory_space<vmem_shared>>
      %dma_wait3A_95 = arith.constant 0 : i32
      %dma_wait3A_96 = tpu.memref_slice %arg10[%add3A_12, %dma_wait3A_95] : memref<10240x128xf32, #tpu.memory_space<vmem_shared>> -> memref<128x128xf32, #tpu.memory_space<vmem_shared>>
      tpu.wait_dma2 semaphore(%run_scoped3A : memref<!tpu.dma_semaphore, #tpu.memory_space<semaphore_mem>>) src(%arg8 : memref<128x128xf32, #tpu.memory_space<vmem>>) dst(%dma_wait3A_96 : memref<128x128xf32, #tpu.memory_space<vmem_shared>>)
      tpu.yield
    }) : () -> ()
    %add3A_13 = arith.constant 512 : i32
    %add3A_14 = arith.addi %mul3A_4, %add3A_13 : i32
    "tpu.region"() ({
      %run_scoped3A = tpu.sem_alloc : memref<!tpu.dma_semaphore, #tpu.memory_space<semaphore_mem>>
      %dma_start3A_89 = arith.constant 0 : i32
      %dma_start3A_90 = tpu.memref_slice %arg10[%add3A_14, %dma_start3A_89] : memref<10240x128xf32, #tpu.memory_space<vmem_shared>> -> memref<128x128xf32, #tpu.memory_space<vmem_shared>>
      %dma_start3A_91 = arith.constant 0 : i32
      %dma_start3A_92 = tpu.memref_slice %arg10[%add3A_14, %dma_start3A_91] : memref<10240x128xf32, #tpu.memory_space<vmem_shared>> -> memref<128x128xf32, #tpu.memory_space<vmem_shared>>
      tpu.enqueue_dma source(%arg8 : memref<128x128xf32, #tpu.memory_space<vmem>>) target(%dma_start3A_92 : memref<128x128xf32, #tpu.memory_space<vmem_shared>>) target_semaphore(%run_scoped3A : memref<!tpu.dma_semaphore, #tpu.memory_space<semaphore_mem>>)
      %dma_wait3A_93 = arith.constant 0 : i32
      %dma_wait3A_94 = tpu.memref_slice %arg10[%add3A_14, %dma_wait3A_93] : memref<10240x128xf32, #tpu.memory_space<vmem_shared>> -> memref<128x128xf32, #tpu.memory_space<vmem_shared>>
      %dma_wait3A_95 = arith.constant 0 : i32
      %dma_wait3A_96 = tpu.memref_slice %arg10[%add3A_14, %dma_wait3A_95] : memref<10240x128xf32, #tpu.memory_space<vmem_shared>> -> memref<128x128xf32, #tpu.memory_space<vmem_shared>>
      tpu.wait_dma2 semaphore(%run_scoped3A : memref<!tpu.dma_semaphore, #tpu.memory_space<semaphore_mem>>) src(%arg8 : memref<128x128xf32, #tpu.memory_space<vmem>>) dst(%dma_wait3A_96 : memref<128x128xf32, #tpu.memory_space<vmem_shared>>)
      tpu.yield
    }) : () -> ()
    %barrier3A = arith.constant 0 : index
    tpu.barrier barrier_id(%barrier3A)
    %add3A_15 = arith.constant 0 : i32
    %add3A_16 = arith.addi %mul3A_2, %add3A_15 : i32
    "tpu.region"() ({
      %run_scoped3A = tpu.sem_alloc : memref<!tpu.dma_semaphore, #tpu.memory_space<semaphore_mem>>
      %dma_start3A_89 = arith.constant 0 : i32
      %dma_start3A_90 = arith.constant 0 : i32
      %dma_start3A_91 = tpu.memref_slice %arg3[%add3A_16, %dma_start3A_89, %dma_start3A_90] : memref<2560x2x128xi32, #tpu.memory_space<hbm>> -> memref<1x2x128xi32, #tpu.memory_space<hbm>>
      %dma_start3A_92 = tpu.memref_squeeze %dma_start3A_91 : memref<1x2x128xi32, #tpu.memory_space<hbm>> -> memref<2x128xi32, #tpu.memory_space<hbm>>
      %dma_start3A_93 = arith.constant 0 : i32
      %dma_start3A_94 = arith.constant 0 : i32
      %dma_start3A_95 = tpu.memref_slice %arg3[%add3A_16, %dma_start3A_93, %dma_start3A_94] : memref<2560x2x128xi32, #tpu.memory_space<hbm>> -> memref<1x2x128xi32, #tpu.memory_space<hbm>>
      %dma_start3A_96 = tpu.memref_squeeze %dma_start3A_95 : memref<1x2x128xi32, #tpu.memory_space<hbm>> -> memref<2x128xi32, #tpu.memory_space<hbm>>
      tpu.enqueue_dma source(%dma_start3A_96 : memref<2x128xi32, #tpu.memory_space<hbm>>) target(%arg6 : memref<2x128xi32, #tpu.memory_space<vmem>>) target_semaphore(%run_scoped3A : memref<!tpu.dma_semaphore, #tpu.memory_space<semaphore_mem>>)
      %dma_wait3A_97 = arith.constant 0 : i32
      %dma_wait3A_98 = arith.constant 0 : i32
      %dma_wait3A_99 = tpu.memref_slice %arg3[%add3A_16, %dma_wait3A_97, %dma_wait3A_98] : memref<2560x2x128xi32, #tpu.memory_space<hbm>> -> memref<1x2x128xi32, #tpu.memory_space<hbm>>
      %dma_wait3A_100 = tpu.memref_squeeze %dma_wait3A_99 : memref<1x2x128xi32, #tpu.memory_space<hbm>> -> memref<2x128xi32, #tpu.memory_space<hbm>>
      %dma_wait3A_101 = arith.constant 0 : i32
      %dma_wait3A_102 = arith.constant 0 : i32
      %dma_wait3A_103 = tpu.memref_slice %arg3[%add3A_16, %dma_wait3A_101, %dma_wait3A_102] : memref<2560x2x128xi32, #tpu.memory_space<hbm>> -> memref<1x2x128xi32, #tpu.memory_space<hbm>>
      %dma_wait3A_104 = tpu.memref_squeeze %dma_wait3A_103 : memref<1x2x128xi32, #tpu.memory_space<hbm>> -> memref<2x128xi32, #tpu.memory_space<hbm>>
      tpu.wait_dma2 semaphore(%run_scoped3A : memref<!tpu.dma_semaphore, #tpu.memory_space<semaphore_mem>>) src(%dma_wait3A_104 : memref<2x128xi32, #tpu.memory_space<hbm>>) dst(%arg6 : memref<2x128xi32, #tpu.memory_space<vmem>>)
      tpu.yield
    }) : () -> ()
    %dma_start3A = arith.constant 0 : i32
    %dma_start3A_17 = arith.constant 0 : i32
    %dma_start3A_18 = tpu.memref_slice %arg6[%dma_start3A, %dma_start3A_17] : memref<2x128xi32, #tpu.memory_space<vmem>> -> memref<1x128xi32, #tpu.memory_space<vmem>>
    %dma_start3A_19 = tpu.memref_squeeze %dma_start3A_18 : memref<1x128xi32, #tpu.memory_space<vmem>> -> memref<128xi32, #tpu.memory_space<vmem>>
    %dma_start3A_20 = arith.constant 0 : i32
    %dma_start3A_21 = arith.constant 0 : i32
    %dma_start3A_22 = tpu.memref_slice %arg2[%dma_start3A_20, %dma_start3A_21] : memref<10240x128xf32, #tpu.memory_space<hbm>> -> memref<10240x128xf32, #tpu.memory_space<hbm>>
    tpu.enqueue_indirect_dma source(%dma_start3A_22 : memref<10240x128xf32, #tpu.memory_space<hbm>>) target(%arg8 : memref<128x128xf32, #tpu.memory_space<vmem>>) offsets(%dma_start3A_19 : memref<128xi32, #tpu.memory_space<vmem>>) semaphore(%arg11 : memref<!tpu.dma_semaphore, #tpu.memory_space<semaphore_mem>>)
    %add3A_23 = arith.constant 1 : i32
    %add3A_24 = arith.addi %mul3A_2, %add3A_23 : i32
    "tpu.region"() ({
      %run_scoped3A = tpu.sem_alloc : memref<!tpu.dma_semaphore, #tpu.memory_space<semaphore_mem>>
      %dma_start3A_89 = arith.constant 0 : i32
      %dma_start3A_90 = arith.constant 0 : i32
      %dma_start3A_91 = tpu.memref_slice %arg3[%add3A_24, %dma_start3A_89, %dma_start3A_90] : memref<2560x2x128xi32, #tpu.memory_space<hbm>> -> memref<1x2x128xi32, #tpu.memory_space<hbm>>
      %dma_start3A_92 = tpu.memref_squeeze %dma_start3A_91 : memref<1x2x128xi32, #tpu.memory_space<hbm>> -> memref<2x128xi32, #tpu.memory_space<hbm>>
      %dma_start3A_93 = arith.constant 0 : i32
      %dma_start3A_94 = arith.constant 0 : i32
      %dma_start3A_95 = tpu.memref_slice %arg3[%add3A_24, %dma_start3A_93, %dma_start3A_94] : memref<2560x2x128xi32, #tpu.memory_space<hbm>> -> memref<1x2x128xi32, #tpu.memory_space<hbm>>
      %dma_start3A_96 = tpu.memref_squeeze %dma_start3A_95 : memref<1x2x128xi32, #tpu.memory_space<hbm>> -> memref<2x128xi32, #tpu.memory_space<hbm>>
      tpu.enqueue_dma source(%dma_start3A_96 : memref<2x128xi32, #tpu.memory_space<hbm>>) target(%arg7 : memref<2x128xi32, #tpu.memory_space<vmem>>) target_semaphore(%run_scoped3A : memref<!tpu.dma_semaphore, #tpu.memory_space<semaphore_mem>>)
      %dma_wait3A_97 = arith.constant 0 : i32
      %dma_wait3A_98 = arith.constant 0 : i32
      %dma_wait3A_99 = tpu.memref_slice %arg3[%add3A_24, %dma_wait3A_97, %dma_wait3A_98] : memref<2560x2x128xi32, #tpu.memory_space<hbm>> -> memref<1x2x128xi32, #tpu.memory_space<hbm>>
      %dma_wait3A_100 = tpu.memref_squeeze %dma_wait3A_99 : memref<1x2x128xi32, #tpu.memory_space<hbm>> -> memref<2x128xi32, #tpu.memory_space<hbm>>
      %dma_wait3A_101 = arith.constant 0 : i32
      %dma_wait3A_102 = arith.constant 0 : i32
      %dma_wait3A_103 = tpu.memref_slice %arg3[%add3A_24, %dma_wait3A_101, %dma_wait3A_102] : memref<2560x2x128xi32, #tpu.memory_space<hbm>> -> memref<1x2x128xi32, #tpu.memory_space<hbm>>
      %dma_wait3A_104 = tpu.memref_squeeze %dma_wait3A_103 : memref<1x2x128xi32, #tpu.memory_space<hbm>> -> memref<2x128xi32, #tpu.memory_space<hbm>>
      tpu.wait_dma2 semaphore(%run_scoped3A : memref<!tpu.dma_semaphore, #tpu.memory_space<semaphore_mem>>) src(%dma_wait3A_104 : memref<2x128xi32, #tpu.memory_space<hbm>>) dst(%arg7 : memref<2x128xi32, #tpu.memory_space<vmem>>)
      tpu.yield
    }) : () -> ()
    %dma_start3A_25 = arith.constant 0 : i32
    %dma_start3A_26 = arith.constant 0 : i32
    %dma_start3A_27 = tpu.memref_slice %arg7[%dma_start3A_25, %dma_start3A_26] : memref<2x128xi32, #tpu.memory_space<vmem>> -> memref<1x128xi32, #tpu.memory_space<vmem>>
    %dma_start3A_28 = tpu.memref_squeeze %dma_start3A_27 : memref<1x128xi32, #tpu.memory_space<vmem>> -> memref<128xi32, #tpu.memory_space<vmem>>
    %dma_start3A_29 = arith.constant 0 : i32
    %dma_start3A_30 = arith.constant 0 : i32
    %dma_start3A_31 = tpu.memref_slice %arg2[%dma_start3A_29, %dma_start3A_30] : memref<10240x128xf32, #tpu.memory_space<hbm>> -> memref<10240x128xf32, #tpu.memory_space<hbm>>
    tpu.enqueue_indirect_dma source(%dma_start3A_31 : memref<10240x128xf32, #tpu.memory_space<hbm>>) target(%arg9 : memref<128x128xf32, #tpu.memory_space<vmem>>) offsets(%dma_start3A_28 : memref<128xi32, #tpu.memory_space<vmem>>) semaphore(%arg12 : memref<!tpu.dma_semaphore, #tpu.memory_space<semaphore_mem>>)
    %add3A_32 = arith.constant 80 : i32
    %add3A_33 = arith.addi %mul3A_2, %add3A_32 : i32
    %sub3A = arith.constant 1 : i32
    %sub3A_34 = arith.subi %add3A_33, %sub3A : i32
    %scan3A = arith.constant 0 : i32
    %scan3A_35 = arith.constant 0 : i32
    %scan3A_36 = arith.constant 40 : i32
    %scan3A_37 = arith.addi %scan3A_35, %scan3A_36 : i32
    %scan3A_38 = arith.constant 1 : i32
    scf.for %scan3A_89 = %scan3A_35 to %scan3A_37 step %scan3A_38  : i32 {
      %mul3A_90 = arith.constant 2 : i32
      %mul3A_91 = arith.muli %mul3A_90, %scan3A_89 : i32
      %add3A_92 = arith.addi %mul3A_2, %mul3A_91 : i32
      %add3A_93 = arith.constant 0 : i32
      %add3A_94 = arith.addi %add3A_92, %add3A_93 : i32
      %dma_wait3A_95 = arith.constant 0 : i32
      %dma_wait3A_96 = arith.constant 0 : i32
      %dma_wait3A_97 = tpu.memref_slice %arg6[%dma_wait3A_95, %dma_wait3A_96] : memref<2x128xi32, #tpu.memory_space<vmem>> -> memref<1x128xi32, #tpu.memory_space<vmem>>
      %dma_wait3A_98 = tpu.memref_squeeze %dma_wait3A_97 : memref<1x128xi32, #tpu.memory_space<vmem>> -> memref<128xi32, #tpu.memory_space<vmem>>
      %dma_wait3A_99 = arith.constant 0 : i32
      %dma_wait3A_100 = arith.constant 0 : i32
      %dma_wait3A_101 = tpu.memref_slice %arg2[%dma_wait3A_99, %dma_wait3A_100] : memref<10240x128xf32, #tpu.memory_space<hbm>> -> memref<10240x128xf32, #tpu.memory_space<hbm>>
      tpu.wait_indirect_dma semaphore(%arg11 : memref<!tpu.dma_semaphore, #tpu.memory_space<semaphore_mem>>) src(%dma_wait3A_101 : memref<10240x128xf32, #tpu.memory_space<hbm>>) dst(%arg8 : memref<128x128xf32, #tpu.memory_space<vmem>>)
      %run_scoped3A = arith.constant 1 : i32
      "tpu.region"() ({
        %run_scoped3A_131 = tpu.sem_alloc : memref<!tpu.dma_semaphore, #tpu.memory_space<semaphore_mem>>
        %dma_start3A_132 = arith.constant 0 : i32
        %dma_start3A_133 = tpu.memref_slice %arg6[%run_scoped3A, %dma_start3A_132] : memref<2x128xi32, #tpu.memory_space<vmem>> -> memref<1x128xi32, #tpu.memory_space<vmem>>
        %dma_start3A_134 = tpu.memref_squeeze %dma_start3A_133 : memref<1x128xi32, #tpu.memory_space<vmem>> -> memref<128xi32, #tpu.memory_space<vmem>>
        %dma_start3A_135 = arith.constant 0 : i32
        %dma_start3A_136 = arith.constant 0 : i32
        %dma_start3A_137 = tpu.memref_slice %arg10[%dma_start3A_135, %dma_start3A_136] : memref<10240x128xf32, #tpu.memory_space<vmem_shared>> -> memref<10240x128xf32, #tpu.memory_space<vmem_shared>>
        tpu.enqueue_indirect_dma source(%arg8 : memref<128x128xf32, #tpu.memory_space<vmem>>) target(%dma_start3A_137 : memref<10240x128xf32, #tpu.memory_space<vmem_shared>>) offsets(%dma_start3A_134 : memref<128xi32, #tpu.memory_space<vmem>>) semaphore(%run_scoped3A_131 : memref<!tpu.dma_semaphore, #tpu.memory_space<semaphore_mem>>) {add = true}
        %dma_wait3A_138 = arith.constant 0 : i32
        %dma_wait3A_139 = tpu.memref_slice %arg6[%run_scoped3A, %dma_wait3A_138] : memref<2x128xi32, #tpu.memory_space<vmem>> -> memref<1x128xi32, #tpu.memory_space<vmem>>
        %dma_wait3A_140 = tpu.memref_squeeze %dma_wait3A_139 : memref<1x128xi32, #tpu.memory_space<vmem>> -> memref<128xi32, #tpu.memory_space<vmem>>
        %dma_wait3A_141 = arith.constant 0 : i32
        %dma_wait3A_142 = arith.constant 0 : i32
        %dma_wait3A_143 = tpu.memref_slice %arg10[%dma_wait3A_141, %dma_wait3A_142] : memref<10240x128xf32, #tpu.memory_space<vmem_shared>> -> memref<10240x128xf32, #tpu.memory_space<vmem_shared>>
        tpu.wait_indirect_dma semaphore(%run_scoped3A_131 : memref<!tpu.dma_semaphore, #tpu.memory_space<semaphore_mem>>) src(%arg8 : memref<128x128xf32, #tpu.memory_space<vmem>>) dst(%dma_wait3A_143 : memref<10240x128xf32, #tpu.memory_space<vmem_shared>>)
        tpu.yield
      }) : () -> ()
      %add3A_102 = arith.constant 2 : i32
      %add3A_103 = arith.addi %add3A_94, %add3A_102 : i32
      %min3A = arith.minsi %add3A_103, %sub3A_34 : i32
      "tpu.region"() ({
        %run_scoped3A_131 = tpu.sem_alloc : memref<!tpu.dma_semaphore, #tpu.memory_space<semaphore_mem>>
        %dma_start3A_132 = arith.constant 0 : i32
        %dma_start3A_133 = arith.constant 0 : i32
        %dma_start3A_134 = tpu.memref_slice %arg3[%min3A, %dma_start3A_132, %dma_start3A_133] : memref<2560x2x128xi32, #tpu.memory_space<hbm>> -> memref<1x2x128xi32, #tpu.memory_space<hbm>>
        %dma_start3A_135 = tpu.memref_squeeze %dma_start3A_134 : memref<1x2x128xi32, #tpu.memory_space<hbm>> -> memref<2x128xi32, #tpu.memory_space<hbm>>
        %dma_start3A_136 = arith.constant 0 : i32
        %dma_start3A_137 = arith.constant 0 : i32
        %dma_start3A_138 = tpu.memref_slice %arg3[%min3A, %dma_start3A_136, %dma_start3A_137] : memref<2560x2x128xi32, #tpu.memory_space<hbm>> -> memref<1x2x128xi32, #tpu.memory_space<hbm>>
        %dma_start3A_139 = tpu.memref_squeeze %dma_start3A_138 : memref<1x2x128xi32, #tpu.memory_space<hbm>> -> memref<2x128xi32, #tpu.memory_space<hbm>>
        tpu.enqueue_dma source(%dma_start3A_139 : memref<2x128xi32, #tpu.memory_space<hbm>>) target(%arg6 : memref<2x128xi32, #tpu.memory_space<vmem>>) target_semaphore(%run_scoped3A_131 : memref<!tpu.dma_semaphore, #tpu.memory_space<semaphore_mem>>)
        %dma_wait3A_140 = arith.constant 0 : i32
        %dma_wait3A_141 = arith.constant 0 : i32
        %dma_wait3A_142 = tpu.memref_slice %arg3[%min3A, %dma_wait3A_140, %dma_wait3A_141] : memref<2560x2x128xi32, #tpu.memory_space<hbm>> -> memref<1x2x128xi32, #tpu.memory_space<hbm>>
        %dma_wait3A_143 = tpu.memref_squeeze %dma_wait3A_142 : memref<1x2x128xi32, #tpu.memory_space<hbm>> -> memref<2x128xi32, #tpu.memory_space<hbm>>
        %dma_wait3A_144 = arith.constant 0 : i32
        %dma_wait3A_145 = arith.constant 0 : i32
        %dma_wait3A_146 = tpu.memref_slice %arg3[%min3A, %dma_wait3A_144, %dma_wait3A_145] : memref<2560x2x128xi32, #tpu.memory_space<hbm>> -> memref<1x2x128xi32, #tpu.memory_space<hbm>>
        %dma_wait3A_147 = tpu.memref_squeeze %dma_wait3A_146 : memref<1x2x128xi32, #tpu.memory_space<hbm>> -> memref<2x128xi32, #tpu.memory_space<hbm>>
        tpu.wait_dma2 semaphore(%run_scoped3A_131 : memref<!tpu.dma_semaphore, #tpu.memory_space<semaphore_mem>>) src(%dma_wait3A_147 : memref<2x128xi32, #tpu.memory_space<hbm>>) dst(%arg6 : memref<2x128xi32, #tpu.memory_space<vmem>>)
        tpu.yield
      }) : () -> ()
      %dma_start3A_104 = arith.constant 0 : i32
      %dma_start3A_105 = arith.constant 0 : i32
      %dma_start3A_106 = tpu.memref_slice %arg6[%dma_start3A_104, %dma_start3A_105] : memref<2x128xi32, #tpu.memory_space<vmem>> -> memref<1x128xi32, #tpu.memory_space<vmem>>
      %dma_start3A_107 = tpu.memref_squeeze %dma_start3A_106 : memref<1x128xi32, #tpu.memory_space<vmem>> -> memref<128xi32, #tpu.memory_space<vmem>>
      %dma_start3A_108 = arith.constant 0 : i32
      %dma_start3A_109 = arith.constant 0 : i32
      %dma_start3A_110 = tpu.memref_slice %arg2[%dma_start3A_108, %dma_start3A_109] : memref<10240x128xf32, #tpu.memory_space<hbm>> -> memref<10240x128xf32, #tpu.memory_space<hbm>>
      tpu.enqueue_indirect_dma source(%dma_start3A_110 : memref<10240x128xf32, #tpu.memory_space<hbm>>) target(%arg8 : memref<128x128xf32, #tpu.memory_space<vmem>>) offsets(%dma_start3A_107 : memref<128xi32, #tpu.memory_space<vmem>>) semaphore(%arg11 : memref<!tpu.dma_semaphore, #tpu.memory_space<semaphore_mem>>)
      %add3A_111 = arith.constant 1 : i32
      %add3A_112 = arith.addi %add3A_92, %add3A_111 : i32
      %dma_wait3A_113 = arith.constant 0 : i32
      %dma_wait3A_114 = arith.constant 0 : i32
      %dma_wait3A_115 = tpu.memref_slice %arg7[%dma_wait3A_113, %dma_wait3A_114] : memref<2x128xi32, #tpu.memory_space<vmem>> -> memref<1x128xi32, #tpu.memory_space<vmem>>
      %dma_wait3A_116 = tpu.memref_squeeze %dma_wait3A_115 : memref<1x128xi32, #tpu.memory_space<vmem>> -> memref<128xi32, #tpu.memory_space<vmem>>
      %dma_wait3A_117 = arith.constant 0 : i32
      %dma_wait3A_118 = arith.constant 0 : i32
      %dma_wait3A_119 = tpu.memref_slice %arg2[%dma_wait3A_117, %dma_wait3A_118] : memref<10240x128xf32, #tpu.memory_space<hbm>> -> memref<10240x128xf32, #tpu.memory_space<hbm>>
      tpu.wait_indirect_dma semaphore(%arg12 : memref<!tpu.dma_semaphore, #tpu.memory_space<semaphore_mem>>) src(%dma_wait3A_119 : memref<10240x128xf32, #tpu.memory_space<hbm>>) dst(%arg9 : memref<128x128xf32, #tpu.memory_space<vmem>>)
      %run_scoped3A_120 = arith.constant 1 : i32
      "tpu.region"() ({
        %run_scoped3A_131 = tpu.sem_alloc : memref<!tpu.dma_semaphore, #tpu.memory_space<semaphore_mem>>
        %dma_start3A_132 = arith.constant 0 : i32
        %dma_start3A_133 = tpu.memref_slice %arg7[%run_scoped3A_120, %dma_start3A_132] : memref<2x128xi32, #tpu.memory_space<vmem>> -> memref<1x128xi32, #tpu.memory_space<vmem>>
        %dma_start3A_134 = tpu.memref_squeeze %dma_start3A_133 : memref<1x128xi32, #tpu.memory_space<vmem>> -> memref<128xi32, #tpu.memory_space<vmem>>
        %dma_start3A_135 = arith.constant 0 : i32
        %dma_start3A_136 = arith.constant 0 : i32
        %dma_start3A_137 = tpu.memref_slice %arg10[%dma_start3A_135, %dma_start3A_136] : memref<10240x128xf32, #tpu.memory_space<vmem_shared>> -> memref<10240x128xf32, #tpu.memory_space<vmem_shared>>
        tpu.enqueue_indirect_dma source(%arg9 : memref<128x128xf32, #tpu.memory_space<vmem>>) target(%dma_start3A_137 : memref<10240x128xf32, #tpu.memory_space<vmem_shared>>) offsets(%dma_start3A_134 : memref<128xi32, #tpu.memory_space<vmem>>) semaphore(%run_scoped3A_131 : memref<!tpu.dma_semaphore, #tpu.memory_space<semaphore_mem>>) {add = true}
        %dma_wait3A_138 = arith.constant 0 : i32
        %dma_wait3A_139 = tpu.memref_slice %arg7[%run_scoped3A_120, %dma_wait3A_138] : memref<2x128xi32, #tpu.memory_space<vmem>> -> memref<1x128xi32, #tpu.memory_space<vmem>>
        %dma_wait3A_140 = tpu.memref_squeeze %dma_wait3A_139 : memref<1x128xi32, #tpu.memory_space<vmem>> -> memref<128xi32, #tpu.memory_space<vmem>>
        %dma_wait3A_141 = arith.constant 0 : i32
        %dma_wait3A_142 = arith.constant 0 : i32
        %dma_wait3A_143 = tpu.memref_slice %arg10[%dma_wait3A_141, %dma_wait3A_142] : memref<10240x128xf32, #tpu.memory_space<vmem_shared>> -> memref<10240x128xf32, #tpu.memory_space<vmem_shared>>
        tpu.wait_indirect_dma semaphore(%run_scoped3A_131 : memref<!tpu.dma_semaphore, #tpu.memory_space<semaphore_mem>>) src(%arg9 : memref<128x128xf32, #tpu.memory_space<vmem>>) dst(%dma_wait3A_143 : memref<10240x128xf32, #tpu.memory_space<vmem_shared>>)
        tpu.yield
      }) : () -> ()
      %add3A_121 = arith.constant 2 : i32
      %add3A_122 = arith.addi %add3A_112, %add3A_121 : i32
      %min3A_123 = arith.minsi %add3A_122, %sub3A_34 : i32
      "tpu.region"() ({
        %run_scoped3A_131 = tpu.sem_alloc : memref<!tpu.dma_semaphore, #tpu.memory_space<semaphore_mem>>
        %dma_start3A_132 = arith.constant 0 : i32
        %dma_start3A_133 = arith.constant 0 : i32
        %dma_start3A_134 = tpu.memref_slice %arg3[%min3A_123, %dma_start3A_132, %dma_start3A_133] : memref<2560x2x128xi32, #tpu.memory_space<hbm>> -> memref<1x2x128xi32, #tpu.memory_space<hbm>>
        %dma_start3A_135 = tpu.memref_squeeze %dma_start3A_134 : memref<1x2x128xi32, #tpu.memory_space<hbm>> -> memref<2x128xi32, #tpu.memory_space<hbm>>
        %dma_start3A_136 = arith.constant 0 : i32
        %dma_start3A_137 = arith.constant 0 : i32
        %dma_start3A_138 = tpu.memref_slice %arg3[%min3A_123, %dma_start3A_136, %dma_start3A_137] : memref<2560x2x128xi32, #tpu.memory_space<hbm>> -> memref<1x2x128xi32, #tpu.memory_space<hbm>>
        %dma_start3A_139 = tpu.memref_squeeze %dma_start3A_138 : memref<1x2x128xi32, #tpu.memory_space<hbm>> -> memref<2x128xi32, #tpu.memory_space<hbm>>
        tpu.enqueue_dma source(%dma_start3A_139 : memref<2x128xi32, #tpu.memory_space<hbm>>) target(%arg7 : memref<2x128xi32, #tpu.memory_space<vmem>>) target_semaphore(%run_scoped3A_131 : memref<!tpu.dma_semaphore, #tpu.memory_space<semaphore_mem>>)
        %dma_wait3A_140 = arith.constant 0 : i32
        %dma_wait3A_141 = arith.constant 0 : i32
        %dma_wait3A_142 = tpu.memref_slice %arg3[%min3A_123, %dma_wait3A_140, %dma_wait3A_141] : memref<2560x2x128xi32, #tpu.memory_space<hbm>> -> memref<1x2x128xi32, #tpu.memory_space<hbm>>
        %dma_wait3A_143 = tpu.memref_squeeze %dma_wait3A_142 : memref<1x2x128xi32, #tpu.memory_space<hbm>> -> memref<2x128xi32, #tpu.memory_space<hbm>>
        %dma_wait3A_144 = arith.constant 0 : i32
        %dma_wait3A_145 = arith.constant 0 : i32
        %dma_wait3A_146 = tpu.memref_slice %arg3[%min3A_123, %dma_wait3A_144, %dma_wait3A_145] : memref<2560x2x128xi32, #tpu.memory_space<hbm>> -> memref<1x2x128xi32, #tpu.memory_space<hbm>>
        %dma_wait3A_147 = tpu.memref_squeeze %dma_wait3A_146 : memref<1x2x128xi32, #tpu.memory_space<hbm>> -> memref<2x128xi32, #tpu.memory_space<hbm>>
        tpu.wait_dma2 semaphore(%run_scoped3A_131 : memref<!tpu.dma_semaphore, #tpu.memory_space<semaphore_mem>>) src(%dma_wait3A_147 : memref<2x128xi32, #tpu.memory_space<hbm>>) dst(%arg7 : memref<2x128xi32, #tpu.memory_space<vmem>>)
        tpu.yield
      }) : () -> ()
      %dma_start3A_124 = arith.constant 0 : i32
      %dma_start3A_125 = arith.constant 0 : i32
      %dma_start3A_126 = tpu.memref_slice %arg7[%dma_start3A_124, %dma_start3A_125] : memref<2x128xi32, #tpu.memory_space<vmem>> -> memref<1x128xi32, #tpu.memory_space<vmem>>
      %dma_start3A_127 = tpu.memref_squeeze %dma_start3A_126 : memref<1x128xi32, #tpu.memory_space<vmem>> -> memref<128xi32, #tpu.memory_space<vmem>>
      %dma_start3A_128 = arith.constant 0 : i32
      %dma_start3A_129 = arith.constant 0 : i32
      %dma_start3A_130 = tpu.memref_slice %arg2[%dma_start3A_128, %dma_start3A_129] : memref<10240x128xf32, #tpu.memory_space<hbm>> -> memref<10240x128xf32, #tpu.memory_space<hbm>>
      tpu.enqueue_indirect_dma source(%dma_start3A_130 : memref<10240x128xf32, #tpu.memory_space<hbm>>) target(%arg9 : memref<128x128xf32, #tpu.memory_space<vmem>>) offsets(%dma_start3A_127 : memref<128xi32, #tpu.memory_space<vmem>>) semaphore(%arg12 : memref<!tpu.dma_semaphore, #tpu.memory_space<semaphore_mem>>)
    }
    %scan3A_39 = arith.constant 40 : i32
    %dma_wait3A = arith.constant 0 : i32
    %dma_wait3A_40 = arith.constant 0 : i32
    %dma_wait3A_41 = tpu.memref_slice %arg6[%dma_wait3A, %dma_wait3A_40] : memref<2x128xi32, #tpu.memory_space<vmem>> -> memref<1x128xi32, #tpu.memory_space<vmem>>
    %dma_wait3A_42 = tpu.memref_squeeze %dma_wait3A_41 : memref<1x128xi32, #tpu.memory_space<vmem>> -> memref<128xi32, #tpu.memory_space<vmem>>
    %dma_wait3A_43 = arith.constant 0 : i32
    %dma_wait3A_44 = arith.constant 0 : i32
    %dma_wait3A_45 = tpu.memref_slice %arg2[%dma_wait3A_43, %dma_wait3A_44] : memref<10240x128xf32, #tpu.memory_space<hbm>> -> memref<10240x128xf32, #tpu.memory_space<hbm>>
    tpu.wait_indirect_dma semaphore(%arg11 : memref<!tpu.dma_semaphore, #tpu.memory_space<semaphore_mem>>) src(%dma_wait3A_45 : memref<10240x128xf32, #tpu.memory_space<hbm>>) dst(%arg8 : memref<128x128xf32, #tpu.memory_space<vmem>>)
    %dma_wait3A_46 = arith.constant 0 : i32
    %dma_wait3A_47 = arith.constant 0 : i32
    %dma_wait3A_48 = tpu.memref_slice %arg7[%dma_wait3A_46, %dma_wait3A_47] : memref<2x128xi32, #tpu.memory_space<vmem>> -> memref<1x128xi32, #tpu.memory_space<vmem>>
    %dma_wait3A_49 = tpu.memref_squeeze %dma_wait3A_48 : memref<1x128xi32, #tpu.memory_space<vmem>> -> memref<128xi32, #tpu.memory_space<vmem>>
    %dma_wait3A_50 = arith.constant 0 : i32
    %dma_wait3A_51 = arith.constant 0 : i32
    %dma_wait3A_52 = tpu.memref_slice %arg2[%dma_wait3A_50, %dma_wait3A_51] : memref<10240x128xf32, #tpu.memory_space<hbm>> -> memref<10240x128xf32, #tpu.memory_space<hbm>>
    tpu.wait_indirect_dma semaphore(%arg12 : memref<!tpu.dma_semaphore, #tpu.memory_space<semaphore_mem>>) src(%dma_wait3A_52 : memref<10240x128xf32, #tpu.memory_space<hbm>>) dst(%arg9 : memref<128x128xf32, #tpu.memory_space<vmem>>)
    %barrier3A_53 = arith.constant 0 : index
    tpu.barrier barrier_id(%barrier3A_53)
    %add3A_54 = arith.constant 0 : i32
    %add3A_55 = arith.addi %mul3A_4, %add3A_54 : i32
    "tpu.region"() ({
      %run_scoped3A = tpu.sem_alloc : memref<!tpu.dma_semaphore, #tpu.memory_space<semaphore_mem>>
      %dma_start3A_89 = arith.constant 0 : i32
      %dma_start3A_90 = tpu.memref_slice %arg10[%add3A_55, %dma_start3A_89] : memref<10240x128xf32, #tpu.memory_space<vmem_shared>> -> memref<128x128xf32, #tpu.memory_space<vmem_shared>>
      %dma_start3A_91 = arith.constant 0 : i32
      %dma_start3A_92 = tpu.memref_slice %arg10[%add3A_55, %dma_start3A_91] : memref<10240x128xf32, #tpu.memory_space<vmem_shared>> -> memref<128x128xf32, #tpu.memory_space<vmem_shared>>
      tpu.enqueue_dma source(%dma_start3A_92 : memref<128x128xf32, #tpu.memory_space<vmem_shared>>) target(%arg8 : memref<128x128xf32, #tpu.memory_space<vmem>>) target_semaphore(%run_scoped3A : memref<!tpu.dma_semaphore, #tpu.memory_space<semaphore_mem>>)
      %dma_wait3A_93 = arith.constant 0 : i32
      %dma_wait3A_94 = tpu.memref_slice %arg10[%add3A_55, %dma_wait3A_93] : memref<10240x128xf32, #tpu.memory_space<vmem_shared>> -> memref<128x128xf32, #tpu.memory_space<vmem_shared>>
      %dma_wait3A_95 = arith.constant 0 : i32
      %dma_wait3A_96 = tpu.memref_slice %arg10[%add3A_55, %dma_wait3A_95] : memref<10240x128xf32, #tpu.memory_space<vmem_shared>> -> memref<128x128xf32, #tpu.memory_space<vmem_shared>>
      tpu.wait_dma2 semaphore(%run_scoped3A : memref<!tpu.dma_semaphore, #tpu.memory_space<semaphore_mem>>) src(%dma_wait3A_96 : memref<128x128xf32, #tpu.memory_space<vmem_shared>>) dst(%arg8 : memref<128x128xf32, #tpu.memory_space<vmem>>)
      tpu.yield
    }) : () -> ()
    %mul3A_56 = arith.constant 10240 : i32
    %mul3A_57 = arith.muli %arg0, %mul3A_56 : i32
    %add3A_58 = arith.addi %mul3A_57, %mul3A_4 : i32
    %add3A_59 = arith.constant 0 : i32
    %add3A_60 = arith.addi %add3A_58, %add3A_59 : i32
    "tpu.region"() ({
      %run_scoped3A = tpu.sem_alloc : memref<!tpu.dma_semaphore, #tpu.memory_space<semaphore_mem>>
      %dma_start3A_89 = arith.constant 0 : i32
      %dma_start3A_90 = tpu.memref_slice %arg5[%add3A_60, %dma_start3A_89] : memref<20480x128xf32, #tpu.memory_space<hbm>> -> memref<128x128xf32, #tpu.memory_space<hbm>>
      %dma_start3A_91 = arith.constant 0 : i32
      %dma_start3A_92 = tpu.memref_slice %arg5[%add3A_60, %dma_start3A_91] : memref<20480x128xf32, #tpu.memory_space<hbm>> -> memref<128x128xf32, #tpu.memory_space<hbm>>
      tpu.enqueue_dma source(%arg8 : memref<128x128xf32, #tpu.memory_space<vmem>>) target(%dma_start3A_92 : memref<128x128xf32, #tpu.memory_space<hbm>>) target_semaphore(%run_scoped3A : memref<!tpu.dma_semaphore, #tpu.memory_space<semaphore_mem>>)
      %dma_wait3A_93 = arith.constant 0 : i32
      %dma_wait3A_94 = tpu.memref_slice %arg5[%add3A_60, %dma_wait3A_93] : memref<20480x128xf32, #tpu.memory_space<hbm>> -> memref<128x128xf32, #tpu.memory_space<hbm>>
      %dma_wait3A_95 = arith.constant 0 : i32
      %dma_wait3A_96 = tpu.memref_slice %arg5[%add3A_60, %dma_wait3A_95] : memref<20480x128xf32, #tpu.memory_space<hbm>> -> memref<128x128xf32, #tpu.memory_space<hbm>>
      tpu.wait_dma2 semaphore(%run_scoped3A : memref<!tpu.dma_semaphore, #tpu.memory_space<semaphore_mem>>) src(%arg8 : memref<128x128xf32, #tpu.memory_space<vmem>>) dst(%dma_wait3A_96 : memref<128x128xf32, #tpu.memory_space<hbm>>)
      tpu.yield
    }) : () -> ()
    %add3A_61 = arith.constant 128 : i32
    %add3A_62 = arith.addi %mul3A_4, %add3A_61 : i32
    "tpu.region"() ({
      %run_scoped3A = tpu.sem_alloc : memref<!tpu.dma_semaphore, #tpu.memory_space<semaphore_mem>>
      %dma_start3A_89 = arith.constant 0 : i32
      %dma_start3A_90 = tpu.memref_slice %arg10[%add3A_62, %dma_start3A_89] : memref<10240x128xf32, #tpu.memory_space<vmem_shared>> -> memref<128x128xf32, #tpu.memory_space<vmem_shared>>
      %dma_start3A_91 = arith.constant 0 : i32
      %dma_start3A_92 = tpu.memref_slice %arg10[%add3A_62, %dma_start3A_91] : memref<10240x128xf32, #tpu.memory_space<vmem_shared>> -> memref<128x128xf32, #tpu.memory_space<vmem_shared>>
      tpu.enqueue_dma source(%dma_start3A_92 : memref<128x128xf32, #tpu.memory_space<vmem_shared>>) target(%arg8 : memref<128x128xf32, #tpu.memory_space<vmem>>) target_semaphore(%run_scoped3A : memref<!tpu.dma_semaphore, #tpu.memory_space<semaphore_mem>>)
      %dma_wait3A_93 = arith.constant 0 : i32
      %dma_wait3A_94 = tpu.memref_slice %arg10[%add3A_62, %dma_wait3A_93] : memref<10240x128xf32, #tpu.memory_space<vmem_shared>> -> memref<128x128xf32, #tpu.memory_space<vmem_shared>>
      %dma_wait3A_95 = arith.constant 0 : i32
      %dma_wait3A_96 = tpu.memref_slice %arg10[%add3A_62, %dma_wait3A_95] : memref<10240x128xf32, #tpu.memory_space<vmem_shared>> -> memref<128x128xf32, #tpu.memory_space<vmem_shared>>
      tpu.wait_dma2 semaphore(%run_scoped3A : memref<!tpu.dma_semaphore, #tpu.memory_space<semaphore_mem>>) src(%dma_wait3A_96 : memref<128x128xf32, #tpu.memory_space<vmem_shared>>) dst(%arg8 : memref<128x128xf32, #tpu.memory_space<vmem>>)
      tpu.yield
    }) : () -> ()
    %mul3A_63 = arith.constant 10240 : i32
    %mul3A_64 = arith.muli %arg0, %mul3A_63 : i32
    %add3A_65 = arith.addi %mul3A_64, %mul3A_4 : i32
    %add3A_66 = arith.constant 128 : i32
    %add3A_67 = arith.addi %add3A_65, %add3A_66 : i32
    "tpu.region"() ({
      %run_scoped3A = tpu.sem_alloc : memref<!tpu.dma_semaphore, #tpu.memory_space<semaphore_mem>>
      %dma_start3A_89 = arith.constant 0 : i32
      %dma_start3A_90 = tpu.memref_slice %arg5[%add3A_67, %dma_start3A_89] : memref<20480x128xf32, #tpu.memory_space<hbm>> -> memref<128x128xf32, #tpu.memory_space<hbm>>
      %dma_start3A_91 = arith.constant 0 : i32
      %dma_start3A_92 = tpu.memref_slice %arg5[%add3A_67, %dma_start3A_91] : memref<20480x128xf32, #tpu.memory_space<hbm>> -> memref<128x128xf32, #tpu.memory_space<hbm>>
      tpu.enqueue_dma source(%arg8 : memref<128x128xf32, #tpu.memory_space<vmem>>) target(%dma_start3A_92 : memref<128x128xf32, #tpu.memory_space<hbm>>) target_semaphore(%run_scoped3A : memref<!tpu.dma_semaphore, #tpu.memory_space<semaphore_mem>>)
      %dma_wait3A_93 = arith.constant 0 : i32
      %dma_wait3A_94 = tpu.memref_slice %arg5[%add3A_67, %dma_wait3A_93] : memref<20480x128xf32, #tpu.memory_space<hbm>> -> memref<128x128xf32, #tpu.memory_space<hbm>>
      %dma_wait3A_95 = arith.constant 0 : i32
      %dma_wait3A_96 = tpu.memref_slice %arg5[%add3A_67, %dma_wait3A_95] : memref<20480x128xf32, #tpu.memory_space<hbm>> -> memref<128x128xf32, #tpu.memory_space<hbm>>
      tpu.wait_dma2 semaphore(%run_scoped3A : memref<!tpu.dma_semaphore, #tpu.memory_space<semaphore_mem>>) src(%arg8 : memref<128x128xf32, #tpu.memory_space<vmem>>) dst(%dma_wait3A_96 : memref<128x128xf32, #tpu.memory_space<hbm>>)
      tpu.yield
    }) : () -> ()
    %add3A_68 = arith.constant 256 : i32
    %add3A_69 = arith.addi %mul3A_4, %add3A_68 : i32
    "tpu.region"() ({
      %run_scoped3A = tpu.sem_alloc : memref<!tpu.dma_semaphore, #tpu.memory_space<semaphore_mem>>
      %dma_start3A_89 = arith.constant 0 : i32
      %dma_start3A_90 = tpu.memref_slice %arg10[%add3A_69, %dma_start3A_89] : memref<10240x128xf32, #tpu.memory_space<vmem_shared>> -> memref<128x128xf32, #tpu.memory_space<vmem_shared>>
      %dma_start3A_91 = arith.constant 0 : i32
      %dma_start3A_92 = tpu.memref_slice %arg10[%add3A_69, %dma_start3A_91] : memref<10240x128xf32, #tpu.memory_space<vmem_shared>> -> memref<128x128xf32, #tpu.memory_space<vmem_shared>>
      tpu.enqueue_dma source(%dma_start3A_92 : memref<128x128xf32, #tpu.memory_space<vmem_shared>>) target(%arg8 : memref<128x128xf32, #tpu.memory_space<vmem>>) target_semaphore(%run_scoped3A : memref<!tpu.dma_semaphore, #tpu.memory_space<semaphore_mem>>)
      %dma_wait3A_93 = arith.constant 0 : i32
      %dma_wait3A_94 = tpu.memref_slice %arg10[%add3A_69, %dma_wait3A_93] : memref<10240x128xf32, #tpu.memory_space<vmem_shared>> -> memref<128x128xf32, #tpu.memory_space<vmem_shared>>
      %dma_wait3A_95 = arith.constant 0 : i32
      %dma_wait3A_96 = tpu.memref_slice %arg10[%add3A_69, %dma_wait3A_95] : memref<10240x128xf32, #tpu.memory_space<vmem_shared>> -> memref<128x128xf32, #tpu.memory_space<vmem_shared>>
      tpu.wait_dma2 semaphore(%run_scoped3A : memref<!tpu.dma_semaphore, #tpu.memory_space<semaphore_mem>>) src(%dma_wait3A_96 : memref<128x128xf32, #tpu.memory_space<vmem_shared>>) dst(%arg8 : memref<128x128xf32, #tpu.memory_space<vmem>>)
      tpu.yield
    }) : () -> ()
    %mul3A_70 = arith.constant 10240 : i32
    %mul3A_71 = arith.muli %arg0, %mul3A_70 : i32
    %add3A_72 = arith.addi %mul3A_71, %mul3A_4 : i32
    %add3A_73 = arith.constant 256 : i32
    %add3A_74 = arith.addi %add3A_72, %add3A_73 : i32
    "tpu.region"() ({
      %run_scoped3A = tpu.sem_alloc : memref<!tpu.dma_semaphore, #tpu.memory_space<semaphore_mem>>
      %dma_start3A_89 = arith.constant 0 : i32
      %dma_start3A_90 = tpu.memref_slice %arg5[%add3A_74, %dma_start3A_89] : memref<20480x128xf32, #tpu.memory_space<hbm>> -> memref<128x128xf32, #tpu.memory_space<hbm>>
      %dma_start3A_91 = arith.constant 0 : i32
      %dma_start3A_92 = tpu.memref_slice %arg5[%add3A_74, %dma_start3A_91] : memref<20480x128xf32, #tpu.memory_space<hbm>> -> memref<128x128xf32, #tpu.memory_space<hbm>>
      tpu.enqueue_dma source(%arg8 : memref<128x128xf32, #tpu.memory_space<vmem>>) target(%dma_start3A_92 : memref<128x128xf32, #tpu.memory_space<hbm>>) target_semaphore(%run_scoped3A : memref<!tpu.dma_semaphore, #tpu.memory_space<semaphore_mem>>)
      %dma_wait3A_93 = arith.constant 0 : i32
      %dma_wait3A_94 = tpu.memref_slice %arg5[%add3A_74, %dma_wait3A_93] : memref<20480x128xf32, #tpu.memory_space<hbm>> -> memref<128x128xf32, #tpu.memory_space<hbm>>
      %dma_wait3A_95 = arith.constant 0 : i32
      %dma_wait3A_96 = tpu.memref_slice %arg5[%add3A_74, %dma_wait3A_95] : memref<20480x128xf32, #tpu.memory_space<hbm>> -> memref<128x128xf32, #tpu.memory_space<hbm>>
      tpu.wait_dma2 semaphore(%run_scoped3A : memref<!tpu.dma_semaphore, #tpu.memory_space<semaphore_mem>>) src(%arg8 : memref<128x128xf32, #tpu.memory_space<vmem>>) dst(%dma_wait3A_96 : memref<128x128xf32, #tpu.memory_space<hbm>>)
      tpu.yield
    }) : () -> ()
    %add3A_75 = arith.constant 384 : i32
    %add3A_76 = arith.addi %mul3A_4, %add3A_75 : i32
    "tpu.region"() ({
      %run_scoped3A = tpu.sem_alloc : memref<!tpu.dma_semaphore, #tpu.memory_space<semaphore_mem>>
      %dma_start3A_89 = arith.constant 0 : i32
      %dma_start3A_90 = tpu.memref_slice %arg10[%add3A_76, %dma_start3A_89] : memref<10240x128xf32, #tpu.memory_space<vmem_shared>> -> memref<128x128xf32, #tpu.memory_space<vmem_shared>>
      %dma_start3A_91 = arith.constant 0 : i32
      %dma_start3A_92 = tpu.memref_slice %arg10[%add3A_76, %dma_start3A_91] : memref<10240x128xf32, #tpu.memory_space<vmem_shared>> -> memref<128x128xf32, #tpu.memory_space<vmem_shared>>
      tpu.enqueue_dma source(%dma_start3A_92 : memref<128x128xf32, #tpu.memory_space<vmem_shared>>) target(%arg8 : memref<128x128xf32, #tpu.memory_space<vmem>>) target_semaphore(%run_scoped3A : memref<!tpu.dma_semaphore, #tpu.memory_space<semaphore_mem>>)
      %dma_wait3A_93 = arith.constant 0 : i32
      %dma_wait3A_94 = tpu.memref_slice %arg10[%add3A_76, %dma_wait3A_93] : memref<10240x128xf32, #tpu.memory_space<vmem_shared>> -> memref<128x128xf32, #tpu.memory_space<vmem_shared>>
      %dma_wait3A_95 = arith.constant 0 : i32
      %dma_wait3A_96 = tpu.memref_slice %arg10[%add3A_76, %dma_wait3A_95] : memref<10240x128xf32, #tpu.memory_space<vmem_shared>> -> memref<128x128xf32, #tpu.memory_space<vmem_shared>>
      tpu.wait_dma2 semaphore(%run_scoped3A : memref<!tpu.dma_semaphore, #tpu.memory_space<semaphore_mem>>) src(%dma_wait3A_96 : memref<128x128xf32, #tpu.memory_space<vmem_shared>>) dst(%arg8 : memref<128x128xf32, #tpu.memory_space<vmem>>)
      tpu.yield
    }) : () -> ()
    %mul3A_77 = arith.constant 10240 : i32
    %mul3A_78 = arith.muli %arg0, %mul3A_77 : i32
    %add3A_79 = arith.addi %mul3A_78, %mul3A_4 : i32
    %add3A_80 = arith.constant 384 : i32
    %add3A_81 = arith.addi %add3A_79, %add3A_80 : i32
    "tpu.region"() ({
      %run_scoped3A = tpu.sem_alloc : memref<!tpu.dma_semaphore, #tpu.memory_space<semaphore_mem>>
      %dma_start3A_89 = arith.constant 0 : i32
      %dma_start3A_90 = tpu.memref_slice %arg5[%add3A_81, %dma_start3A_89] : memref<20480x128xf32, #tpu.memory_space<hbm>> -> memref<128x128xf32, #tpu.memory_space<hbm>>
      %dma_start3A_91 = arith.constant 0 : i32
      %dma_start3A_92 = tpu.memref_slice %arg5[%add3A_81, %dma_start3A_91] : memref<20480x128xf32, #tpu.memory_space<hbm>> -> memref<128x128xf32, #tpu.memory_space<hbm>>
      tpu.enqueue_dma source(%arg8 : memref<128x128xf32, #tpu.memory_space<vmem>>) target(%dma_start3A_92 : memref<128x128xf32, #tpu.memory_space<hbm>>) target_semaphore(%run_scoped3A : memref<!tpu.dma_semaphore, #tpu.memory_space<semaphore_mem>>)
      %dma_wait3A_93 = arith.constant 0 : i32
      %dma_wait3A_94 = tpu.memref_slice %arg5[%add3A_81, %dma_wait3A_93] : memref<20480x128xf32, #tpu.memory_space<hbm>> -> memref<128x128xf32, #tpu.memory_space<hbm>>
      %dma_wait3A_95 = arith.constant 0 : i32
      %dma_wait3A_96 = tpu.memref_slice %arg5[%add3A_81, %dma_wait3A_95] : memref<20480x128xf32, #tpu.memory_space<hbm>> -> memref<128x128xf32, #tpu.memory_space<hbm>>
      tpu.wait_dma2 semaphore(%run_scoped3A : memref<!tpu.dma_semaphore, #tpu.memory_space<semaphore_mem>>) src(%arg8 : memref<128x128xf32, #tpu.memory_space<vmem>>) dst(%dma_wait3A_96 : memref<128x128xf32, #tpu.memory_space<hbm>>)
      tpu.yield
    }) : () -> ()
    %add3A_82 = arith.constant 512 : i32
    %add3A_83 = arith.addi %mul3A_4, %add3A_82 : i32
    "tpu.region"() ({
      %run_scoped3A = tpu.sem_alloc : memref<!tpu.dma_semaphore, #tpu.memory_space<semaphore_mem>>
      %dma_start3A_89 = arith.constant 0 : i32
      %dma_start3A_90 = tpu.memref_slice %arg10[%add3A_83, %dma_start3A_89] : memref<10240x128xf32, #tpu.memory_space<vmem_shared>> -> memref<128x128xf32, #tpu.memory_space<vmem_shared>>
      %dma_start3A_91 = arith.constant 0 : i32
      %dma_start3A_92 = tpu.memref_slice %arg10[%add3A_83, %dma_start3A_91] : memref<10240x128xf32, #tpu.memory_space<vmem_shared>> -> memref<128x128xf32, #tpu.memory_space<vmem_shared>>
      tpu.enqueue_dma source(%dma_start3A_92 : memref<128x128xf32, #tpu.memory_space<vmem_shared>>) target(%arg8 : memref<128x128xf32, #tpu.memory_space<vmem>>) target_semaphore(%run_scoped3A : memref<!tpu.dma_semaphore, #tpu.memory_space<semaphore_mem>>)
      %dma_wait3A_93 = arith.constant 0 : i32
      %dma_wait3A_94 = tpu.memref_slice %arg10[%add3A_83, %dma_wait3A_93] : memref<10240x128xf32, #tpu.memory_space<vmem_shared>> -> memref<128x128xf32, #tpu.memory_space<vmem_shared>>
      %dma_wait3A_95 = arith.constant 0 : i32
      %dma_wait3A_96 = tpu.memref_slice %arg10[%add3A_83, %dma_wait3A_95] : memref<10240x128xf32, #tpu.memory_space<vmem_shared>> -> memref<128x128xf32, #tpu.memory_space<vmem_shared>>
      tpu.wait_dma2 semaphore(%run_scoped3A : memref<!tpu.dma_semaphore, #tpu.memory_space<semaphore_mem>>) src(%dma_wait3A_96 : memref<128x128xf32, #tpu.memory_space<vmem_shared>>) dst(%arg8 : memref<128x128xf32, #tpu.memory_space<vmem>>)
      tpu.yield
    }) : () -> ()
    %mul3A_84 = arith.constant 10240 : i32
    %mul3A_85 = arith.muli %arg0, %mul3A_84 : i32
    %add3A_86 = arith.addi %mul3A_85, %mul3A_4 : i32
    %add3A_87 = arith.constant 512 : i32
    %add3A_88 = arith.addi %add3A_86, %add3A_87 : i32
    "tpu.region"() ({
      %run_scoped3A = tpu.sem_alloc : memref<!tpu.dma_semaphore, #tpu.memory_space<semaphore_mem>>
      %dma_start3A_89 = arith.constant 0 : i32
      %dma_start3A_90 = tpu.memref_slice %arg5[%add3A_88, %dma_start3A_89] : memref<20480x128xf32, #tpu.memory_space<hbm>> -> memref<128x128xf32, #tpu.memory_space<hbm>>
      %dma_start3A_91 = arith.constant 0 : i32
      %dma_start3A_92 = tpu.memref_slice %arg5[%add3A_88, %dma_start3A_91] : memref<20480x128xf32, #tpu.memory_space<hbm>> -> memref<128x128xf32, #tpu.memory_space<hbm>>
      tpu.enqueue_dma source(%arg8 : memref<128x128xf32, #tpu.memory_space<vmem>>) target(%dma_start3A_92 : memref<128x128xf32, #tpu.memory_space<hbm>>) target_semaphore(%run_scoped3A : memref<!tpu.dma_semaphore, #tpu.memory_space<semaphore_mem>>)
      %dma_wait3A_93 = arith.constant 0 : i32
      %dma_wait3A_94 = tpu.memref_slice %arg5[%add3A_88, %dma_wait3A_93] : memref<20480x128xf32, #tpu.memory_space<hbm>> -> memref<128x128xf32, #tpu.memory_space<hbm>>
      %dma_wait3A_95 = arith.constant 0 : i32
      %dma_wait3A_96 = tpu.memref_slice %arg5[%add3A_88, %dma_wait3A_95] : memref<20480x128xf32, #tpu.memory_space<hbm>> -> memref<128x128xf32, #tpu.memory_space<hbm>>
      tpu.wait_dma2 semaphore(%run_scoped3A : memref<!tpu.dma_semaphore, #tpu.memory_space<semaphore_mem>>) src(%arg8 : memref<128x128xf32, #tpu.memory_space<vmem>>) dst(%dma_wait3A_96 : memref<128x128xf32, #tpu.memory_space<hbm>>)
      tpu.yield
    }) : () -> ()
    return
  }
}

#map = affine_map<(d0, d1) -> (0, 0, 0)>
#map1 = affine_map<(d0, d1) -> (0, 0)>
module attributes {stable_mosaic.version = 14 : i64} {
  func.func @body(%arg0: i32, %arg1: i32, %arg2: memref<2560x2x128xi32, #tpu.memory_space<hbm>>, %arg3: memref<128x128xf32, #tpu.memory_space<hbm>>, %arg4: memref<128x128xf32, #tpu.memory_space<hbm>>, %arg5: memref<20480x128xf32, #tpu.memory_space<hbm>>, %arg6: memref<2x128xi32, #tpu.memory_space<vmem>>, %arg7: memref<2x128xi32, #tpu.memory_space<vmem>>, %arg8: memref<128x128xf32, #tpu.memory_space<vmem>>, %arg9: memref<128x128xf32, #tpu.memory_space<vmem>>, %arg10: memref<10240x128xf32, #tpu.memory_space<vmem_shared>>, %arg11: memref<!tpu.dma_semaphore, #tpu.memory_space<semaphore_mem>>, %arg12: memref<!tpu.dma_semaphore, #tpu.memory_space<semaphore_mem>>) attributes {dimension_semantics = [#tpu.dimension_semantics<core_parallel>, #tpu.dimension_semantics<subcore_parallel>], iteration_bounds = array<i64: 2, 16>, scalar_prefetch = 0 : i64, scratch_operands = 7 : i64, tpu.core_type = #tpu.core_type<sc_vector_subcore>, window_params = [{transform_indices = #map}, {transform_indices = #map1}, {transform_indices = #map1}, {transform_indices = #map1}]} {
    %mul3A = arith.constant 16 : i32
    %mul3A_0 = arith.muli %arg0, %mul3A : i32
    %add3A = arith.addi %mul3A_0, %arg1 : i32
    %mul3A_1 = arith.constant 80 : i32
    %mul3A_2 = arith.muli %add3A, %mul3A_1 : i32
    %mul3A_3 = arith.constant 640 : i32
    %mul3A_4 = arith.muli %arg1, %mul3A_3 : i32
    "tpu.region"() ({
      %run_scoped3A = tpu.sem_alloc : memref<!tpu.dma_semaphore, #tpu.memory_space<semaphore_mem>>
      tpu.enqueue_dma source(%arg3 : memref<128x128xf32, #tpu.memory_space<hbm>>) target(%arg8 : memref<128x128xf32, #tpu.memory_space<vmem>>) target_semaphore(%run_scoped3A : memref<!tpu.dma_semaphore, #tpu.memory_space<semaphore_mem>>)
      tpu.wait_dma2 semaphore(%run_scoped3A : memref<!tpu.dma_semaphore, #tpu.memory_space<semaphore_mem>>) src(%arg3 : memref<128x128xf32, #tpu.memory_space<hbm>>) dst(%arg8 : memref<128x128xf32, #tpu.memory_space<vmem>>)
      tpu.yield
    }) : () -> ()
    "tpu.region"() ({
      %run_scoped3A = tpu.sem_alloc : memref<!tpu.dma_semaphore, #tpu.memory_space<semaphore_mem>>
      tpu.enqueue_dma source(%arg4 : memref<128x128xf32, #tpu.memory_space<hbm>>) target(%arg9 : memref<128x128xf32, #tpu.memory_space<vmem>>) target_semaphore(%run_scoped3A : memref<!tpu.dma_semaphore, #tpu.memory_space<semaphore_mem>>)
      tpu.wait_dma2 semaphore(%run_scoped3A : memref<!tpu.dma_semaphore, #tpu.memory_space<semaphore_mem>>) src(%arg4 : memref<128x128xf32, #tpu.memory_space<hbm>>) dst(%arg9 : memref<128x128xf32, #tpu.memory_space<vmem>>)
      tpu.yield
    }) : () -> ()
    %add3A_5 = arith.constant 0 : i32
    %add3A_6 = arith.addi %mul3A_4, %add3A_5 : i32
    "tpu.region"() ({
      %run_scoped3A = tpu.sem_alloc : memref<!tpu.dma_semaphore, #tpu.memory_space<semaphore_mem>>
      %dma_start3A_70 = arith.constant 0 : i32
      %dma_start3A_71 = tpu.memref_slice %arg10[%add3A_6, %dma_start3A_70] : memref<10240x128xf32, #tpu.memory_space<vmem_shared>> -> memref<128x128xf32, #tpu.memory_space<vmem_shared>>
      %dma_start3A_72 = arith.constant 0 : i32
      %dma_start3A_73 = tpu.memref_slice %arg10[%add3A_6, %dma_start3A_72] : memref<10240x128xf32, #tpu.memory_space<vmem_shared>> -> memref<128x128xf32, #tpu.memory_space<vmem_shared>>
      tpu.enqueue_dma source(%arg8 : memref<128x128xf32, #tpu.memory_space<vmem>>) target(%dma_start3A_73 : memref<128x128xf32, #tpu.memory_space<vmem_shared>>) target_semaphore(%run_scoped3A : memref<!tpu.dma_semaphore, #tpu.memory_space<semaphore_mem>>)
      %dma_wait3A_74 = arith.constant 0 : i32
      %dma_wait3A_75 = tpu.memref_slice %arg10[%add3A_6, %dma_wait3A_74] : memref<10240x128xf32, #tpu.memory_space<vmem_shared>> -> memref<128x128xf32, #tpu.memory_space<vmem_shared>>
      %dma_wait3A_76 = arith.constant 0 : i32
      %dma_wait3A_77 = tpu.memref_slice %arg10[%add3A_6, %dma_wait3A_76] : memref<10240x128xf32, #tpu.memory_space<vmem_shared>> -> memref<128x128xf32, #tpu.memory_space<vmem_shared>>
      tpu.wait_dma2 semaphore(%run_scoped3A : memref<!tpu.dma_semaphore, #tpu.memory_space<semaphore_mem>>) src(%arg8 : memref<128x128xf32, #tpu.memory_space<vmem>>) dst(%dma_wait3A_77 : memref<128x128xf32, #tpu.memory_space<vmem_shared>>)
      tpu.yield
    }) : () -> ()
    %add3A_7 = arith.constant 128 : i32
    %add3A_8 = arith.addi %mul3A_4, %add3A_7 : i32
    "tpu.region"() ({
      %run_scoped3A = tpu.sem_alloc : memref<!tpu.dma_semaphore, #tpu.memory_space<semaphore_mem>>
      %dma_start3A_70 = arith.constant 0 : i32
      %dma_start3A_71 = tpu.memref_slice %arg10[%add3A_8, %dma_start3A_70] : memref<10240x128xf32, #tpu.memory_space<vmem_shared>> -> memref<128x128xf32, #tpu.memory_space<vmem_shared>>
      %dma_start3A_72 = arith.constant 0 : i32
      %dma_start3A_73 = tpu.memref_slice %arg10[%add3A_8, %dma_start3A_72] : memref<10240x128xf32, #tpu.memory_space<vmem_shared>> -> memref<128x128xf32, #tpu.memory_space<vmem_shared>>
      tpu.enqueue_dma source(%arg8 : memref<128x128xf32, #tpu.memory_space<vmem>>) target(%dma_start3A_73 : memref<128x128xf32, #tpu.memory_space<vmem_shared>>) target_semaphore(%run_scoped3A : memref<!tpu.dma_semaphore, #tpu.memory_space<semaphore_mem>>)
      %dma_wait3A_74 = arith.constant 0 : i32
      %dma_wait3A_75 = tpu.memref_slice %arg10[%add3A_8, %dma_wait3A_74] : memref<10240x128xf32, #tpu.memory_space<vmem_shared>> -> memref<128x128xf32, #tpu.memory_space<vmem_shared>>
      %dma_wait3A_76 = arith.constant 0 : i32
      %dma_wait3A_77 = tpu.memref_slice %arg10[%add3A_8, %dma_wait3A_76] : memref<10240x128xf32, #tpu.memory_space<vmem_shared>> -> memref<128x128xf32, #tpu.memory_space<vmem_shared>>
      tpu.wait_dma2 semaphore(%run_scoped3A : memref<!tpu.dma_semaphore, #tpu.memory_space<semaphore_mem>>) src(%arg8 : memref<128x128xf32, #tpu.memory_space<vmem>>) dst(%dma_wait3A_77 : memref<128x128xf32, #tpu.memory_space<vmem_shared>>)
      tpu.yield
    }) : () -> ()
    %add3A_9 = arith.constant 256 : i32
    %add3A_10 = arith.addi %mul3A_4, %add3A_9 : i32
    "tpu.region"() ({
      %run_scoped3A = tpu.sem_alloc : memref<!tpu.dma_semaphore, #tpu.memory_space<semaphore_mem>>
      %dma_start3A_70 = arith.constant 0 : i32
      %dma_start3A_71 = tpu.memref_slice %arg10[%add3A_10, %dma_start3A_70] : memref<10240x128xf32, #tpu.memory_space<vmem_shared>> -> memref<128x128xf32, #tpu.memory_space<vmem_shared>>
      %dma_start3A_72 = arith.constant 0 : i32
      %dma_start3A_73 = tpu.memref_slice %arg10[%add3A_10, %dma_start3A_72] : memref<10240x128xf32, #tpu.memory_space<vmem_shared>> -> memref<128x128xf32, #tpu.memory_space<vmem_shared>>
      tpu.enqueue_dma source(%arg8 : memref<128x128xf32, #tpu.memory_space<vmem>>) target(%dma_start3A_73 : memref<128x128xf32, #tpu.memory_space<vmem_shared>>) target_semaphore(%run_scoped3A : memref<!tpu.dma_semaphore, #tpu.memory_space<semaphore_mem>>)
      %dma_wait3A_74 = arith.constant 0 : i32
      %dma_wait3A_75 = tpu.memref_slice %arg10[%add3A_10, %dma_wait3A_74] : memref<10240x128xf32, #tpu.memory_space<vmem_shared>> -> memref<128x128xf32, #tpu.memory_space<vmem_shared>>
      %dma_wait3A_76 = arith.constant 0 : i32
      %dma_wait3A_77 = tpu.memref_slice %arg10[%add3A_10, %dma_wait3A_76] : memref<10240x128xf32, #tpu.memory_space<vmem_shared>> -> memref<128x128xf32, #tpu.memory_space<vmem_shared>>
      tpu.wait_dma2 semaphore(%run_scoped3A : memref<!tpu.dma_semaphore, #tpu.memory_space<semaphore_mem>>) src(%arg8 : memref<128x128xf32, #tpu.memory_space<vmem>>) dst(%dma_wait3A_77 : memref<128x128xf32, #tpu.memory_space<vmem_shared>>)
      tpu.yield
    }) : () -> ()
    %add3A_11 = arith.constant 384 : i32
    %add3A_12 = arith.addi %mul3A_4, %add3A_11 : i32
    "tpu.region"() ({
      %run_scoped3A = tpu.sem_alloc : memref<!tpu.dma_semaphore, #tpu.memory_space<semaphore_mem>>
      %dma_start3A_70 = arith.constant 0 : i32
      %dma_start3A_71 = tpu.memref_slice %arg10[%add3A_12, %dma_start3A_70] : memref<10240x128xf32, #tpu.memory_space<vmem_shared>> -> memref<128x128xf32, #tpu.memory_space<vmem_shared>>
      %dma_start3A_72 = arith.constant 0 : i32
      %dma_start3A_73 = tpu.memref_slice %arg10[%add3A_12, %dma_start3A_72] : memref<10240x128xf32, #tpu.memory_space<vmem_shared>> -> memref<128x128xf32, #tpu.memory_space<vmem_shared>>
      tpu.enqueue_dma source(%arg8 : memref<128x128xf32, #tpu.memory_space<vmem>>) target(%dma_start3A_73 : memref<128x128xf32, #tpu.memory_space<vmem_shared>>) target_semaphore(%run_scoped3A : memref<!tpu.dma_semaphore, #tpu.memory_space<semaphore_mem>>)
      %dma_wait3A_74 = arith.constant 0 : i32
      %dma_wait3A_75 = tpu.memref_slice %arg10[%add3A_12, %dma_wait3A_74] : memref<10240x128xf32, #tpu.memory_space<vmem_shared>> -> memref<128x128xf32, #tpu.memory_space<vmem_shared>>
      %dma_wait3A_76 = arith.constant 0 : i32
      %dma_wait3A_77 = tpu.memref_slice %arg10[%add3A_12, %dma_wait3A_76] : memref<10240x128xf32, #tpu.memory_space<vmem_shared>> -> memref<128x128xf32, #tpu.memory_space<vmem_shared>>
      tpu.wait_dma2 semaphore(%run_scoped3A : memref<!tpu.dma_semaphore, #tpu.memory_space<semaphore_mem>>) src(%arg8 : memref<128x128xf32, #tpu.memory_space<vmem>>) dst(%dma_wait3A_77 : memref<128x128xf32, #tpu.memory_space<vmem_shared>>)
      tpu.yield
    }) : () -> ()
    %add3A_13 = arith.constant 512 : i32
    %add3A_14 = arith.addi %mul3A_4, %add3A_13 : i32
    "tpu.region"() ({
      %run_scoped3A = tpu.sem_alloc : memref<!tpu.dma_semaphore, #tpu.memory_space<semaphore_mem>>
      %dma_start3A_70 = arith.constant 0 : i32
      %dma_start3A_71 = tpu.memref_slice %arg10[%add3A_14, %dma_start3A_70] : memref<10240x128xf32, #tpu.memory_space<vmem_shared>> -> memref<128x128xf32, #tpu.memory_space<vmem_shared>>
      %dma_start3A_72 = arith.constant 0 : i32
      %dma_start3A_73 = tpu.memref_slice %arg10[%add3A_14, %dma_start3A_72] : memref<10240x128xf32, #tpu.memory_space<vmem_shared>> -> memref<128x128xf32, #tpu.memory_space<vmem_shared>>
      tpu.enqueue_dma source(%arg8 : memref<128x128xf32, #tpu.memory_space<vmem>>) target(%dma_start3A_73 : memref<128x128xf32, #tpu.memory_space<vmem_shared>>) target_semaphore(%run_scoped3A : memref<!tpu.dma_semaphore, #tpu.memory_space<semaphore_mem>>)
      %dma_wait3A_74 = arith.constant 0 : i32
      %dma_wait3A_75 = tpu.memref_slice %arg10[%add3A_14, %dma_wait3A_74] : memref<10240x128xf32, #tpu.memory_space<vmem_shared>> -> memref<128x128xf32, #tpu.memory_space<vmem_shared>>
      %dma_wait3A_76 = arith.constant 0 : i32
      %dma_wait3A_77 = tpu.memref_slice %arg10[%add3A_14, %dma_wait3A_76] : memref<10240x128xf32, #tpu.memory_space<vmem_shared>> -> memref<128x128xf32, #tpu.memory_space<vmem_shared>>
      tpu.wait_dma2 semaphore(%run_scoped3A : memref<!tpu.dma_semaphore, #tpu.memory_space<semaphore_mem>>) src(%arg8 : memref<128x128xf32, #tpu.memory_space<vmem>>) dst(%dma_wait3A_77 : memref<128x128xf32, #tpu.memory_space<vmem_shared>>)
      tpu.yield
    }) : () -> ()
    %barrier3A = arith.constant 0 : index
    tpu.barrier barrier_id(%barrier3A)
    %dma_start3A = arith.constant 0 : i32
    %dma_start3A_15 = arith.constant 0 : i32
    %dma_start3A_16 = tpu.memref_slice %arg2[%mul3A_2, %dma_start3A, %dma_start3A_15] : memref<2560x2x128xi32, #tpu.memory_space<hbm>> -> memref<1x2x128xi32, #tpu.memory_space<hbm>>
    %dma_start3A_17 = tpu.memref_squeeze %dma_start3A_16 : memref<1x2x128xi32, #tpu.memory_space<hbm>> -> memref<2x128xi32, #tpu.memory_space<hbm>>
    %dma_start3A_18 = arith.constant 0 : i32
    %dma_start3A_19 = arith.constant 0 : i32
    %dma_start3A_20 = tpu.memref_slice %arg2[%mul3A_2, %dma_start3A_18, %dma_start3A_19] : memref<2560x2x128xi32, #tpu.memory_space<hbm>> -> memref<1x2x128xi32, #tpu.memory_space<hbm>>
    %dma_start3A_21 = tpu.memref_squeeze %dma_start3A_20 : memref<1x2x128xi32, #tpu.memory_space<hbm>> -> memref<2x128xi32, #tpu.memory_space<hbm>>
    tpu.enqueue_dma source(%dma_start3A_21 : memref<2x128xi32, #tpu.memory_space<hbm>>) target(%arg6 : memref<2x128xi32, #tpu.memory_space<vmem>>) target_semaphore(%arg11 : memref<!tpu.dma_semaphore, #tpu.memory_space<semaphore_mem>>)
    %scan3A = arith.constant 0 : i32
    %scan3A_22 = arith.constant 0 : i32
    %scan3A_23 = arith.constant 40 : i32
    %scan3A_24 = arith.addi %scan3A_22, %scan3A_23 : i32
    %scan3A_25 = arith.constant 1 : i32
    scf.for %scan3A_70 = %scan3A_22 to %scan3A_24 step %scan3A_25  : i32 {
      %mul3A_71 = arith.constant 2 : i32
      %mul3A_72 = arith.muli %mul3A_71, %scan3A_70 : i32
      %add3A_73 = arith.addi %mul3A_2, %mul3A_72 : i32
      %add3A_74 = arith.constant 1 : i32
      %add3A_75 = arith.addi %add3A_73, %add3A_74 : i32
      %dma_start3A_76 = arith.constant 0 : i32
      %dma_start3A_77 = arith.constant 0 : i32
      %dma_start3A_78 = tpu.memref_slice %arg2[%add3A_75, %dma_start3A_76, %dma_start3A_77] : memref<2560x2x128xi32, #tpu.memory_space<hbm>> -> memref<1x2x128xi32, #tpu.memory_space<hbm>>
      %dma_start3A_79 = tpu.memref_squeeze %dma_start3A_78 : memref<1x2x128xi32, #tpu.memory_space<hbm>> -> memref<2x128xi32, #tpu.memory_space<hbm>>
      %dma_start3A_80 = arith.constant 0 : i32
      %dma_start3A_81 = arith.constant 0 : i32
      %dma_start3A_82 = tpu.memref_slice %arg2[%add3A_75, %dma_start3A_80, %dma_start3A_81] : memref<2560x2x128xi32, #tpu.memory_space<hbm>> -> memref<1x2x128xi32, #tpu.memory_space<hbm>>
      %dma_start3A_83 = tpu.memref_squeeze %dma_start3A_82 : memref<1x2x128xi32, #tpu.memory_space<hbm>> -> memref<2x128xi32, #tpu.memory_space<hbm>>
      tpu.enqueue_dma source(%dma_start3A_83 : memref<2x128xi32, #tpu.memory_space<hbm>>) target(%arg7 : memref<2x128xi32, #tpu.memory_space<vmem>>) target_semaphore(%arg12 : memref<!tpu.dma_semaphore, #tpu.memory_space<semaphore_mem>>)
      %dma_wait3A_84 = arith.constant 0 : i32
      %dma_wait3A_85 = arith.constant 0 : i32
      %dma_wait3A_86 = tpu.memref_slice %arg2[%add3A_73, %dma_wait3A_84, %dma_wait3A_85] : memref<2560x2x128xi32, #tpu.memory_space<hbm>> -> memref<1x2x128xi32, #tpu.memory_space<hbm>>
      %dma_wait3A_87 = tpu.memref_squeeze %dma_wait3A_86 : memref<1x2x128xi32, #tpu.memory_space<hbm>> -> memref<2x128xi32, #tpu.memory_space<hbm>>
      %dma_wait3A_88 = arith.constant 0 : i32
      %dma_wait3A_89 = arith.constant 0 : i32
      %dma_wait3A_90 = tpu.memref_slice %arg2[%add3A_73, %dma_wait3A_88, %dma_wait3A_89] : memref<2560x2x128xi32, #tpu.memory_space<hbm>> -> memref<1x2x128xi32, #tpu.memory_space<hbm>>
      %dma_wait3A_91 = tpu.memref_squeeze %dma_wait3A_90 : memref<1x2x128xi32, #tpu.memory_space<hbm>> -> memref<2x128xi32, #tpu.memory_space<hbm>>
      tpu.wait_dma2 semaphore(%arg11 : memref<!tpu.dma_semaphore, #tpu.memory_space<semaphore_mem>>) src(%dma_wait3A_91 : memref<2x128xi32, #tpu.memory_space<hbm>>) dst(%arg6 : memref<2x128xi32, #tpu.memory_space<vmem>>)
      %run_scoped3A = arith.constant 1 : i32
      "tpu.region"() ({
        %run_scoped3A_116 = tpu.sem_alloc : memref<!tpu.dma_semaphore, #tpu.memory_space<semaphore_mem>>
        %dma_start3A_117 = arith.constant 0 : i32
        %dma_start3A_118 = tpu.memref_slice %arg6[%run_scoped3A, %dma_start3A_117] : memref<2x128xi32, #tpu.memory_space<vmem>> -> memref<1x128xi32, #tpu.memory_space<vmem>>
        %dma_start3A_119 = tpu.memref_squeeze %dma_start3A_118 : memref<1x128xi32, #tpu.memory_space<vmem>> -> memref<128xi32, #tpu.memory_space<vmem>>
        %dma_start3A_120 = arith.constant 0 : i32
        %dma_start3A_121 = arith.constant 0 : i32
        %dma_start3A_122 = tpu.memref_slice %arg10[%dma_start3A_120, %dma_start3A_121] : memref<10240x128xf32, #tpu.memory_space<vmem_shared>> -> memref<10240x128xf32, #tpu.memory_space<vmem_shared>>
        tpu.enqueue_indirect_dma source(%arg9 : memref<128x128xf32, #tpu.memory_space<vmem>>) target(%dma_start3A_122 : memref<10240x128xf32, #tpu.memory_space<vmem_shared>>) offsets(%dma_start3A_119 : memref<128xi32, #tpu.memory_space<vmem>>) semaphore(%run_scoped3A_116 : memref<!tpu.dma_semaphore, #tpu.memory_space<semaphore_mem>>) {add = true}
        %dma_wait3A_123 = arith.constant 0 : i32
        %dma_wait3A_124 = tpu.memref_slice %arg6[%run_scoped3A, %dma_wait3A_123] : memref<2x128xi32, #tpu.memory_space<vmem>> -> memref<1x128xi32, #tpu.memory_space<vmem>>
        %dma_wait3A_125 = tpu.memref_squeeze %dma_wait3A_124 : memref<1x128xi32, #tpu.memory_space<vmem>> -> memref<128xi32, #tpu.memory_space<vmem>>
        %dma_wait3A_126 = arith.constant 0 : i32
        %dma_wait3A_127 = arith.constant 0 : i32
        %dma_wait3A_128 = tpu.memref_slice %arg10[%dma_wait3A_126, %dma_wait3A_127] : memref<10240x128xf32, #tpu.memory_space<vmem_shared>> -> memref<10240x128xf32, #tpu.memory_space<vmem_shared>>
        tpu.wait_indirect_dma semaphore(%run_scoped3A_116 : memref<!tpu.dma_semaphore, #tpu.memory_space<semaphore_mem>>) src(%arg9 : memref<128x128xf32, #tpu.memory_space<vmem>>) dst(%dma_wait3A_128 : memref<10240x128xf32, #tpu.memory_space<vmem_shared>>)
        tpu.yield
      }) : () -> ()
      %add3A_92 = arith.constant 2 : i32
      %add3A_93 = arith.addi %add3A_73, %add3A_92 : i32
      %add3A_94 = arith.constant 80 : i32
      %add3A_95 = arith.addi %mul3A_2, %add3A_94 : i32
      %sub3A = arith.constant 1 : i32
      %sub3A_96 = arith.subi %add3A_95, %sub3A : i32
      %min3A = arith.minsi %add3A_93, %sub3A_96 : i32
      %dma_start3A_97 = arith.constant 0 : i32
      %dma_start3A_98 = arith.constant 0 : i32
      %dma_start3A_99 = tpu.memref_slice %arg2[%min3A, %dma_start3A_97, %dma_start3A_98] : memref<2560x2x128xi32, #tpu.memory_space<hbm>> -> memref<1x2x128xi32, #tpu.memory_space<hbm>>
      %dma_start3A_100 = tpu.memref_squeeze %dma_start3A_99 : memref<1x2x128xi32, #tpu.memory_space<hbm>> -> memref<2x128xi32, #tpu.memory_space<hbm>>
      %dma_start3A_101 = arith.constant 0 : i32
      %dma_start3A_102 = arith.constant 0 : i32
      %dma_start3A_103 = tpu.memref_slice %arg2[%min3A, %dma_start3A_101, %dma_start3A_102] : memref<2560x2x128xi32, #tpu.memory_space<hbm>> -> memref<1x2x128xi32, #tpu.memory_space<hbm>>
      %dma_start3A_104 = tpu.memref_squeeze %dma_start3A_103 : memref<1x2x128xi32, #tpu.memory_space<hbm>> -> memref<2x128xi32, #tpu.memory_space<hbm>>
      tpu.enqueue_dma source(%dma_start3A_104 : memref<2x128xi32, #tpu.memory_space<hbm>>) target(%arg6 : memref<2x128xi32, #tpu.memory_space<vmem>>) target_semaphore(%arg11 : memref<!tpu.dma_semaphore, #tpu.memory_space<semaphore_mem>>)
      %add3A_105 = arith.constant 1 : i32
      %add3A_106 = arith.addi %add3A_73, %add3A_105 : i32
      %dma_wait3A_107 = arith.constant 0 : i32
      %dma_wait3A_108 = arith.constant 0 : i32
      %dma_wait3A_109 = tpu.memref_slice %arg2[%add3A_106, %dma_wait3A_107, %dma_wait3A_108] : memref<2560x2x128xi32, #tpu.memory_space<hbm>> -> memref<1x2x128xi32, #tpu.memory_space<hbm>>
      %dma_wait3A_110 = tpu.memref_squeeze %dma_wait3A_109 : memref<1x2x128xi32, #tpu.memory_space<hbm>> -> memref<2x128xi32, #tpu.memory_space<hbm>>
      %dma_wait3A_111 = arith.constant 0 : i32
      %dma_wait3A_112 = arith.constant 0 : i32
      %dma_wait3A_113 = tpu.memref_slice %arg2[%add3A_106, %dma_wait3A_111, %dma_wait3A_112] : memref<2560x2x128xi32, #tpu.memory_space<hbm>> -> memref<1x2x128xi32, #tpu.memory_space<hbm>>
      %dma_wait3A_114 = tpu.memref_squeeze %dma_wait3A_113 : memref<1x2x128xi32, #tpu.memory_space<hbm>> -> memref<2x128xi32, #tpu.memory_space<hbm>>
      tpu.wait_dma2 semaphore(%arg12 : memref<!tpu.dma_semaphore, #tpu.memory_space<semaphore_mem>>) src(%dma_wait3A_114 : memref<2x128xi32, #tpu.memory_space<hbm>>) dst(%arg7 : memref<2x128xi32, #tpu.memory_space<vmem>>)
      %run_scoped3A_115 = arith.constant 1 : i32
      "tpu.region"() ({
        %run_scoped3A_116 = tpu.sem_alloc : memref<!tpu.dma_semaphore, #tpu.memory_space<semaphore_mem>>
        %dma_start3A_117 = arith.constant 0 : i32
        %dma_start3A_118 = tpu.memref_slice %arg7[%run_scoped3A_115, %dma_start3A_117] : memref<2x128xi32, #tpu.memory_space<vmem>> -> memref<1x128xi32, #tpu.memory_space<vmem>>
        %dma_start3A_119 = tpu.memref_squeeze %dma_start3A_118 : memref<1x128xi32, #tpu.memory_space<vmem>> -> memref<128xi32, #tpu.memory_space<vmem>>
        %dma_start3A_120 = arith.constant 0 : i32
        %dma_start3A_121 = arith.constant 0 : i32
        %dma_start3A_122 = tpu.memref_slice %arg10[%dma_start3A_120, %dma_start3A_121] : memref<10240x128xf32, #tpu.memory_space<vmem_shared>> -> memref<10240x128xf32, #tpu.memory_space<vmem_shared>>
        tpu.enqueue_indirect_dma source(%arg9 : memref<128x128xf32, #tpu.memory_space<vmem>>) target(%dma_start3A_122 : memref<10240x128xf32, #tpu.memory_space<vmem_shared>>) offsets(%dma_start3A_119 : memref<128xi32, #tpu.memory_space<vmem>>) semaphore(%run_scoped3A_116 : memref<!tpu.dma_semaphore, #tpu.memory_space<semaphore_mem>>) {add = true}
        %dma_wait3A_123 = arith.constant 0 : i32
        %dma_wait3A_124 = tpu.memref_slice %arg7[%run_scoped3A_115, %dma_wait3A_123] : memref<2x128xi32, #tpu.memory_space<vmem>> -> memref<1x128xi32, #tpu.memory_space<vmem>>
        %dma_wait3A_125 = tpu.memref_squeeze %dma_wait3A_124 : memref<1x128xi32, #tpu.memory_space<vmem>> -> memref<128xi32, #tpu.memory_space<vmem>>
        %dma_wait3A_126 = arith.constant 0 : i32
        %dma_wait3A_127 = arith.constant 0 : i32
        %dma_wait3A_128 = tpu.memref_slice %arg10[%dma_wait3A_126, %dma_wait3A_127] : memref<10240x128xf32, #tpu.memory_space<vmem_shared>> -> memref<10240x128xf32, #tpu.memory_space<vmem_shared>>
        tpu.wait_indirect_dma semaphore(%run_scoped3A_116 : memref<!tpu.dma_semaphore, #tpu.memory_space<semaphore_mem>>) src(%arg9 : memref<128x128xf32, #tpu.memory_space<vmem>>) dst(%dma_wait3A_128 : memref<10240x128xf32, #tpu.memory_space<vmem_shared>>)
        tpu.yield
      }) : () -> ()
    }
    %scan3A_26 = arith.constant 40 : i32
    %dma_wait3A = arith.constant 0 : i32
    %dma_wait3A_27 = arith.constant 0 : i32
    %dma_wait3A_28 = tpu.memref_slice %arg2[%mul3A_2, %dma_wait3A, %dma_wait3A_27] : memref<2560x2x128xi32, #tpu.memory_space<hbm>> -> memref<1x2x128xi32, #tpu.memory_space<hbm>>
    %dma_wait3A_29 = tpu.memref_squeeze %dma_wait3A_28 : memref<1x2x128xi32, #tpu.memory_space<hbm>> -> memref<2x128xi32, #tpu.memory_space<hbm>>
    %dma_wait3A_30 = arith.constant 0 : i32
    %dma_wait3A_31 = arith.constant 0 : i32
    %dma_wait3A_32 = tpu.memref_slice %arg2[%mul3A_2, %dma_wait3A_30, %dma_wait3A_31] : memref<2560x2x128xi32, #tpu.memory_space<hbm>> -> memref<1x2x128xi32, #tpu.memory_space<hbm>>
    %dma_wait3A_33 = tpu.memref_squeeze %dma_wait3A_32 : memref<1x2x128xi32, #tpu.memory_space<hbm>> -> memref<2x128xi32, #tpu.memory_space<hbm>>
    tpu.wait_dma2 semaphore(%arg11 : memref<!tpu.dma_semaphore, #tpu.memory_space<semaphore_mem>>) src(%dma_wait3A_33 : memref<2x128xi32, #tpu.memory_space<hbm>>) dst(%arg6 : memref<2x128xi32, #tpu.memory_space<vmem>>)
    %barrier3A_34 = arith.constant 0 : index
    tpu.barrier barrier_id(%barrier3A_34)
    %add3A_35 = arith.constant 0 : i32
    %add3A_36 = arith.addi %mul3A_4, %add3A_35 : i32
    "tpu.region"() ({
      %run_scoped3A = tpu.sem_alloc : memref<!tpu.dma_semaphore, #tpu.memory_space<semaphore_mem>>
      %dma_start3A_70 = arith.constant 0 : i32
      %dma_start3A_71 = tpu.memref_slice %arg10[%add3A_36, %dma_start3A_70] : memref<10240x128xf32, #tpu.memory_space<vmem_shared>> -> memref<128x128xf32, #tpu.memory_space<vmem_shared>>
      %dma_start3A_72 = arith.constant 0 : i32
      %dma_start3A_73 = tpu.memref_slice %arg10[%add3A_36, %dma_start3A_72] : memref<10240x128xf32, #tpu.memory_space<vmem_shared>> -> memref<128x128xf32, #tpu.memory_space<vmem_shared>>
      tpu.enqueue_dma source(%dma_start3A_73 : memref<128x128xf32, #tpu.memory_space<vmem_shared>>) target(%arg8 : memref<128x128xf32, #tpu.memory_space<vmem>>) target_semaphore(%run_scoped3A : memref<!tpu.dma_semaphore, #tpu.memory_space<semaphore_mem>>)
      %dma_wait3A_74 = arith.constant 0 : i32
      %dma_wait3A_75 = tpu.memref_slice %arg10[%add3A_36, %dma_wait3A_74] : memref<10240x128xf32, #tpu.memory_space<vmem_shared>> -> memref<128x128xf32, #tpu.memory_space<vmem_shared>>
      %dma_wait3A_76 = arith.constant 0 : i32
      %dma_wait3A_77 = tpu.memref_slice %arg10[%add3A_36, %dma_wait3A_76] : memref<10240x128xf32, #tpu.memory_space<vmem_shared>> -> memref<128x128xf32, #tpu.memory_space<vmem_shared>>
      tpu.wait_dma2 semaphore(%run_scoped3A : memref<!tpu.dma_semaphore, #tpu.memory_space<semaphore_mem>>) src(%dma_wait3A_77 : memref<128x128xf32, #tpu.memory_space<vmem_shared>>) dst(%arg8 : memref<128x128xf32, #tpu.memory_space<vmem>>)
      tpu.yield
    }) : () -> ()
    %mul3A_37 = arith.constant 10240 : i32
    %mul3A_38 = arith.muli %arg0, %mul3A_37 : i32
    %add3A_39 = arith.addi %mul3A_38, %mul3A_4 : i32
    %add3A_40 = arith.constant 0 : i32
    %add3A_41 = arith.addi %add3A_39, %add3A_40 : i32
    "tpu.region"() ({
      %run_scoped3A = tpu.sem_alloc : memref<!tpu.dma_semaphore, #tpu.memory_space<semaphore_mem>>
      %dma_start3A_70 = arith.constant 0 : i32
      %dma_start3A_71 = tpu.memref_slice %arg5[%add3A_41, %dma_start3A_70] : memref<20480x128xf32, #tpu.memory_space<hbm>> -> memref<128x128xf32, #tpu.memory_space<hbm>>
      %dma_start3A_72 = arith.constant 0 : i32
      %dma_start3A_73 = tpu.memref_slice %arg5[%add3A_41, %dma_start3A_72] : memref<20480x128xf32, #tpu.memory_space<hbm>> -> memref<128x128xf32, #tpu.memory_space<hbm>>
      tpu.enqueue_dma source(%arg8 : memref<128x128xf32, #tpu.memory_space<vmem>>) target(%dma_start3A_73 : memref<128x128xf32, #tpu.memory_space<hbm>>) target_semaphore(%run_scoped3A : memref<!tpu.dma_semaphore, #tpu.memory_space<semaphore_mem>>)
      %dma_wait3A_74 = arith.constant 0 : i32
      %dma_wait3A_75 = tpu.memref_slice %arg5[%add3A_41, %dma_wait3A_74] : memref<20480x128xf32, #tpu.memory_space<hbm>> -> memref<128x128xf32, #tpu.memory_space<hbm>>
      %dma_wait3A_76 = arith.constant 0 : i32
      %dma_wait3A_77 = tpu.memref_slice %arg5[%add3A_41, %dma_wait3A_76] : memref<20480x128xf32, #tpu.memory_space<hbm>> -> memref<128x128xf32, #tpu.memory_space<hbm>>
      tpu.wait_dma2 semaphore(%run_scoped3A : memref<!tpu.dma_semaphore, #tpu.memory_space<semaphore_mem>>) src(%arg8 : memref<128x128xf32, #tpu.memory_space<vmem>>) dst(%dma_wait3A_77 : memref<128x128xf32, #tpu.memory_space<hbm>>)
      tpu.yield
    }) : () -> ()
    %add3A_42 = arith.constant 128 : i32
    %add3A_43 = arith.addi %mul3A_4, %add3A_42 : i32
    "tpu.region"() ({
      %run_scoped3A = tpu.sem_alloc : memref<!tpu.dma_semaphore, #tpu.memory_space<semaphore_mem>>
      %dma_start3A_70 = arith.constant 0 : i32
      %dma_start3A_71 = tpu.memref_slice %arg10[%add3A_43, %dma_start3A_70] : memref<10240x128xf32, #tpu.memory_space<vmem_shared>> -> memref<128x128xf32, #tpu.memory_space<vmem_shared>>
      %dma_start3A_72 = arith.constant 0 : i32
      %dma_start3A_73 = tpu.memref_slice %arg10[%add3A_43, %dma_start3A_72] : memref<10240x128xf32, #tpu.memory_space<vmem_shared>> -> memref<128x128xf32, #tpu.memory_space<vmem_shared>>
      tpu.enqueue_dma source(%dma_start3A_73 : memref<128x128xf32, #tpu.memory_space<vmem_shared>>) target(%arg8 : memref<128x128xf32, #tpu.memory_space<vmem>>) target_semaphore(%run_scoped3A : memref<!tpu.dma_semaphore, #tpu.memory_space<semaphore_mem>>)
      %dma_wait3A_74 = arith.constant 0 : i32
      %dma_wait3A_75 = tpu.memref_slice %arg10[%add3A_43, %dma_wait3A_74] : memref<10240x128xf32, #tpu.memory_space<vmem_shared>> -> memref<128x128xf32, #tpu.memory_space<vmem_shared>>
      %dma_wait3A_76 = arith.constant 0 : i32
      %dma_wait3A_77 = tpu.memref_slice %arg10[%add3A_43, %dma_wait3A_76] : memref<10240x128xf32, #tpu.memory_space<vmem_shared>> -> memref<128x128xf32, #tpu.memory_space<vmem_shared>>
      tpu.wait_dma2 semaphore(%run_scoped3A : memref<!tpu.dma_semaphore, #tpu.memory_space<semaphore_mem>>) src(%dma_wait3A_77 : memref<128x128xf32, #tpu.memory_space<vmem_shared>>) dst(%arg8 : memref<128x128xf32, #tpu.memory_space<vmem>>)
      tpu.yield
    }) : () -> ()
    %mul3A_44 = arith.constant 10240 : i32
    %mul3A_45 = arith.muli %arg0, %mul3A_44 : i32
    %add3A_46 = arith.addi %mul3A_45, %mul3A_4 : i32
    %add3A_47 = arith.constant 128 : i32
    %add3A_48 = arith.addi %add3A_46, %add3A_47 : i32
    "tpu.region"() ({
      %run_scoped3A = tpu.sem_alloc : memref<!tpu.dma_semaphore, #tpu.memory_space<semaphore_mem>>
      %dma_start3A_70 = arith.constant 0 : i32
      %dma_start3A_71 = tpu.memref_slice %arg5[%add3A_48, %dma_start3A_70] : memref<20480x128xf32, #tpu.memory_space<hbm>> -> memref<128x128xf32, #tpu.memory_space<hbm>>
      %dma_start3A_72 = arith.constant 0 : i32
      %dma_start3A_73 = tpu.memref_slice %arg5[%add3A_48, %dma_start3A_72] : memref<20480x128xf32, #tpu.memory_space<hbm>> -> memref<128x128xf32, #tpu.memory_space<hbm>>
      tpu.enqueue_dma source(%arg8 : memref<128x128xf32, #tpu.memory_space<vmem>>) target(%dma_start3A_73 : memref<128x128xf32, #tpu.memory_space<hbm>>) target_semaphore(%run_scoped3A : memref<!tpu.dma_semaphore, #tpu.memory_space<semaphore_mem>>)
      %dma_wait3A_74 = arith.constant 0 : i32
      %dma_wait3A_75 = tpu.memref_slice %arg5[%add3A_48, %dma_wait3A_74] : memref<20480x128xf32, #tpu.memory_space<hbm>> -> memref<128x128xf32, #tpu.memory_space<hbm>>
      %dma_wait3A_76 = arith.constant 0 : i32
      %dma_wait3A_77 = tpu.memref_slice %arg5[%add3A_48, %dma_wait3A_76] : memref<20480x128xf32, #tpu.memory_space<hbm>> -> memref<128x128xf32, #tpu.memory_space<hbm>>
      tpu.wait_dma2 semaphore(%run_scoped3A : memref<!tpu.dma_semaphore, #tpu.memory_space<semaphore_mem>>) src(%arg8 : memref<128x128xf32, #tpu.memory_space<vmem>>) dst(%dma_wait3A_77 : memref<128x128xf32, #tpu.memory_space<hbm>>)
      tpu.yield
    }) : () -> ()
    %add3A_49 = arith.constant 256 : i32
    %add3A_50 = arith.addi %mul3A_4, %add3A_49 : i32
    "tpu.region"() ({
      %run_scoped3A = tpu.sem_alloc : memref<!tpu.dma_semaphore, #tpu.memory_space<semaphore_mem>>
      %dma_start3A_70 = arith.constant 0 : i32
      %dma_start3A_71 = tpu.memref_slice %arg10[%add3A_50, %dma_start3A_70] : memref<10240x128xf32, #tpu.memory_space<vmem_shared>> -> memref<128x128xf32, #tpu.memory_space<vmem_shared>>
      %dma_start3A_72 = arith.constant 0 : i32
      %dma_start3A_73 = tpu.memref_slice %arg10[%add3A_50, %dma_start3A_72] : memref<10240x128xf32, #tpu.memory_space<vmem_shared>> -> memref<128x128xf32, #tpu.memory_space<vmem_shared>>
      tpu.enqueue_dma source(%dma_start3A_73 : memref<128x128xf32, #tpu.memory_space<vmem_shared>>) target(%arg8 : memref<128x128xf32, #tpu.memory_space<vmem>>) target_semaphore(%run_scoped3A : memref<!tpu.dma_semaphore, #tpu.memory_space<semaphore_mem>>)
      %dma_wait3A_74 = arith.constant 0 : i32
      %dma_wait3A_75 = tpu.memref_slice %arg10[%add3A_50, %dma_wait3A_74] : memref<10240x128xf32, #tpu.memory_space<vmem_shared>> -> memref<128x128xf32, #tpu.memory_space<vmem_shared>>
      %dma_wait3A_76 = arith.constant 0 : i32
      %dma_wait3A_77 = tpu.memref_slice %arg10[%add3A_50, %dma_wait3A_76] : memref<10240x128xf32, #tpu.memory_space<vmem_shared>> -> memref<128x128xf32, #tpu.memory_space<vmem_shared>>
      tpu.wait_dma2 semaphore(%run_scoped3A : memref<!tpu.dma_semaphore, #tpu.memory_space<semaphore_mem>>) src(%dma_wait3A_77 : memref<128x128xf32, #tpu.memory_space<vmem_shared>>) dst(%arg8 : memref<128x128xf32, #tpu.memory_space<vmem>>)
      tpu.yield
    }) : () -> ()
    %mul3A_51 = arith.constant 10240 : i32
    %mul3A_52 = arith.muli %arg0, %mul3A_51 : i32
    %add3A_53 = arith.addi %mul3A_52, %mul3A_4 : i32
    %add3A_54 = arith.constant 256 : i32
    %add3A_55 = arith.addi %add3A_53, %add3A_54 : i32
    "tpu.region"() ({
      %run_scoped3A = tpu.sem_alloc : memref<!tpu.dma_semaphore, #tpu.memory_space<semaphore_mem>>
      %dma_start3A_70 = arith.constant 0 : i32
      %dma_start3A_71 = tpu.memref_slice %arg5[%add3A_55, %dma_start3A_70] : memref<20480x128xf32, #tpu.memory_space<hbm>> -> memref<128x128xf32, #tpu.memory_space<hbm>>
      %dma_start3A_72 = arith.constant 0 : i32
      %dma_start3A_73 = tpu.memref_slice %arg5[%add3A_55, %dma_start3A_72] : memref<20480x128xf32, #tpu.memory_space<hbm>> -> memref<128x128xf32, #tpu.memory_space<hbm>>
      tpu.enqueue_dma source(%arg8 : memref<128x128xf32, #tpu.memory_space<vmem>>) target(%dma_start3A_73 : memref<128x128xf32, #tpu.memory_space<hbm>>) target_semaphore(%run_scoped3A : memref<!tpu.dma_semaphore, #tpu.memory_space<semaphore_mem>>)
      %dma_wait3A_74 = arith.constant 0 : i32
      %dma_wait3A_75 = tpu.memref_slice %arg5[%add3A_55, %dma_wait3A_74] : memref<20480x128xf32, #tpu.memory_space<hbm>> -> memref<128x128xf32, #tpu.memory_space<hbm>>
      %dma_wait3A_76 = arith.constant 0 : i32
      %dma_wait3A_77 = tpu.memref_slice %arg5[%add3A_55, %dma_wait3A_76] : memref<20480x128xf32, #tpu.memory_space<hbm>> -> memref<128x128xf32, #tpu.memory_space<hbm>>
      tpu.wait_dma2 semaphore(%run_scoped3A : memref<!tpu.dma_semaphore, #tpu.memory_space<semaphore_mem>>) src(%arg8 : memref<128x128xf32, #tpu.memory_space<vmem>>) dst(%dma_wait3A_77 : memref<128x128xf32, #tpu.memory_space<hbm>>)
      tpu.yield
    }) : () -> ()
    %add3A_56 = arith.constant 384 : i32
    %add3A_57 = arith.addi %mul3A_4, %add3A_56 : i32
    "tpu.region"() ({
      %run_scoped3A = tpu.sem_alloc : memref<!tpu.dma_semaphore, #tpu.memory_space<semaphore_mem>>
      %dma_start3A_70 = arith.constant 0 : i32
      %dma_start3A_71 = tpu.memref_slice %arg10[%add3A_57, %dma_start3A_70] : memref<10240x128xf32, #tpu.memory_space<vmem_shared>> -> memref<128x128xf32, #tpu.memory_space<vmem_shared>>
      %dma_start3A_72 = arith.constant 0 : i32
      %dma_start3A_73 = tpu.memref_slice %arg10[%add3A_57, %dma_start3A_72] : memref<10240x128xf32, #tpu.memory_space<vmem_shared>> -> memref<128x128xf32, #tpu.memory_space<vmem_shared>>
      tpu.enqueue_dma source(%dma_start3A_73 : memref<128x128xf32, #tpu.memory_space<vmem_shared>>) target(%arg8 : memref<128x128xf32, #tpu.memory_space<vmem>>) target_semaphore(%run_scoped3A : memref<!tpu.dma_semaphore, #tpu.memory_space<semaphore_mem>>)
      %dma_wait3A_74 = arith.constant 0 : i32
      %dma_wait3A_75 = tpu.memref_slice %arg10[%add3A_57, %dma_wait3A_74] : memref<10240x128xf32, #tpu.memory_space<vmem_shared>> -> memref<128x128xf32, #tpu.memory_space<vmem_shared>>
      %dma_wait3A_76 = arith.constant 0 : i32
      %dma_wait3A_77 = tpu.memref_slice %arg10[%add3A_57, %dma_wait3A_76] : memref<10240x128xf32, #tpu.memory_space<vmem_shared>> -> memref<128x128xf32, #tpu.memory_space<vmem_shared>>
      tpu.wait_dma2 semaphore(%run_scoped3A : memref<!tpu.dma_semaphore, #tpu.memory_space<semaphore_mem>>) src(%dma_wait3A_77 : memref<128x128xf32, #tpu.memory_space<vmem_shared>>) dst(%arg8 : memref<128x128xf32, #tpu.memory_space<vmem>>)
      tpu.yield
    }) : () -> ()
    %mul3A_58 = arith.constant 10240 : i32
    %mul3A_59 = arith.muli %arg0, %mul3A_58 : i32
    %add3A_60 = arith.addi %mul3A_59, %mul3A_4 : i32
    %add3A_61 = arith.constant 384 : i32
    %add3A_62 = arith.addi %add3A_60, %add3A_61 : i32
    "tpu.region"() ({
      %run_scoped3A = tpu.sem_alloc : memref<!tpu.dma_semaphore, #tpu.memory_space<semaphore_mem>>
      %dma_start3A_70 = arith.constant 0 : i32
      %dma_start3A_71 = tpu.memref_slice %arg5[%add3A_62, %dma_start3A_70] : memref<20480x128xf32, #tpu.memory_space<hbm>> -> memref<128x128xf32, #tpu.memory_space<hbm>>
      %dma_start3A_72 = arith.constant 0 : i32
      %dma_start3A_73 = tpu.memref_slice %arg5[%add3A_62, %dma_start3A_72] : memref<20480x128xf32, #tpu.memory_space<hbm>> -> memref<128x128xf32, #tpu.memory_space<hbm>>
      tpu.enqueue_dma source(%arg8 : memref<128x128xf32, #tpu.memory_space<vmem>>) target(%dma_start3A_73 : memref<128x128xf32, #tpu.memory_space<hbm>>) target_semaphore(%run_scoped3A : memref<!tpu.dma_semaphore, #tpu.memory_space<semaphore_mem>>)
      %dma_wait3A_74 = arith.constant 0 : i32
      %dma_wait3A_75 = tpu.memref_slice %arg5[%add3A_62, %dma_wait3A_74] : memref<20480x128xf32, #tpu.memory_space<hbm>> -> memref<128x128xf32, #tpu.memory_space<hbm>>
      %dma_wait3A_76 = arith.constant 0 : i32
      %dma_wait3A_77 = tpu.memref_slice %arg5[%add3A_62, %dma_wait3A_76] : memref<20480x128xf32, #tpu.memory_space<hbm>> -> memref<128x128xf32, #tpu.memory_space<hbm>>
      tpu.wait_dma2 semaphore(%run_scoped3A : memref<!tpu.dma_semaphore, #tpu.memory_space<semaphore_mem>>) src(%arg8 : memref<128x128xf32, #tpu.memory_space<vmem>>) dst(%dma_wait3A_77 : memref<128x128xf32, #tpu.memory_space<hbm>>)
      tpu.yield
    }) : () -> ()
    %add3A_63 = arith.constant 512 : i32
    %add3A_64 = arith.addi %mul3A_4, %add3A_63 : i32
    "tpu.region"() ({
      %run_scoped3A = tpu.sem_alloc : memref<!tpu.dma_semaphore, #tpu.memory_space<semaphore_mem>>
      %dma_start3A_70 = arith.constant 0 : i32
      %dma_start3A_71 = tpu.memref_slice %arg10[%add3A_64, %dma_start3A_70] : memref<10240x128xf32, #tpu.memory_space<vmem_shared>> -> memref<128x128xf32, #tpu.memory_space<vmem_shared>>
      %dma_start3A_72 = arith.constant 0 : i32
      %dma_start3A_73 = tpu.memref_slice %arg10[%add3A_64, %dma_start3A_72] : memref<10240x128xf32, #tpu.memory_space<vmem_shared>> -> memref<128x128xf32, #tpu.memory_space<vmem_shared>>
      tpu.enqueue_dma source(%dma_start3A_73 : memref<128x128xf32, #tpu.memory_space<vmem_shared>>) target(%arg8 : memref<128x128xf32, #tpu.memory_space<vmem>>) target_semaphore(%run_scoped3A : memref<!tpu.dma_semaphore, #tpu.memory_space<semaphore_mem>>)
      %dma_wait3A_74 = arith.constant 0 : i32
      %dma_wait3A_75 = tpu.memref_slice %arg10[%add3A_64, %dma_wait3A_74] : memref<10240x128xf32, #tpu.memory_space<vmem_shared>> -> memref<128x128xf32, #tpu.memory_space<vmem_shared>>
      %dma_wait3A_76 = arith.constant 0 : i32
      %dma_wait3A_77 = tpu.memref_slice %arg10[%add3A_64, %dma_wait3A_76] : memref<10240x128xf32, #tpu.memory_space<vmem_shared>> -> memref<128x128xf32, #tpu.memory_space<vmem_shared>>
      tpu.wait_dma2 semaphore(%run_scoped3A : memref<!tpu.dma_semaphore, #tpu.memory_space<semaphore_mem>>) src(%dma_wait3A_77 : memref<128x128xf32, #tpu.memory_space<vmem_shared>>) dst(%arg8 : memref<128x128xf32, #tpu.memory_space<vmem>>)
      tpu.yield
    }) : () -> ()
    %mul3A_65 = arith.constant 10240 : i32
    %mul3A_66 = arith.muli %arg0, %mul3A_65 : i32
    %add3A_67 = arith.addi %mul3A_66, %mul3A_4 : i32
    %add3A_68 = arith.constant 512 : i32
    %add3A_69 = arith.addi %add3A_67, %add3A_68 : i32
    "tpu.region"() ({
      %run_scoped3A = tpu.sem_alloc : memref<!tpu.dma_semaphore, #tpu.memory_space<semaphore_mem>>
      %dma_start3A_70 = arith.constant 0 : i32
      %dma_start3A_71 = tpu.memref_slice %arg5[%add3A_69, %dma_start3A_70] : memref<20480x128xf32, #tpu.memory_space<hbm>> -> memref<128x128xf32, #tpu.memory_space<hbm>>
      %dma_start3A_72 = arith.constant 0 : i32
      %dma_start3A_73 = tpu.memref_slice %arg5[%add3A_69, %dma_start3A_72] : memref<20480x128xf32, #tpu.memory_space<hbm>> -> memref<128x128xf32, #tpu.memory_space<hbm>>
      tpu.enqueue_dma source(%arg8 : memref<128x128xf32, #tpu.memory_space<vmem>>) target(%dma_start3A_73 : memref<128x128xf32, #tpu.memory_space<hbm>>) target_semaphore(%run_scoped3A : memref<!tpu.dma_semaphore, #tpu.memory_space<semaphore_mem>>)
      %dma_wait3A_74 = arith.constant 0 : i32
      %dma_wait3A_75 = tpu.memref_slice %arg5[%add3A_69, %dma_wait3A_74] : memref<20480x128xf32, #tpu.memory_space<hbm>> -> memref<128x128xf32, #tpu.memory_space<hbm>>
      %dma_wait3A_76 = arith.constant 0 : i32
      %dma_wait3A_77 = tpu.memref_slice %arg5[%add3A_69, %dma_wait3A_76] : memref<20480x128xf32, #tpu.memory_space<hbm>> -> memref<128x128xf32, #tpu.memory_space<hbm>>
      tpu.wait_dma2 semaphore(%run_scoped3A : memref<!tpu.dma_semaphore, #tpu.memory_space<semaphore_mem>>) src(%arg8 : memref<128x128xf32, #tpu.memory_space<vmem>>) dst(%dma_wait3A_77 : memref<128x128xf32, #tpu.memory_space<hbm>>)
      tpu.yield
    }) : () -> ()
    return
  }
}

#map = affine_map<(d0, d1) -> (0, 0)>
#map1 = affine_map<(d0, d1) -> (0, 0, 0)>
module attributes {stable_mosaic.version = 14 : i64} {
  func.func @body(%arg0: i32, %arg1: i32, %arg2: memref<10240x128xf32, #tpu.memory_space<hbm>>, %arg3: memref<2560x2x128xi32, #tpu.memory_space<hbm>>, %arg4: memref<128x128xf32, #tpu.memory_space<hbm>>, %arg5: memref<20480x128xf32, #tpu.memory_space<hbm>>, %arg6: memref<2x128xi32, #tpu.memory_space<vmem>>, %arg7: memref<2x128xi32, #tpu.memory_space<vmem>>, %arg8: memref<128x128xf32, #tpu.memory_space<vmem>>, %arg9: memref<128x128xf32, #tpu.memory_space<vmem>>, %arg10: memref<10240x128xf32, #tpu.memory_space<vmem_shared>>, %arg11: memref<!tpu.dma_semaphore, #tpu.memory_space<semaphore_mem>>, %arg12: memref<!tpu.dma_semaphore, #tpu.memory_space<semaphore_mem>>) attributes {dimension_semantics = [#tpu.dimension_semantics<core_parallel>, #tpu.dimension_semantics<subcore_parallel>], iteration_bounds = array<i64: 2, 16>, scalar_prefetch = 0 : i64, scratch_operands = 7 : i64, tpu.core_type = #tpu.core_type<sc_vector_subcore>, window_params = [{transform_indices = #map}, {transform_indices = #map1}, {transform_indices = #map}, {transform_indices = #map}]} {
    %mul3A = arith.constant 16 : i32
    %mul3A_0 = arith.muli %arg0, %mul3A : i32
    %add3A = arith.addi %mul3A_0, %arg1 : i32
    %mul3A_1 = arith.constant 80 : i32
    %mul3A_2 = arith.muli %add3A, %mul3A_1 : i32
    %mul3A_3 = arith.constant 640 : i32
    %mul3A_4 = arith.muli %arg1, %mul3A_3 : i32
    "tpu.region"() ({
      %run_scoped3A = tpu.sem_alloc : memref<!tpu.dma_semaphore, #tpu.memory_space<semaphore_mem>>
      tpu.enqueue_dma source(%arg4 : memref<128x128xf32, #tpu.memory_space<hbm>>) target(%arg8 : memref<128x128xf32, #tpu.memory_space<vmem>>) target_semaphore(%run_scoped3A : memref<!tpu.dma_semaphore, #tpu.memory_space<semaphore_mem>>)
      tpu.wait_dma2 semaphore(%run_scoped3A : memref<!tpu.dma_semaphore, #tpu.memory_space<semaphore_mem>>) src(%arg4 : memref<128x128xf32, #tpu.memory_space<hbm>>) dst(%arg8 : memref<128x128xf32, #tpu.memory_space<vmem>>)
      tpu.yield
    }) : () -> ()
    %add3A_5 = arith.constant 0 : i32
    %add3A_6 = arith.addi %mul3A_4, %add3A_5 : i32
    "tpu.region"() ({
      %run_scoped3A = tpu.sem_alloc : memref<!tpu.dma_semaphore, #tpu.memory_space<semaphore_mem>>
      %dma_start3A_89 = arith.constant 0 : i32
      %dma_start3A_90 = tpu.memref_slice %arg10[%add3A_6, %dma_start3A_89] : memref<10240x128xf32, #tpu.memory_space<vmem_shared>> -> memref<128x128xf32, #tpu.memory_space<vmem_shared>>
      %dma_start3A_91 = arith.constant 0 : i32
      %dma_start3A_92 = tpu.memref_slice %arg10[%add3A_6, %dma_start3A_91] : memref<10240x128xf32, #tpu.memory_space<vmem_shared>> -> memref<128x128xf32, #tpu.memory_space<vmem_shared>>
      tpu.enqueue_dma source(%arg8 : memref<128x128xf32, #tpu.memory_space<vmem>>) target(%dma_start3A_92 : memref<128x128xf32, #tpu.memory_space<vmem_shared>>) target_semaphore(%run_scoped3A : memref<!tpu.dma_semaphore, #tpu.memory_space<semaphore_mem>>)
      %dma_wait3A_93 = arith.constant 0 : i32
      %dma_wait3A_94 = tpu.memref_slice %arg10[%add3A_6, %dma_wait3A_93] : memref<10240x128xf32, #tpu.memory_space<vmem_shared>> -> memref<128x128xf32, #tpu.memory_space<vmem_shared>>
      %dma_wait3A_95 = arith.constant 0 : i32
      %dma_wait3A_96 = tpu.memref_slice %arg10[%add3A_6, %dma_wait3A_95] : memref<10240x128xf32, #tpu.memory_space<vmem_shared>> -> memref<128x128xf32, #tpu.memory_space<vmem_shared>>
      tpu.wait_dma2 semaphore(%run_scoped3A : memref<!tpu.dma_semaphore, #tpu.memory_space<semaphore_mem>>) src(%arg8 : memref<128x128xf32, #tpu.memory_space<vmem>>) dst(%dma_wait3A_96 : memref<128x128xf32, #tpu.memory_space<vmem_shared>>)
      tpu.yield
    }) : () -> ()
    %add3A_7 = arith.constant 128 : i32
    %add3A_8 = arith.addi %mul3A_4, %add3A_7 : i32
    "tpu.region"() ({
      %run_scoped3A = tpu.sem_alloc : memref<!tpu.dma_semaphore, #tpu.memory_space<semaphore_mem>>
      %dma_start3A_89 = arith.constant 0 : i32
      %dma_start3A_90 = tpu.memref_slice %arg10[%add3A_8, %dma_start3A_89] : memref<10240x128xf32, #tpu.memory_space<vmem_shared>> -> memref<128x128xf32, #tpu.memory_space<vmem_shared>>
      %dma_start3A_91 = arith.constant 0 : i32
      %dma_start3A_92 = tpu.memref_slice %arg10[%add3A_8, %dma_start3A_91] : memref<10240x128xf32, #tpu.memory_space<vmem_shared>> -> memref<128x128xf32, #tpu.memory_space<vmem_shared>>
      tpu.enqueue_dma source(%arg8 : memref<128x128xf32, #tpu.memory_space<vmem>>) target(%dma_start3A_92 : memref<128x128xf32, #tpu.memory_space<vmem_shared>>) target_semaphore(%run_scoped3A : memref<!tpu.dma_semaphore, #tpu.memory_space<semaphore_mem>>)
      %dma_wait3A_93 = arith.constant 0 : i32
      %dma_wait3A_94 = tpu.memref_slice %arg10[%add3A_8, %dma_wait3A_93] : memref<10240x128xf32, #tpu.memory_space<vmem_shared>> -> memref<128x128xf32, #tpu.memory_space<vmem_shared>>
      %dma_wait3A_95 = arith.constant 0 : i32
      %dma_wait3A_96 = tpu.memref_slice %arg10[%add3A_8, %dma_wait3A_95] : memref<10240x128xf32, #tpu.memory_space<vmem_shared>> -> memref<128x128xf32, #tpu.memory_space<vmem_shared>>
      tpu.wait_dma2 semaphore(%run_scoped3A : memref<!tpu.dma_semaphore, #tpu.memory_space<semaphore_mem>>) src(%arg8 : memref<128x128xf32, #tpu.memory_space<vmem>>) dst(%dma_wait3A_96 : memref<128x128xf32, #tpu.memory_space<vmem_shared>>)
      tpu.yield
    }) : () -> ()
    %add3A_9 = arith.constant 256 : i32
    %add3A_10 = arith.addi %mul3A_4, %add3A_9 : i32
    "tpu.region"() ({
      %run_scoped3A = tpu.sem_alloc : memref<!tpu.dma_semaphore, #tpu.memory_space<semaphore_mem>>
      %dma_start3A_89 = arith.constant 0 : i32
      %dma_start3A_90 = tpu.memref_slice %arg10[%add3A_10, %dma_start3A_89] : memref<10240x128xf32, #tpu.memory_space<vmem_shared>> -> memref<128x128xf32, #tpu.memory_space<vmem_shared>>
      %dma_start3A_91 = arith.constant 0 : i32
      %dma_start3A_92 = tpu.memref_slice %arg10[%add3A_10, %dma_start3A_91] : memref<10240x128xf32, #tpu.memory_space<vmem_shared>> -> memref<128x128xf32, #tpu.memory_space<vmem_shared>>
      tpu.enqueue_dma source(%arg8 : memref<128x128xf32, #tpu.memory_space<vmem>>) target(%dma_start3A_92 : memref<128x128xf32, #tpu.memory_space<vmem_shared>>) target_semaphore(%run_scoped3A : memref<!tpu.dma_semaphore, #tpu.memory_space<semaphore_mem>>)
      %dma_wait3A_93 = arith.constant 0 : i32
      %dma_wait3A_94 = tpu.memref_slice %arg10[%add3A_10, %dma_wait3A_93] : memref<10240x128xf32, #tpu.memory_space<vmem_shared>> -> memref<128x128xf32, #tpu.memory_space<vmem_shared>>
      %dma_wait3A_95 = arith.constant 0 : i32
      %dma_wait3A_96 = tpu.memref_slice %arg10[%add3A_10, %dma_wait3A_95] : memref<10240x128xf32, #tpu.memory_space<vmem_shared>> -> memref<128x128xf32, #tpu.memory_space<vmem_shared>>
      tpu.wait_dma2 semaphore(%run_scoped3A : memref<!tpu.dma_semaphore, #tpu.memory_space<semaphore_mem>>) src(%arg8 : memref<128x128xf32, #tpu.memory_space<vmem>>) dst(%dma_wait3A_96 : memref<128x128xf32, #tpu.memory_space<vmem_shared>>)
      tpu.yield
    }) : () -> ()
    %add3A_11 = arith.constant 384 : i32
    %add3A_12 = arith.addi %mul3A_4, %add3A_11 : i32
    "tpu.region"() ({
      %run_scoped3A = tpu.sem_alloc : memref<!tpu.dma_semaphore, #tpu.memory_space<semaphore_mem>>
      %dma_start3A_89 = arith.constant 0 : i32
      %dma_start3A_90 = tpu.memref_slice %arg10[%add3A_12, %dma_start3A_89] : memref<10240x128xf32, #tpu.memory_space<vmem_shared>> -> memref<128x128xf32, #tpu.memory_space<vmem_shared>>
      %dma_start3A_91 = arith.constant 0 : i32
      %dma_start3A_92 = tpu.memref_slice %arg10[%add3A_12, %dma_start3A_91] : memref<10240x128xf32, #tpu.memory_space<vmem_shared>> -> memref<128x128xf32, #tpu.memory_space<vmem_shared>>
      tpu.enqueue_dma source(%arg8 : memref<128x128xf32, #tpu.memory_space<vmem>>) target(%dma_start3A_92 : memref<128x128xf32, #tpu.memory_space<vmem_shared>>) target_semaphore(%run_scoped3A : memref<!tpu.dma_semaphore, #tpu.memory_space<semaphore_mem>>)
      %dma_wait3A_93 = arith.constant 0 : i32
      %dma_wait3A_94 = tpu.memref_slice %arg10[%add3A_12, %dma_wait3A_93] : memref<10240x128xf32, #tpu.memory_space<vmem_shared>> -> memref<128x128xf32, #tpu.memory_space<vmem_shared>>
      %dma_wait3A_95 = arith.constant 0 : i32
      %dma_wait3A_96 = tpu.memref_slice %arg10[%add3A_12, %dma_wait3A_95] : memref<10240x128xf32, #tpu.memory_space<vmem_shared>> -> memref<128x128xf32, #tpu.memory_space<vmem_shared>>
      tpu.wait_dma2 semaphore(%run_scoped3A : memref<!tpu.dma_semaphore, #tpu.memory_space<semaphore_mem>>) src(%arg8 : memref<128x128xf32, #tpu.memory_space<vmem>>) dst(%dma_wait3A_96 : memref<128x128xf32, #tpu.memory_space<vmem_shared>>)
      tpu.yield
    }) : () -> ()
    %add3A_13 = arith.constant 512 : i32
    %add3A_14 = arith.addi %mul3A_4, %add3A_13 : i32
    "tpu.region"() ({
      %run_scoped3A = tpu.sem_alloc : memref<!tpu.dma_semaphore, #tpu.memory_space<semaphore_mem>>
      %dma_start3A_89 = arith.constant 0 : i32
      %dma_start3A_90 = tpu.memref_slice %arg10[%add3A_14, %dma_start3A_89] : memref<10240x128xf32, #tpu.memory_space<vmem_shared>> -> memref<128x128xf32, #tpu.memory_space<vmem_shared>>
      %dma_start3A_91 = arith.constant 0 : i32
      %dma_start3A_92 = tpu.memref_slice %arg10[%add3A_14, %dma_start3A_91] : memref<10240x128xf32, #tpu.memory_space<vmem_shared>> -> memref<128x128xf32, #tpu.memory_space<vmem_shared>>
      tpu.enqueue_dma source(%arg8 : memref<128x128xf32, #tpu.memory_space<vmem>>) target(%dma_start3A_92 : memref<128x128xf32, #tpu.memory_space<vmem_shared>>) target_semaphore(%run_scoped3A : memref<!tpu.dma_semaphore, #tpu.memory_space<semaphore_mem>>)
      %dma_wait3A_93 = arith.constant 0 : i32
      %dma_wait3A_94 = tpu.memref_slice %arg10[%add3A_14, %dma_wait3A_93] : memref<10240x128xf32, #tpu.memory_space<vmem_shared>> -> memref<128x128xf32, #tpu.memory_space<vmem_shared>>
      %dma_wait3A_95 = arith.constant 0 : i32
      %dma_wait3A_96 = tpu.memref_slice %arg10[%add3A_14, %dma_wait3A_95] : memref<10240x128xf32, #tpu.memory_space<vmem_shared>> -> memref<128x128xf32, #tpu.memory_space<vmem_shared>>
      tpu.wait_dma2 semaphore(%run_scoped3A : memref<!tpu.dma_semaphore, #tpu.memory_space<semaphore_mem>>) src(%arg8 : memref<128x128xf32, #tpu.memory_space<vmem>>) dst(%dma_wait3A_96 : memref<128x128xf32, #tpu.memory_space<vmem_shared>>)
      tpu.yield
    }) : () -> ()
    %barrier3A = arith.constant 0 : index
    tpu.barrier barrier_id(%barrier3A)
    %add3A_15 = arith.constant 0 : i32
    %add3A_16 = arith.addi %mul3A_2, %add3A_15 : i32
    "tpu.region"() ({
      %run_scoped3A = tpu.sem_alloc : memref<!tpu.dma_semaphore, #tpu.memory_space<semaphore_mem>>
      %dma_start3A_89 = arith.constant 0 : i32
      %dma_start3A_90 = arith.constant 0 : i32
      %dma_start3A_91 = tpu.memref_slice %arg3[%add3A_16, %dma_start3A_89, %dma_start3A_90] : memref<2560x2x128xi32, #tpu.memory_space<hbm>> -> memref<1x2x128xi32, #tpu.memory_space<hbm>>
      %dma_start3A_92 = tpu.memref_squeeze %dma_start3A_91 : memref<1x2x128xi32, #tpu.memory_space<hbm>> -> memref<2x128xi32, #tpu.memory_space<hbm>>
      %dma_start3A_93 = arith.constant 0 : i32
      %dma_start3A_94 = arith.constant 0 : i32
      %dma_start3A_95 = tpu.memref_slice %arg3[%add3A_16, %dma_start3A_93, %dma_start3A_94] : memref<2560x2x128xi32, #tpu.memory_space<hbm>> -> memref<1x2x128xi32, #tpu.memory_space<hbm>>
      %dma_start3A_96 = tpu.memref_squeeze %dma_start3A_95 : memref<1x2x128xi32, #tpu.memory_space<hbm>> -> memref<2x128xi32, #tpu.memory_space<hbm>>
      tpu.enqueue_dma source(%dma_start3A_96 : memref<2x128xi32, #tpu.memory_space<hbm>>) target(%arg6 : memref<2x128xi32, #tpu.memory_space<vmem>>) target_semaphore(%run_scoped3A : memref<!tpu.dma_semaphore, #tpu.memory_space<semaphore_mem>>)
      %dma_wait3A_97 = arith.constant 0 : i32
      %dma_wait3A_98 = arith.constant 0 : i32
      %dma_wait3A_99 = tpu.memref_slice %arg3[%add3A_16, %dma_wait3A_97, %dma_wait3A_98] : memref<2560x2x128xi32, #tpu.memory_space<hbm>> -> memref<1x2x128xi32, #tpu.memory_space<hbm>>
      %dma_wait3A_100 = tpu.memref_squeeze %dma_wait3A_99 : memref<1x2x128xi32, #tpu.memory_space<hbm>> -> memref<2x128xi32, #tpu.memory_space<hbm>>
      %dma_wait3A_101 = arith.constant 0 : i32
      %dma_wait3A_102 = arith.constant 0 : i32
      %dma_wait3A_103 = tpu.memref_slice %arg3[%add3A_16, %dma_wait3A_101, %dma_wait3A_102] : memref<2560x2x128xi32, #tpu.memory_space<hbm>> -> memref<1x2x128xi32, #tpu.memory_space<hbm>>
      %dma_wait3A_104 = tpu.memref_squeeze %dma_wait3A_103 : memref<1x2x128xi32, #tpu.memory_space<hbm>> -> memref<2x128xi32, #tpu.memory_space<hbm>>
      tpu.wait_dma2 semaphore(%run_scoped3A : memref<!tpu.dma_semaphore, #tpu.memory_space<semaphore_mem>>) src(%dma_wait3A_104 : memref<2x128xi32, #tpu.memory_space<hbm>>) dst(%arg6 : memref<2x128xi32, #tpu.memory_space<vmem>>)
      tpu.yield
    }) : () -> ()
    %dma_start3A = arith.constant 0 : i32
    %dma_start3A_17 = arith.constant 0 : i32
    %dma_start3A_18 = tpu.memref_slice %arg6[%dma_start3A, %dma_start3A_17] : memref<2x128xi32, #tpu.memory_space<vmem>> -> memref<1x128xi32, #tpu.memory_space<vmem>>
    %dma_start3A_19 = tpu.memref_squeeze %dma_start3A_18 : memref<1x128xi32, #tpu.memory_space<vmem>> -> memref<128xi32, #tpu.memory_space<vmem>>
    %dma_start3A_20 = arith.constant 0 : i32
    %dma_start3A_21 = arith.constant 0 : i32
    %dma_start3A_22 = tpu.memref_slice %arg2[%dma_start3A_20, %dma_start3A_21] : memref<10240x128xf32, #tpu.memory_space<hbm>> -> memref<10240x128xf32, #tpu.memory_space<hbm>>
    tpu.enqueue_indirect_dma source(%dma_start3A_22 : memref<10240x128xf32, #tpu.memory_space<hbm>>) target(%arg8 : memref<128x128xf32, #tpu.memory_space<vmem>>) offsets(%dma_start3A_19 : memref<128xi32, #tpu.memory_space<vmem>>) semaphore(%arg11 : memref<!tpu.dma_semaphore, #tpu.memory_space<semaphore_mem>>)
    %add3A_23 = arith.constant 1 : i32
    %add3A_24 = arith.addi %mul3A_2, %add3A_23 : i32
    "tpu.region"() ({
      %run_scoped3A = tpu.sem_alloc : memref<!tpu.dma_semaphore, #tpu.memory_space<semaphore_mem>>
      %dma_start3A_89 = arith.constant 0 : i32
      %dma_start3A_90 = arith.constant 0 : i32
      %dma_start3A_91 = tpu.memref_slice %arg3[%add3A_24, %dma_start3A_89, %dma_start3A_90] : memref<2560x2x128xi32, #tpu.memory_space<hbm>> -> memref<1x2x128xi32, #tpu.memory_space<hbm>>
      %dma_start3A_92 = tpu.memref_squeeze %dma_start3A_91 : memref<1x2x128xi32, #tpu.memory_space<hbm>> -> memref<2x128xi32, #tpu.memory_space<hbm>>
      %dma_start3A_93 = arith.constant 0 : i32
      %dma_start3A_94 = arith.constant 0 : i32
      %dma_start3A_95 = tpu.memref_slice %arg3[%add3A_24, %dma_start3A_93, %dma_start3A_94] : memref<2560x2x128xi32, #tpu.memory_space<hbm>> -> memref<1x2x128xi32, #tpu.memory_space<hbm>>
      %dma_start3A_96 = tpu.memref_squeeze %dma_start3A_95 : memref<1x2x128xi32, #tpu.memory_space<hbm>> -> memref<2x128xi32, #tpu.memory_space<hbm>>
      tpu.enqueue_dma source(%dma_start3A_96 : memref<2x128xi32, #tpu.memory_space<hbm>>) target(%arg7 : memref<2x128xi32, #tpu.memory_space<vmem>>) target_semaphore(%run_scoped3A : memref<!tpu.dma_semaphore, #tpu.memory_space<semaphore_mem>>)
      %dma_wait3A_97 = arith.constant 0 : i32
      %dma_wait3A_98 = arith.constant 0 : i32
      %dma_wait3A_99 = tpu.memref_slice %arg3[%add3A_24, %dma_wait3A_97, %dma_wait3A_98] : memref<2560x2x128xi32, #tpu.memory_space<hbm>> -> memref<1x2x128xi32, #tpu.memory_space<hbm>>
      %dma_wait3A_100 = tpu.memref_squeeze %dma_wait3A_99 : memref<1x2x128xi32, #tpu.memory_space<hbm>> -> memref<2x128xi32, #tpu.memory_space<hbm>>
      %dma_wait3A_101 = arith.constant 0 : i32
      %dma_wait3A_102 = arith.constant 0 : i32
      %dma_wait3A_103 = tpu.memref_slice %arg3[%add3A_24, %dma_wait3A_101, %dma_wait3A_102] : memref<2560x2x128xi32, #tpu.memory_space<hbm>> -> memref<1x2x128xi32, #tpu.memory_space<hbm>>
      %dma_wait3A_104 = tpu.memref_squeeze %dma_wait3A_103 : memref<1x2x128xi32, #tpu.memory_space<hbm>> -> memref<2x128xi32, #tpu.memory_space<hbm>>
      tpu.wait_dma2 semaphore(%run_scoped3A : memref<!tpu.dma_semaphore, #tpu.memory_space<semaphore_mem>>) src(%dma_wait3A_104 : memref<2x128xi32, #tpu.memory_space<hbm>>) dst(%arg7 : memref<2x128xi32, #tpu.memory_space<vmem>>)
      tpu.yield
    }) : () -> ()
    %dma_start3A_25 = arith.constant 0 : i32
    %dma_start3A_26 = arith.constant 0 : i32
    %dma_start3A_27 = tpu.memref_slice %arg7[%dma_start3A_25, %dma_start3A_26] : memref<2x128xi32, #tpu.memory_space<vmem>> -> memref<1x128xi32, #tpu.memory_space<vmem>>
    %dma_start3A_28 = tpu.memref_squeeze %dma_start3A_27 : memref<1x128xi32, #tpu.memory_space<vmem>> -> memref<128xi32, #tpu.memory_space<vmem>>
    %dma_start3A_29 = arith.constant 0 : i32
    %dma_start3A_30 = arith.constant 0 : i32
    %dma_start3A_31 = tpu.memref_slice %arg2[%dma_start3A_29, %dma_start3A_30] : memref<10240x128xf32, #tpu.memory_space<hbm>> -> memref<10240x128xf32, #tpu.memory_space<hbm>>
    tpu.enqueue_indirect_dma source(%dma_start3A_31 : memref<10240x128xf32, #tpu.memory_space<hbm>>) target(%arg9 : memref<128x128xf32, #tpu.memory_space<vmem>>) offsets(%dma_start3A_28 : memref<128xi32, #tpu.memory_space<vmem>>) semaphore(%arg12 : memref<!tpu.dma_semaphore, #tpu.memory_space<semaphore_mem>>)
    %add3A_32 = arith.constant 80 : i32
    %add3A_33 = arith.addi %mul3A_2, %add3A_32 : i32
    %sub3A = arith.constant 1 : i32
    %sub3A_34 = arith.subi %add3A_33, %sub3A : i32
    %scan3A = arith.constant 0 : i32
    %scan3A_35 = arith.constant 0 : i32
    %scan3A_36 = arith.constant 40 : i32
    %scan3A_37 = arith.addi %scan3A_35, %scan3A_36 : i32
    %scan3A_38 = arith.constant 1 : i32
    scf.for %scan3A_89 = %scan3A_35 to %scan3A_37 step %scan3A_38  : i32 {
      %mul3A_90 = arith.constant 2 : i32
      %mul3A_91 = arith.muli %mul3A_90, %scan3A_89 : i32
      %add3A_92 = arith.addi %mul3A_2, %mul3A_91 : i32
      %add3A_93 = arith.constant 0 : i32
      %add3A_94 = arith.addi %add3A_92, %add3A_93 : i32
      %dma_wait3A_95 = arith.constant 0 : i32
      %dma_wait3A_96 = arith.constant 0 : i32
      %dma_wait3A_97 = tpu.memref_slice %arg6[%dma_wait3A_95, %dma_wait3A_96] : memref<2x128xi32, #tpu.memory_space<vmem>> -> memref<1x128xi32, #tpu.memory_space<vmem>>
      %dma_wait3A_98 = tpu.memref_squeeze %dma_wait3A_97 : memref<1x128xi32, #tpu.memory_space<vmem>> -> memref<128xi32, #tpu.memory_space<vmem>>
      %dma_wait3A_99 = arith.constant 0 : i32
      %dma_wait3A_100 = arith.constant 0 : i32
      %dma_wait3A_101 = tpu.memref_slice %arg2[%dma_wait3A_99, %dma_wait3A_100] : memref<10240x128xf32, #tpu.memory_space<hbm>> -> memref<10240x128xf32, #tpu.memory_space<hbm>>
      tpu.wait_indirect_dma semaphore(%arg11 : memref<!tpu.dma_semaphore, #tpu.memory_space<semaphore_mem>>) src(%dma_wait3A_101 : memref<10240x128xf32, #tpu.memory_space<hbm>>) dst(%arg8 : memref<128x128xf32, #tpu.memory_space<vmem>>)
      %run_scoped3A = arith.constant 1 : i32
      "tpu.region"() ({
        %run_scoped3A_131 = tpu.sem_alloc : memref<!tpu.dma_semaphore, #tpu.memory_space<semaphore_mem>>
        %dma_start3A_132 = arith.constant 0 : i32
        %dma_start3A_133 = tpu.memref_slice %arg6[%run_scoped3A, %dma_start3A_132] : memref<2x128xi32, #tpu.memory_space<vmem>> -> memref<1x128xi32, #tpu.memory_space<vmem>>
        %dma_start3A_134 = tpu.memref_squeeze %dma_start3A_133 : memref<1x128xi32, #tpu.memory_space<vmem>> -> memref<128xi32, #tpu.memory_space<vmem>>
        %dma_start3A_135 = arith.constant 0 : i32
        %dma_start3A_136 = arith.constant 0 : i32
        %dma_start3A_137 = tpu.memref_slice %arg10[%dma_start3A_135, %dma_start3A_136] : memref<10240x128xf32, #tpu.memory_space<vmem_shared>> -> memref<10240x128xf32, #tpu.memory_space<vmem_shared>>
        tpu.enqueue_indirect_dma source(%arg8 : memref<128x128xf32, #tpu.memory_space<vmem>>) target(%dma_start3A_137 : memref<10240x128xf32, #tpu.memory_space<vmem_shared>>) offsets(%dma_start3A_134 : memref<128xi32, #tpu.memory_space<vmem>>) semaphore(%run_scoped3A_131 : memref<!tpu.dma_semaphore, #tpu.memory_space<semaphore_mem>>) {add = true}
        %dma_wait3A_138 = arith.constant 0 : i32
        %dma_wait3A_139 = tpu.memref_slice %arg6[%run_scoped3A, %dma_wait3A_138] : memref<2x128xi32, #tpu.memory_space<vmem>> -> memref<1x128xi32, #tpu.memory_space<vmem>>
        %dma_wait3A_140 = tpu.memref_squeeze %dma_wait3A_139 : memref<1x128xi32, #tpu.memory_space<vmem>> -> memref<128xi32, #tpu.memory_space<vmem>>
        %dma_wait3A_141 = arith.constant 0 : i32
        %dma_wait3A_142 = arith.constant 0 : i32
        %dma_wait3A_143 = tpu.memref_slice %arg10[%dma_wait3A_141, %dma_wait3A_142] : memref<10240x128xf32, #tpu.memory_space<vmem_shared>> -> memref<10240x128xf32, #tpu.memory_space<vmem_shared>>
        tpu.wait_indirect_dma semaphore(%run_scoped3A_131 : memref<!tpu.dma_semaphore, #tpu.memory_space<semaphore_mem>>) src(%arg8 : memref<128x128xf32, #tpu.memory_space<vmem>>) dst(%dma_wait3A_143 : memref<10240x128xf32, #tpu.memory_space<vmem_shared>>)
        tpu.yield
      }) : () -> ()
      %add3A_102 = arith.constant 2 : i32
      %add3A_103 = arith.addi %add3A_94, %add3A_102 : i32
      %min3A = arith.minsi %add3A_103, %sub3A_34 : i32
      "tpu.region"() ({
        %run_scoped3A_131 = tpu.sem_alloc : memref<!tpu.dma_semaphore, #tpu.memory_space<semaphore_mem>>
        %dma_start3A_132 = arith.constant 0 : i32
        %dma_start3A_133 = arith.constant 0 : i32
        %dma_start3A_134 = tpu.memref_slice %arg3[%min3A, %dma_start3A_132, %dma_start3A_133] : memref<2560x2x128xi32, #tpu.memory_space<hbm>> -> memref<1x2x128xi32, #tpu.memory_space<hbm>>
        %dma_start3A_135 = tpu.memref_squeeze %dma_start3A_134 : memref<1x2x128xi32, #tpu.memory_space<hbm>> -> memref<2x128xi32, #tpu.memory_space<hbm>>
        %dma_start3A_136 = arith.constant 0 : i32
        %dma_start3A_137 = arith.constant 0 : i32
        %dma_start3A_138 = tpu.memref_slice %arg3[%min3A, %dma_start3A_136, %dma_start3A_137] : memref<2560x2x128xi32, #tpu.memory_space<hbm>> -> memref<1x2x128xi32, #tpu.memory_space<hbm>>
        %dma_start3A_139 = tpu.memref_squeeze %dma_start3A_138 : memref<1x2x128xi32, #tpu.memory_space<hbm>> -> memref<2x128xi32, #tpu.memory_space<hbm>>
        tpu.enqueue_dma source(%dma_start3A_139 : memref<2x128xi32, #tpu.memory_space<hbm>>) target(%arg6 : memref<2x128xi32, #tpu.memory_space<vmem>>) target_semaphore(%run_scoped3A_131 : memref<!tpu.dma_semaphore, #tpu.memory_space<semaphore_mem>>)
        %dma_wait3A_140 = arith.constant 0 : i32
        %dma_wait3A_141 = arith.constant 0 : i32
        %dma_wait3A_142 = tpu.memref_slice %arg3[%min3A, %dma_wait3A_140, %dma_wait3A_141] : memref<2560x2x128xi32, #tpu.memory_space<hbm>> -> memref<1x2x128xi32, #tpu.memory_space<hbm>>
        %dma_wait3A_143 = tpu.memref_squeeze %dma_wait3A_142 : memref<1x2x128xi32, #tpu.memory_space<hbm>> -> memref<2x128xi32, #tpu.memory_space<hbm>>
        %dma_wait3A_144 = arith.constant 0 : i32
        %dma_wait3A_145 = arith.constant 0 : i32
        %dma_wait3A_146 = tpu.memref_slice %arg3[%min3A, %dma_wait3A_144, %dma_wait3A_145] : memref<2560x2x128xi32, #tpu.memory_space<hbm>> -> memref<1x2x128xi32, #tpu.memory_space<hbm>>
        %dma_wait3A_147 = tpu.memref_squeeze %dma_wait3A_146 : memref<1x2x128xi32, #tpu.memory_space<hbm>> -> memref<2x128xi32, #tpu.memory_space<hbm>>
        tpu.wait_dma2 semaphore(%run_scoped3A_131 : memref<!tpu.dma_semaphore, #tpu.memory_space<semaphore_mem>>) src(%dma_wait3A_147 : memref<2x128xi32, #tpu.memory_space<hbm>>) dst(%arg6 : memref<2x128xi32, #tpu.memory_space<vmem>>)
        tpu.yield
      }) : () -> ()
      %dma_start3A_104 = arith.constant 0 : i32
      %dma_start3A_105 = arith.constant 0 : i32
      %dma_start3A_106 = tpu.memref_slice %arg6[%dma_start3A_104, %dma_start3A_105] : memref<2x128xi32, #tpu.memory_space<vmem>> -> memref<1x128xi32, #tpu.memory_space<vmem>>
      %dma_start3A_107 = tpu.memref_squeeze %dma_start3A_106 : memref<1x128xi32, #tpu.memory_space<vmem>> -> memref<128xi32, #tpu.memory_space<vmem>>
      %dma_start3A_108 = arith.constant 0 : i32
      %dma_start3A_109 = arith.constant 0 : i32
      %dma_start3A_110 = tpu.memref_slice %arg2[%dma_start3A_108, %dma_start3A_109] : memref<10240x128xf32, #tpu.memory_space<hbm>> -> memref<10240x128xf32, #tpu.memory_space<hbm>>
      tpu.enqueue_indirect_dma source(%dma_start3A_110 : memref<10240x128xf32, #tpu.memory_space<hbm>>) target(%arg8 : memref<128x128xf32, #tpu.memory_space<vmem>>) offsets(%dma_start3A_107 : memref<128xi32, #tpu.memory_space<vmem>>) semaphore(%arg11 : memref<!tpu.dma_semaphore, #tpu.memory_space<semaphore_mem>>)
      %add3A_111 = arith.constant 1 : i32
      %add3A_112 = arith.addi %add3A_92, %add3A_111 : i32
      %dma_wait3A_113 = arith.constant 0 : i32
      %dma_wait3A_114 = arith.constant 0 : i32
      %dma_wait3A_115 = tpu.memref_slice %arg7[%dma_wait3A_113, %dma_wait3A_114] : memref<2x128xi32, #tpu.memory_space<vmem>> -> memref<1x128xi32, #tpu.memory_space<vmem>>
      %dma_wait3A_116 = tpu.memref_squeeze %dma_wait3A_115 : memref<1x128xi32, #tpu.memory_space<vmem>> -> memref<128xi32, #tpu.memory_space<vmem>>
      %dma_wait3A_117 = arith.constant 0 : i32
      %dma_wait3A_118 = arith.constant 0 : i32
      %dma_wait3A_119 = tpu.memref_slice %arg2[%dma_wait3A_117, %dma_wait3A_118] : memref<10240x128xf32, #tpu.memory_space<hbm>> -> memref<10240x128xf32, #tpu.memory_space<hbm>>
      tpu.wait_indirect_dma semaphore(%arg12 : memref<!tpu.dma_semaphore, #tpu.memory_space<semaphore_mem>>) src(%dma_wait3A_119 : memref<10240x128xf32, #tpu.memory_space<hbm>>) dst(%arg9 : memref<128x128xf32, #tpu.memory_space<vmem>>)
      %run_scoped3A_120 = arith.constant 1 : i32
      "tpu.region"() ({
        %run_scoped3A_131 = tpu.sem_alloc : memref<!tpu.dma_semaphore, #tpu.memory_space<semaphore_mem>>
        %dma_start3A_132 = arith.constant 0 : i32
        %dma_start3A_133 = tpu.memref_slice %arg7[%run_scoped3A_120, %dma_start3A_132] : memref<2x128xi32, #tpu.memory_space<vmem>> -> memref<1x128xi32, #tpu.memory_space<vmem>>
        %dma_start3A_134 = tpu.memref_squeeze %dma_start3A_133 : memref<1x128xi32, #tpu.memory_space<vmem>> -> memref<128xi32, #tpu.memory_space<vmem>>
        %dma_start3A_135 = arith.constant 0 : i32
        %dma_start3A_136 = arith.constant 0 : i32
        %dma_start3A_137 = tpu.memref_slice %arg10[%dma_start3A_135, %dma_start3A_136] : memref<10240x128xf32, #tpu.memory_space<vmem_shared>> -> memref<10240x128xf32, #tpu.memory_space<vmem_shared>>
        tpu.enqueue_indirect_dma source(%arg9 : memref<128x128xf32, #tpu.memory_space<vmem>>) target(%dma_start3A_137 : memref<10240x128xf32, #tpu.memory_space<vmem_shared>>) offsets(%dma_start3A_134 : memref<128xi32, #tpu.memory_space<vmem>>) semaphore(%run_scoped3A_131 : memref<!tpu.dma_semaphore, #tpu.memory_space<semaphore_mem>>) {add = true}
        %dma_wait3A_138 = arith.constant 0 : i32
        %dma_wait3A_139 = tpu.memref_slice %arg7[%run_scoped3A_120, %dma_wait3A_138] : memref<2x128xi32, #tpu.memory_space<vmem>> -> memref<1x128xi32, #tpu.memory_space<vmem>>
        %dma_wait3A_140 = tpu.memref_squeeze %dma_wait3A_139 : memref<1x128xi32, #tpu.memory_space<vmem>> -> memref<128xi32, #tpu.memory_space<vmem>>
        %dma_wait3A_141 = arith.constant 0 : i32
        %dma_wait3A_142 = arith.constant 0 : i32
        %dma_wait3A_143 = tpu.memref_slice %arg10[%dma_wait3A_141, %dma_wait3A_142] : memref<10240x128xf32, #tpu.memory_space<vmem_shared>> -> memref<10240x128xf32, #tpu.memory_space<vmem_shared>>
        tpu.wait_indirect_dma semaphore(%run_scoped3A_131 : memref<!tpu.dma_semaphore, #tpu.memory_space<semaphore_mem>>) src(%arg9 : memref<128x128xf32, #tpu.memory_space<vmem>>) dst(%dma_wait3A_143 : memref<10240x128xf32, #tpu.memory_space<vmem_shared>>)
        tpu.yield
      }) : () -> ()
      %add3A_121 = arith.constant 2 : i32
      %add3A_122 = arith.addi %add3A_112, %add3A_121 : i32
      %min3A_123 = arith.minsi %add3A_122, %sub3A_34 : i32
      "tpu.region"() ({
        %run_scoped3A_131 = tpu.sem_alloc : memref<!tpu.dma_semaphore, #tpu.memory_space<semaphore_mem>>
        %dma_start3A_132 = arith.constant 0 : i32
        %dma_start3A_133 = arith.constant 0 : i32
        %dma_start3A_134 = tpu.memref_slice %arg3[%min3A_123, %dma_start3A_132, %dma_start3A_133] : memref<2560x2x128xi32, #tpu.memory_space<hbm>> -> memref<1x2x128xi32, #tpu.memory_space<hbm>>
        %dma_start3A_135 = tpu.memref_squeeze %dma_start3A_134 : memref<1x2x128xi32, #tpu.memory_space<hbm>> -> memref<2x128xi32, #tpu.memory_space<hbm>>
        %dma_start3A_136 = arith.constant 0 : i32
        %dma_start3A_137 = arith.constant 0 : i32
        %dma_start3A_138 = tpu.memref_slice %arg3[%min3A_123, %dma_start3A_136, %dma_start3A_137] : memref<2560x2x128xi32, #tpu.memory_space<hbm>> -> memref<1x2x128xi32, #tpu.memory_space<hbm>>
        %dma_start3A_139 = tpu.memref_squeeze %dma_start3A_138 : memref<1x2x128xi32, #tpu.memory_space<hbm>> -> memref<2x128xi32, #tpu.memory_space<hbm>>
        tpu.enqueue_dma source(%dma_start3A_139 : memref<2x128xi32, #tpu.memory_space<hbm>>) target(%arg7 : memref<2x128xi32, #tpu.memory_space<vmem>>) target_semaphore(%run_scoped3A_131 : memref<!tpu.dma_semaphore, #tpu.memory_space<semaphore_mem>>)
        %dma_wait3A_140 = arith.constant 0 : i32
        %dma_wait3A_141 = arith.constant 0 : i32
        %dma_wait3A_142 = tpu.memref_slice %arg3[%min3A_123, %dma_wait3A_140, %dma_wait3A_141] : memref<2560x2x128xi32, #tpu.memory_space<hbm>> -> memref<1x2x128xi32, #tpu.memory_space<hbm>>
        %dma_wait3A_143 = tpu.memref_squeeze %dma_wait3A_142 : memref<1x2x128xi32, #tpu.memory_space<hbm>> -> memref<2x128xi32, #tpu.memory_space<hbm>>
        %dma_wait3A_144 = arith.constant 0 : i32
        %dma_wait3A_145 = arith.constant 0 : i32
        %dma_wait3A_146 = tpu.memref_slice %arg3[%min3A_123, %dma_wait3A_144, %dma_wait3A_145] : memref<2560x2x128xi32, #tpu.memory_space<hbm>> -> memref<1x2x128xi32, #tpu.memory_space<hbm>>
        %dma_wait3A_147 = tpu.memref_squeeze %dma_wait3A_146 : memref<1x2x128xi32, #tpu.memory_space<hbm>> -> memref<2x128xi32, #tpu.memory_space<hbm>>
        tpu.wait_dma2 semaphore(%run_scoped3A_131 : memref<!tpu.dma_semaphore, #tpu.memory_space<semaphore_mem>>) src(%dma_wait3A_147 : memref<2x128xi32, #tpu.memory_space<hbm>>) dst(%arg7 : memref<2x128xi32, #tpu.memory_space<vmem>>)
        tpu.yield
      }) : () -> ()
      %dma_start3A_124 = arith.constant 0 : i32
      %dma_start3A_125 = arith.constant 0 : i32
      %dma_start3A_126 = tpu.memref_slice %arg7[%dma_start3A_124, %dma_start3A_125] : memref<2x128xi32, #tpu.memory_space<vmem>> -> memref<1x128xi32, #tpu.memory_space<vmem>>
      %dma_start3A_127 = tpu.memref_squeeze %dma_start3A_126 : memref<1x128xi32, #tpu.memory_space<vmem>> -> memref<128xi32, #tpu.memory_space<vmem>>
      %dma_start3A_128 = arith.constant 0 : i32
      %dma_start3A_129 = arith.constant 0 : i32
      %dma_start3A_130 = tpu.memref_slice %arg2[%dma_start3A_128, %dma_start3A_129] : memref<10240x128xf32, #tpu.memory_space<hbm>> -> memref<10240x128xf32, #tpu.memory_space<hbm>>
      tpu.enqueue_indirect_dma source(%dma_start3A_130 : memref<10240x128xf32, #tpu.memory_space<hbm>>) target(%arg9 : memref<128x128xf32, #tpu.memory_space<vmem>>) offsets(%dma_start3A_127 : memref<128xi32, #tpu.memory_space<vmem>>) semaphore(%arg12 : memref<!tpu.dma_semaphore, #tpu.memory_space<semaphore_mem>>)
    }
    %scan3A_39 = arith.constant 40 : i32
    %dma_wait3A = arith.constant 0 : i32
    %dma_wait3A_40 = arith.constant 0 : i32
    %dma_wait3A_41 = tpu.memref_slice %arg6[%dma_wait3A, %dma_wait3A_40] : memref<2x128xi32, #tpu.memory_space<vmem>> -> memref<1x128xi32, #tpu.memory_space<vmem>>
    %dma_wait3A_42 = tpu.memref_squeeze %dma_wait3A_41 : memref<1x128xi32, #tpu.memory_space<vmem>> -> memref<128xi32, #tpu.memory_space<vmem>>
    %dma_wait3A_43 = arith.constant 0 : i32
    %dma_wait3A_44 = arith.constant 0 : i32
    %dma_wait3A_45 = tpu.memref_slice %arg2[%dma_wait3A_43, %dma_wait3A_44] : memref<10240x128xf32, #tpu.memory_space<hbm>> -> memref<10240x128xf32, #tpu.memory_space<hbm>>
    tpu.wait_indirect_dma semaphore(%arg11 : memref<!tpu.dma_semaphore, #tpu.memory_space<semaphore_mem>>) src(%dma_wait3A_45 : memref<10240x128xf32, #tpu.memory_space<hbm>>) dst(%arg8 : memref<128x128xf32, #tpu.memory_space<vmem>>)
    %dma_wait3A_46 = arith.constant 0 : i32
    %dma_wait3A_47 = arith.constant 0 : i32
    %dma_wait3A_48 = tpu.memref_slice %arg7[%dma_wait3A_46, %dma_wait3A_47] : memref<2x128xi32, #tpu.memory_space<vmem>> -> memref<1x128xi32, #tpu.memory_space<vmem>>
    %dma_wait3A_49 = tpu.memref_squeeze %dma_wait3A_48 : memref<1x128xi32, #tpu.memory_space<vmem>> -> memref<128xi32, #tpu.memory_space<vmem>>
    %dma_wait3A_50 = arith.constant 0 : i32
    %dma_wait3A_51 = arith.constant 0 : i32
    %dma_wait3A_52 = tpu.memref_slice %arg2[%dma_wait3A_50, %dma_wait3A_51] : memref<10240x128xf32, #tpu.memory_space<hbm>> -> memref<10240x128xf32, #tpu.memory_space<hbm>>
    tpu.wait_indirect_dma semaphore(%arg12 : memref<!tpu.dma_semaphore, #tpu.memory_space<semaphore_mem>>) src(%dma_wait3A_52 : memref<10240x128xf32, #tpu.memory_space<hbm>>) dst(%arg9 : memref<128x128xf32, #tpu.memory_space<vmem>>)
    %barrier3A_53 = arith.constant 0 : index
    tpu.barrier barrier_id(%barrier3A_53)
    %add3A_54 = arith.constant 0 : i32
    %add3A_55 = arith.addi %mul3A_4, %add3A_54 : i32
    "tpu.region"() ({
      %run_scoped3A = tpu.sem_alloc : memref<!tpu.dma_semaphore, #tpu.memory_space<semaphore_mem>>
      %dma_start3A_89 = arith.constant 0 : i32
      %dma_start3A_90 = tpu.memref_slice %arg10[%add3A_55, %dma_start3A_89] : memref<10240x128xf32, #tpu.memory_space<vmem_shared>> -> memref<128x128xf32, #tpu.memory_space<vmem_shared>>
      %dma_start3A_91 = arith.constant 0 : i32
      %dma_start3A_92 = tpu.memref_slice %arg10[%add3A_55, %dma_start3A_91] : memref<10240x128xf32, #tpu.memory_space<vmem_shared>> -> memref<128x128xf32, #tpu.memory_space<vmem_shared>>
      tpu.enqueue_dma source(%dma_start3A_92 : memref<128x128xf32, #tpu.memory_space<vmem_shared>>) target(%arg8 : memref<128x128xf32, #tpu.memory_space<vmem>>) target_semaphore(%run_scoped3A : memref<!tpu.dma_semaphore, #tpu.memory_space<semaphore_mem>>)
      %dma_wait3A_93 = arith.constant 0 : i32
      %dma_wait3A_94 = tpu.memref_slice %arg10[%add3A_55, %dma_wait3A_93] : memref<10240x128xf32, #tpu.memory_space<vmem_shared>> -> memref<128x128xf32, #tpu.memory_space<vmem_shared>>
      %dma_wait3A_95 = arith.constant 0 : i32
      %dma_wait3A_96 = tpu.memref_slice %arg10[%add3A_55, %dma_wait3A_95] : memref<10240x128xf32, #tpu.memory_space<vmem_shared>> -> memref<128x128xf32, #tpu.memory_space<vmem_shared>>
      tpu.wait_dma2 semaphore(%run_scoped3A : memref<!tpu.dma_semaphore, #tpu.memory_space<semaphore_mem>>) src(%dma_wait3A_96 : memref<128x128xf32, #tpu.memory_space<vmem_shared>>) dst(%arg8 : memref<128x128xf32, #tpu.memory_space<vmem>>)
      tpu.yield
    }) : () -> ()
    %mul3A_56 = arith.constant 10240 : i32
    %mul3A_57 = arith.muli %arg0, %mul3A_56 : i32
    %add3A_58 = arith.addi %mul3A_57, %mul3A_4 : i32
    %add3A_59 = arith.constant 0 : i32
    %add3A_60 = arith.addi %add3A_58, %add3A_59 : i32
    "tpu.region"() ({
      %run_scoped3A = tpu.sem_alloc : memref<!tpu.dma_semaphore, #tpu.memory_space<semaphore_mem>>
      %dma_start3A_89 = arith.constant 0 : i32
      %dma_start3A_90 = tpu.memref_slice %arg5[%add3A_60, %dma_start3A_89] : memref<20480x128xf32, #tpu.memory_space<hbm>> -> memref<128x128xf32, #tpu.memory_space<hbm>>
      %dma_start3A_91 = arith.constant 0 : i32
      %dma_start3A_92 = tpu.memref_slice %arg5[%add3A_60, %dma_start3A_91] : memref<20480x128xf32, #tpu.memory_space<hbm>> -> memref<128x128xf32, #tpu.memory_space<hbm>>
      tpu.enqueue_dma source(%arg8 : memref<128x128xf32, #tpu.memory_space<vmem>>) target(%dma_start3A_92 : memref<128x128xf32, #tpu.memory_space<hbm>>) target_semaphore(%run_scoped3A : memref<!tpu.dma_semaphore, #tpu.memory_space<semaphore_mem>>)
      %dma_wait3A_93 = arith.constant 0 : i32
      %dma_wait3A_94 = tpu.memref_slice %arg5[%add3A_60, %dma_wait3A_93] : memref<20480x128xf32, #tpu.memory_space<hbm>> -> memref<128x128xf32, #tpu.memory_space<hbm>>
      %dma_wait3A_95 = arith.constant 0 : i32
      %dma_wait3A_96 = tpu.memref_slice %arg5[%add3A_60, %dma_wait3A_95] : memref<20480x128xf32, #tpu.memory_space<hbm>> -> memref<128x128xf32, #tpu.memory_space<hbm>>
      tpu.wait_dma2 semaphore(%run_scoped3A : memref<!tpu.dma_semaphore, #tpu.memory_space<semaphore_mem>>) src(%arg8 : memref<128x128xf32, #tpu.memory_space<vmem>>) dst(%dma_wait3A_96 : memref<128x128xf32, #tpu.memory_space<hbm>>)
      tpu.yield
    }) : () -> ()
    %add3A_61 = arith.constant 128 : i32
    %add3A_62 = arith.addi %mul3A_4, %add3A_61 : i32
    "tpu.region"() ({
      %run_scoped3A = tpu.sem_alloc : memref<!tpu.dma_semaphore, #tpu.memory_space<semaphore_mem>>
      %dma_start3A_89 = arith.constant 0 : i32
      %dma_start3A_90 = tpu.memref_slice %arg10[%add3A_62, %dma_start3A_89] : memref<10240x128xf32, #tpu.memory_space<vmem_shared>> -> memref<128x128xf32, #tpu.memory_space<vmem_shared>>
      %dma_start3A_91 = arith.constant 0 : i32
      %dma_start3A_92 = tpu.memref_slice %arg10[%add3A_62, %dma_start3A_91] : memref<10240x128xf32, #tpu.memory_space<vmem_shared>> -> memref<128x128xf32, #tpu.memory_space<vmem_shared>>
      tpu.enqueue_dma source(%dma_start3A_92 : memref<128x128xf32, #tpu.memory_space<vmem_shared>>) target(%arg8 : memref<128x128xf32, #tpu.memory_space<vmem>>) target_semaphore(%run_scoped3A : memref<!tpu.dma_semaphore, #tpu.memory_space<semaphore_mem>>)
      %dma_wait3A_93 = arith.constant 0 : i32
      %dma_wait3A_94 = tpu.memref_slice %arg10[%add3A_62, %dma_wait3A_93] : memref<10240x128xf32, #tpu.memory_space<vmem_shared>> -> memref<128x128xf32, #tpu.memory_space<vmem_shared>>
      %dma_wait3A_95 = arith.constant 0 : i32
      %dma_wait3A_96 = tpu.memref_slice %arg10[%add3A_62, %dma_wait3A_95] : memref<10240x128xf32, #tpu.memory_space<vmem_shared>> -> memref<128x128xf32, #tpu.memory_space<vmem_shared>>
      tpu.wait_dma2 semaphore(%run_scoped3A : memref<!tpu.dma_semaphore, #tpu.memory_space<semaphore_mem>>) src(%dma_wait3A_96 : memref<128x128xf32, #tpu.memory_space<vmem_shared>>) dst(%arg8 : memref<128x128xf32, #tpu.memory_space<vmem>>)
      tpu.yield
    }) : () -> ()
    %mul3A_63 = arith.constant 10240 : i32
    %mul3A_64 = arith.muli %arg0, %mul3A_63 : i32
    %add3A_65 = arith.addi %mul3A_64, %mul3A_4 : i32
    %add3A_66 = arith.constant 128 : i32
    %add3A_67 = arith.addi %add3A_65, %add3A_66 : i32
    "tpu.region"() ({
      %run_scoped3A = tpu.sem_alloc : memref<!tpu.dma_semaphore, #tpu.memory_space<semaphore_mem>>
      %dma_start3A_89 = arith.constant 0 : i32
      %dma_start3A_90 = tpu.memref_slice %arg5[%add3A_67, %dma_start3A_89] : memref<20480x128xf32, #tpu.memory_space<hbm>> -> memref<128x128xf32, #tpu.memory_space<hbm>>
      %dma_start3A_91 = arith.constant 0 : i32
      %dma_start3A_92 = tpu.memref_slice %arg5[%add3A_67, %dma_start3A_91] : memref<20480x128xf32, #tpu.memory_space<hbm>> -> memref<128x128xf32, #tpu.memory_space<hbm>>
      tpu.enqueue_dma source(%arg8 : memref<128x128xf32, #tpu.memory_space<vmem>>) target(%dma_start3A_92 : memref<128x128xf32, #tpu.memory_space<hbm>>) target_semaphore(%run_scoped3A : memref<!tpu.dma_semaphore, #tpu.memory_space<semaphore_mem>>)
      %dma_wait3A_93 = arith.constant 0 : i32
      %dma_wait3A_94 = tpu.memref_slice %arg5[%add3A_67, %dma_wait3A_93] : memref<20480x128xf32, #tpu.memory_space<hbm>> -> memref<128x128xf32, #tpu.memory_space<hbm>>
      %dma_wait3A_95 = arith.constant 0 : i32
      %dma_wait3A_96 = tpu.memref_slice %arg5[%add3A_67, %dma_wait3A_95] : memref<20480x128xf32, #tpu.memory_space<hbm>> -> memref<128x128xf32, #tpu.memory_space<hbm>>
      tpu.wait_dma2 semaphore(%run_scoped3A : memref<!tpu.dma_semaphore, #tpu.memory_space<semaphore_mem>>) src(%arg8 : memref<128x128xf32, #tpu.memory_space<vmem>>) dst(%dma_wait3A_96 : memref<128x128xf32, #tpu.memory_space<hbm>>)
      tpu.yield
    }) : () -> ()
    %add3A_68 = arith.constant 256 : i32
    %add3A_69 = arith.addi %mul3A_4, %add3A_68 : i32
    "tpu.region"() ({
      %run_scoped3A = tpu.sem_alloc : memref<!tpu.dma_semaphore, #tpu.memory_space<semaphore_mem>>
      %dma_start3A_89 = arith.constant 0 : i32
      %dma_start3A_90 = tpu.memref_slice %arg10[%add3A_69, %dma_start3A_89] : memref<10240x128xf32, #tpu.memory_space<vmem_shared>> -> memref<128x128xf32, #tpu.memory_space<vmem_shared>>
      %dma_start3A_91 = arith.constant 0 : i32
      %dma_start3A_92 = tpu.memref_slice %arg10[%add3A_69, %dma_start3A_91] : memref<10240x128xf32, #tpu.memory_space<vmem_shared>> -> memref<128x128xf32, #tpu.memory_space<vmem_shared>>
      tpu.enqueue_dma source(%dma_start3A_92 : memref<128x128xf32, #tpu.memory_space<vmem_shared>>) target(%arg8 : memref<128x128xf32, #tpu.memory_space<vmem>>) target_semaphore(%run_scoped3A : memref<!tpu.dma_semaphore, #tpu.memory_space<semaphore_mem>>)
      %dma_wait3A_93 = arith.constant 0 : i32
      %dma_wait3A_94 = tpu.memref_slice %arg10[%add3A_69, %dma_wait3A_93] : memref<10240x128xf32, #tpu.memory_space<vmem_shared>> -> memref<128x128xf32, #tpu.memory_space<vmem_shared>>
      %dma_wait3A_95 = arith.constant 0 : i32
      %dma_wait3A_96 = tpu.memref_slice %arg10[%add3A_69, %dma_wait3A_95] : memref<10240x128xf32, #tpu.memory_space<vmem_shared>> -> memref<128x128xf32, #tpu.memory_space<vmem_shared>>
      tpu.wait_dma2 semaphore(%run_scoped3A : memref<!tpu.dma_semaphore, #tpu.memory_space<semaphore_mem>>) src(%dma_wait3A_96 : memref<128x128xf32, #tpu.memory_space<vmem_shared>>) dst(%arg8 : memref<128x128xf32, #tpu.memory_space<vmem>>)
      tpu.yield
    }) : () -> ()
    %mul3A_70 = arith.constant 10240 : i32
    %mul3A_71 = arith.muli %arg0, %mul3A_70 : i32
    %add3A_72 = arith.addi %mul3A_71, %mul3A_4 : i32
    %add3A_73 = arith.constant 256 : i32
    %add3A_74 = arith.addi %add3A_72, %add3A_73 : i32
    "tpu.region"() ({
      %run_scoped3A = tpu.sem_alloc : memref<!tpu.dma_semaphore, #tpu.memory_space<semaphore_mem>>
      %dma_start3A_89 = arith.constant 0 : i32
      %dma_start3A_90 = tpu.memref_slice %arg5[%add3A_74, %dma_start3A_89] : memref<20480x128xf32, #tpu.memory_space<hbm>> -> memref<128x128xf32, #tpu.memory_space<hbm>>
      %dma_start3A_91 = arith.constant 0 : i32
      %dma_start3A_92 = tpu.memref_slice %arg5[%add3A_74, %dma_start3A_91] : memref<20480x128xf32, #tpu.memory_space<hbm>> -> memref<128x128xf32, #tpu.memory_space<hbm>>
      tpu.enqueue_dma source(%arg8 : memref<128x128xf32, #tpu.memory_space<vmem>>) target(%dma_start3A_92 : memref<128x128xf32, #tpu.memory_space<hbm>>) target_semaphore(%run_scoped3A : memref<!tpu.dma_semaphore, #tpu.memory_space<semaphore_mem>>)
      %dma_wait3A_93 = arith.constant 0 : i32
      %dma_wait3A_94 = tpu.memref_slice %arg5[%add3A_74, %dma_wait3A_93] : memref<20480x128xf32, #tpu.memory_space<hbm>> -> memref<128x128xf32, #tpu.memory_space<hbm>>
      %dma_wait3A_95 = arith.constant 0 : i32
      %dma_wait3A_96 = tpu.memref_slice %arg5[%add3A_74, %dma_wait3A_95] : memref<20480x128xf32, #tpu.memory_space<hbm>> -> memref<128x128xf32, #tpu.memory_space<hbm>>
      tpu.wait_dma2 semaphore(%run_scoped3A : memref<!tpu.dma_semaphore, #tpu.memory_space<semaphore_mem>>) src(%arg8 : memref<128x128xf32, #tpu.memory_space<vmem>>) dst(%dma_wait3A_96 : memref<128x128xf32, #tpu.memory_space<hbm>>)
      tpu.yield
    }) : () -> ()
    %add3A_75 = arith.constant 384 : i32
    %add3A_76 = arith.addi %mul3A_4, %add3A_75 : i32
    "tpu.region"() ({
      %run_scoped3A = tpu.sem_alloc : memref<!tpu.dma_semaphore, #tpu.memory_space<semaphore_mem>>
      %dma_start3A_89 = arith.constant 0 : i32
      %dma_start3A_90 = tpu.memref_slice %arg10[%add3A_76, %dma_start3A_89] : memref<10240x128xf32, #tpu.memory_space<vmem_shared>> -> memref<128x128xf32, #tpu.memory_space<vmem_shared>>
      %dma_start3A_91 = arith.constant 0 : i32
      %dma_start3A_92 = tpu.memref_slice %arg10[%add3A_76, %dma_start3A_91] : memref<10240x128xf32, #tpu.memory_space<vmem_shared>> -> memref<128x128xf32, #tpu.memory_space<vmem_shared>>
      tpu.enqueue_dma source(%dma_start3A_92 : memref<128x128xf32, #tpu.memory_space<vmem_shared>>) target(%arg8 : memref<128x128xf32, #tpu.memory_space<vmem>>) target_semaphore(%run_scoped3A : memref<!tpu.dma_semaphore, #tpu.memory_space<semaphore_mem>>)
      %dma_wait3A_93 = arith.constant 0 : i32
      %dma_wait3A_94 = tpu.memref_slice %arg10[%add3A_76, %dma_wait3A_93] : memref<10240x128xf32, #tpu.memory_space<vmem_shared>> -> memref<128x128xf32, #tpu.memory_space<vmem_shared>>
      %dma_wait3A_95 = arith.constant 0 : i32
      %dma_wait3A_96 = tpu.memref_slice %arg10[%add3A_76, %dma_wait3A_95] : memref<10240x128xf32, #tpu.memory_space<vmem_shared>> -> memref<128x128xf32, #tpu.memory_space<vmem_shared>>
      tpu.wait_dma2 semaphore(%run_scoped3A : memref<!tpu.dma_semaphore, #tpu.memory_space<semaphore_mem>>) src(%dma_wait3A_96 : memref<128x128xf32, #tpu.memory_space<vmem_shared>>) dst(%arg8 : memref<128x128xf32, #tpu.memory_space<vmem>>)
      tpu.yield
    }) : () -> ()
    %mul3A_77 = arith.constant 10240 : i32
    %mul3A_78 = arith.muli %arg0, %mul3A_77 : i32
    %add3A_79 = arith.addi %mul3A_78, %mul3A_4 : i32
    %add3A_80 = arith.constant 384 : i32
    %add3A_81 = arith.addi %add3A_79, %add3A_80 : i32
    "tpu.region"() ({
      %run_scoped3A = tpu.sem_alloc : memref<!tpu.dma_semaphore, #tpu.memory_space<semaphore_mem>>
      %dma_start3A_89 = arith.constant 0 : i32
      %dma_start3A_90 = tpu.memref_slice %arg5[%add3A_81, %dma_start3A_89] : memref<20480x128xf32, #tpu.memory_space<hbm>> -> memref<128x128xf32, #tpu.memory_space<hbm>>
      %dma_start3A_91 = arith.constant 0 : i32
      %dma_start3A_92 = tpu.memref_slice %arg5[%add3A_81, %dma_start3A_91] : memref<20480x128xf32, #tpu.memory_space<hbm>> -> memref<128x128xf32, #tpu.memory_space<hbm>>
      tpu.enqueue_dma source(%arg8 : memref<128x128xf32, #tpu.memory_space<vmem>>) target(%dma_start3A_92 : memref<128x128xf32, #tpu.memory_space<hbm>>) target_semaphore(%run_scoped3A : memref<!tpu.dma_semaphore, #tpu.memory_space<semaphore_mem>>)
      %dma_wait3A_93 = arith.constant 0 : i32
      %dma_wait3A_94 = tpu.memref_slice %arg5[%add3A_81, %dma_wait3A_93] : memref<20480x128xf32, #tpu.memory_space<hbm>> -> memref<128x128xf32, #tpu.memory_space<hbm>>
      %dma_wait3A_95 = arith.constant 0 : i32
      %dma_wait3A_96 = tpu.memref_slice %arg5[%add3A_81, %dma_wait3A_95] : memref<20480x128xf32, #tpu.memory_space<hbm>> -> memref<128x128xf32, #tpu.memory_space<hbm>>
      tpu.wait_dma2 semaphore(%run_scoped3A : memref<!tpu.dma_semaphore, #tpu.memory_space<semaphore_mem>>) src(%arg8 : memref<128x128xf32, #tpu.memory_space<vmem>>) dst(%dma_wait3A_96 : memref<128x128xf32, #tpu.memory_space<hbm>>)
      tpu.yield
    }) : () -> ()
    %add3A_82 = arith.constant 512 : i32
    %add3A_83 = arith.addi %mul3A_4, %add3A_82 : i32
    "tpu.region"() ({
      %run_scoped3A = tpu.sem_alloc : memref<!tpu.dma_semaphore, #tpu.memory_space<semaphore_mem>>
      %dma_start3A_89 = arith.constant 0 : i32
      %dma_start3A_90 = tpu.memref_slice %arg10[%add3A_83, %dma_start3A_89] : memref<10240x128xf32, #tpu.memory_space<vmem_shared>> -> memref<128x128xf32, #tpu.memory_space<vmem_shared>>
      %dma_start3A_91 = arith.constant 0 : i32
      %dma_start3A_92 = tpu.memref_slice %arg10[%add3A_83, %dma_start3A_91] : memref<10240x128xf32, #tpu.memory_space<vmem_shared>> -> memref<128x128xf32, #tpu.memory_space<vmem_shared>>
      tpu.enqueue_dma source(%dma_start3A_92 : memref<128x128xf32, #tpu.memory_space<vmem_shared>>) target(%arg8 : memref<128x128xf32, #tpu.memory_space<vmem>>) target_semaphore(%run_scoped3A : memref<!tpu.dma_semaphore, #tpu.memory_space<semaphore_mem>>)
      %dma_wait3A_93 = arith.constant 0 : i32
      %dma_wait3A_94 = tpu.memref_slice %arg10[%add3A_83, %dma_wait3A_93] : memref<10240x128xf32, #tpu.memory_space<vmem_shared>> -> memref<128x128xf32, #tpu.memory_space<vmem_shared>>
      %dma_wait3A_95 = arith.constant 0 : i32
      %dma_wait3A_96 = tpu.memref_slice %arg10[%add3A_83, %dma_wait3A_95] : memref<10240x128xf32, #tpu.memory_space<vmem_shared>> -> memref<128x128xf32, #tpu.memory_space<vmem_shared>>
      tpu.wait_dma2 semaphore(%run_scoped3A : memref<!tpu.dma_semaphore, #tpu.memory_space<semaphore_mem>>) src(%dma_wait3A_96 : memref<128x128xf32, #tpu.memory_space<vmem_shared>>) dst(%arg8 : memref<128x128xf32, #tpu.memory_space<vmem>>)
      tpu.yield
    }) : () -> ()
    %mul3A_84 = arith.constant 10240 : i32
    %mul3A_85 = arith.muli %arg0, %mul3A_84 : i32
    %add3A_86 = arith.addi %mul3A_85, %mul3A_4 : i32
    %add3A_87 = arith.constant 512 : i32
    %add3A_88 = arith.addi %add3A_86, %add3A_87 : i32
    "tpu.region"() ({
      %run_scoped3A = tpu.sem_alloc : memref<!tpu.dma_semaphore, #tpu.memory_space<semaphore_mem>>
      %dma_start3A_89 = arith.constant 0 : i32
      %dma_start3A_90 = tpu.memref_slice %arg5[%add3A_88, %dma_start3A_89] : memref<20480x128xf32, #tpu.memory_space<hbm>> -> memref<128x128xf32, #tpu.memory_space<hbm>>
      %dma_start3A_91 = arith.constant 0 : i32
      %dma_start3A_92 = tpu.memref_slice %arg5[%add3A_88, %dma_start3A_91] : memref<20480x128xf32, #tpu.memory_space<hbm>> -> memref<128x128xf32, #tpu.memory_space<hbm>>
      tpu.enqueue_dma source(%arg8 : memref<128x128xf32, #tpu.memory_space<vmem>>) target(%dma_start3A_92 : memref<128x128xf32, #tpu.memory_space<hbm>>) target_semaphore(%run_scoped3A : memref<!tpu.dma_semaphore, #tpu.memory_space<semaphore_mem>>)
      %dma_wait3A_93 = arith.constant 0 : i32
      %dma_wait3A_94 = tpu.memref_slice %arg5[%add3A_88, %dma_wait3A_93] : memref<20480x128xf32, #tpu.memory_space<hbm>> -> memref<128x128xf32, #tpu.memory_space<hbm>>
      %dma_wait3A_95 = arith.constant 0 : i32
      %dma_wait3A_96 = tpu.memref_slice %arg5[%add3A_88, %dma_wait3A_95] : memref<20480x128xf32, #tpu.memory_space<hbm>> -> memref<128x128xf32, #tpu.memory_space<hbm>>
      tpu.wait_dma2 semaphore(%run_scoped3A : memref<!tpu.dma_semaphore, #tpu.memory_space<semaphore_mem>>) src(%arg8 : memref<128x128xf32, #tpu.memory_space<vmem>>) dst(%dma_wait3A_96 : memref<128x128xf32, #tpu.memory_space<hbm>>)
      tpu.yield
    }) : () -> ()
    return
  }
}

module attributes {stable_mosaic.version = 14 : i64} {
  func.func @_mm2_body(%arg0: i32, %arg1: memref<1280x128xf32, #tpu.memory_space<vmem>>, %arg2: memref<128x128xf32, #tpu.memory_space<vmem>>, %arg3: memref<128x128xf32, #tpu.memory_space<vmem>>, %arg4: memref<1280x128xf32, #tpu.memory_space<vmem>>, %arg5: memref<1280x128xf32, #tpu.memory_space<vmem>>) attributes {dimension_semantics = [#tpu.dimension_semantics<arbitrary>], iteration_bounds = array<i64: 8>, scalar_prefetch = 0 : i64, scratch_operands = 0 : i64, tpu.core_type = #tpu.core_type<tc>, window_params = [{transform_indices = @transform_0, window_bounds = array<i64: 1280, 128>}, {pipeline_mode = #tpu.pipeline_mode<synchronous>, transform_indices = @transform_1, window_bounds = array<i64: 128, 128>}, {pipeline_mode = #tpu.pipeline_mode<synchronous>, transform_indices = @transform_2, window_bounds = array<i64: 128, 128>}, {transform_indices = @transform_3, window_bounds = array<i64: 1280, 128>}, {transform_indices = @transform_4, window_bounds = array<i64: 1280, 128>}]} {
    %get3A = arith.constant 0 : index
    %get3A_0 = arith.constant 0 : index
    %get3A_1 = vector.load %arg1[%get3A, %get3A_0] : memref<1280x128xf32, #tpu.memory_space<vmem>>, vector<1280x128xf32>
    %get3A_2 = arith.constant 0 : index
    %get3A_3 = arith.constant 0 : index
    %get3A_4 = vector.load %arg2[%get3A_2, %get3A_3] : memref<128x128xf32, #tpu.memory_space<vmem>>, vector<128x128xf32>
    %dot_general3A = arith.constant dense<0.000000e+00> : vector<1280x128xf32>
    %dot_general3A_5 = tpu.matmul %get3A_1, %get3A_4, %dot_general3A {dimension_numbers = #tpu.dot_dimension_numbers<[1], [0], [0], [1], [0, 0, 1, 1], [], []>, transpose_lhs_hint = false} : vector<1280x128xf32>, vector<128x128xf32>, vector<1280x128xf32> -> vector<1280x128xf32>
    %swap3A = arith.constant 0 : index
    %swap3A_6 = arith.constant 0 : index
    %swap3A_7 = vector.load %arg4[%swap3A, %swap3A_6] : memref<1280x128xf32, #tpu.memory_space<vmem>>, vector<1280x128xf32>
    tpu.vector_store %arg4[%swap3A, %swap3A_6], %dot_general3A_5 {strides = array<i32>} : memref<1280x128xf32, #tpu.memory_space<vmem>>, vector<1280x128xf32>,
    %get3A_8 = arith.constant 0 : index
    %get3A_9 = arith.constant 0 : index
    %get3A_10 = vector.load %arg3[%get3A_8, %get3A_9] : memref<128x128xf32, #tpu.memory_space<vmem>>, vector<128x128xf32>
    %dot_general3A_11 = arith.constant dense<0.000000e+00> : vector<1280x128xf32>
    %dot_general3A_12 = tpu.matmul %get3A_1, %get3A_10, %dot_general3A_11 {dimension_numbers = #tpu.dot_dimension_numbers<[1], [0], [0], [1], [0, 0, 1, 1], [], []>, transpose_lhs_hint = false} : vector<1280x128xf32>, vector<128x128xf32>, vector<1280x128xf32> -> vector<1280x128xf32>
    %swap3A_13 = arith.constant 0 : index
    %swap3A_14 = arith.constant 0 : index
    %swap3A_15 = vector.load %arg5[%swap3A_13, %swap3A_14] : memref<1280x128xf32, #tpu.memory_space<vmem>>, vector<1280x128xf32>
    tpu.vector_store %arg5[%swap3A_13, %swap3A_14], %dot_general3A_12 {strides = array<i32>} : memref<1280x128xf32, #tpu.memory_space<vmem>>, vector<1280x128xf32>,
    return
  }
  func.func @transform_0(%arg0: i32) -> (i32, i32) {
    %c0_i32 = arith.constant 0 : i32
    %c0_i32_0 = arith.constant 0 : i32
    return %arg0, %c0_i32 : i32, i32
  }
  func.func @transform_1(%arg0: i32) -> (i32, i32) {
    %c0_i32 = arith.constant 0 : i32
    %c0_i32_0 = arith.constant 0 : i32
    %c0_i32_1 = arith.constant 0 : i32
    return %c0_i32, %c0_i32_0 : i32, i32
  }
  func.func @transform_2(%arg0: i32) -> (i32, i32) {
    %c0_i32 = arith.constant 0 : i32
    %c0_i32_0 = arith.constant 0 : i32
    %c0_i32_1 = arith.constant 0 : i32
    return %c0_i32, %c0_i32_0 : i32, i32
  }
  func.func @transform_3(%arg0: i32) -> (i32, i32) {
    %c0_i32 = arith.constant 0 : i32
    %c0_i32_0 = arith.constant 0 : i32
    return %arg0, %c0_i32 : i32, i32
  }
  func.func @transform_4(%arg0: i32) -> (i32, i32) {
    %c0_i32 = arith.constant 0 : i32
    %c0_i32_0 = arith.constant 0 : i32
    return %arg0, %c0_i32 : i32, i32
  }
}

module attributes {stable_mosaic.version = 14 : i64} {
  func.func @_mid_body(%arg0: i32, %arg1: memref<2x1280x128xf32, #tpu.memory_space<vmem>>, %arg2: memref<1280x1xf32, #tpu.memory_space<vmem>>, %arg3: memref<1280x128xf32, #tpu.memory_space<vmem>>, %arg4: memref<1x128xf32, #tpu.memory_space<vmem>>, %arg5: memref<128x128xf32, #tpu.memory_space<vmem>>, %arg6: memref<128x128xf32, #tpu.memory_space<vmem>>, %arg7: memref<1280x128xf32, #tpu.memory_space<vmem>>, %arg8: memref<1280x128xf32, #tpu.memory_space<vmem>>) attributes {dimension_semantics = [#tpu.dimension_semantics<arbitrary>], iteration_bounds = array<i64: 8>, scalar_prefetch = 0 : i64, scratch_operands = 0 : i64, tpu.core_type = #tpu.core_type<tc>, window_params = [{transform_indices = @transform_0, window_bounds = array<i64: 2, 1280, 128>}, {transform_indices = @transform_1, window_bounds = array<i64: 1280, 1>}, {transform_indices = @transform_2, window_bounds = array<i64: 1280, 128>}, {pipeline_mode = #tpu.pipeline_mode<synchronous>, transform_indices = @transform_3, window_bounds = array<i64: 1, 128>}, {pipeline_mode = #tpu.pipeline_mode<synchronous>, transform_indices = @transform_4, window_bounds = array<i64: 128, 128>}, {pipeline_mode = #tpu.pipeline_mode<synchronous>, transform_indices = @transform_5, window_bounds = array<i64: 128, 128>}, {transform_indices = @transform_6, window_bounds = array<i64: 1280, 128>}, {transform_indices = @transform_7, window_bounds = array<i64: 1280, 128>}]} {
    %get3A = arith.constant 0 : index
    %get3A_0 = arith.constant 0 : index
    %get3A_1 = arith.constant 0 : index
    %get3A_2 = vector.load %arg1[%get3A, %get3A_0, %get3A_1] : memref<2x1280x128xf32, #tpu.memory_space<vmem>>, vector<1x1280x128xf32>
    %get3A_3 = vector.shape_cast %get3A_2 : vector<1x1280x128xf32> to vector<1280x128xf32>
    %get3A_4 = arith.constant 1 : index
    %get3A_5 = arith.constant 0 : index
    %get3A_6 = arith.constant 0 : index
    %get3A_7 = vector.load %arg1[%get3A_4, %get3A_5, %get3A_6] : memref<2x1280x128xf32, #tpu.memory_space<vmem>>, vector<1x1280x128xf32>
    %get3A_8 = vector.shape_cast %get3A_7 : vector<1x1280x128xf32> to vector<1280x128xf32>
    %add3A = arith.addf %get3A_3, %get3A_8 : vector<1280x128xf32>
    %get3A_9 = arith.constant 0 : index
    %get3A_10 = arith.constant 0 : index
    %get3A_11 = vector.load %arg2[%get3A_9, %get3A_10] : memref<1280x1xf32, #tpu.memory_space<vmem>>, vector<1280x1xf32>
    %div3A = vector.broadcast %get3A_11 : vector<1280x1xf32> to vector<1280x128xf32>
    %div3A_12 = arith.divf %add3A, %div3A : vector<1280x128xf32>
    %get3A_13 = arith.constant 0 : index
    %get3A_14 = arith.constant 0 : index
    %get3A_15 = vector.load %arg3[%get3A_13, %get3A_14] : memref<1280x128xf32, #tpu.memory_space<vmem>>, vector<1280x128xf32>
    %add3A_16 = arith.addf %div3A_12, %get3A_15 : vector<1280x128xf32>
    %get3A_17 = arith.constant 0 : index
    %get3A_18 = arith.constant 0 : index
    %get3A_19 = vector.load %arg4[%get3A_17, %get3A_18] : memref<1x128xf32, #tpu.memory_space<vmem>>, vector<1x128xf32>
    %add3A_20 = vector.broadcast %get3A_19 : vector<1x128xf32> to vector<1280x128xf32>
    %add3A_21 = arith.addf %add3A_16, %add3A_20 : vector<1280x128xf32>
    %max3A = arith.constant 0.000000e+00 : f32
    %max3A_22 = vector.broadcast %max3A : f32 to vector<1280x128xf32>
    %max3A_23 = arith.maximumf %add3A_21, %max3A_22 : vector<1280x128xf32>
    %get3A_24 = arith.constant 0 : index
    %get3A_25 = arith.constant 0 : index
    %get3A_26 = vector.load %arg5[%get3A_24, %get3A_25] : memref<128x128xf32, #tpu.memory_space<vmem>>, vector<128x128xf32>
    %dot_general3A = arith.constant dense<0.000000e+00> : vector<1280x128xf32>
    %dot_general3A_27 = tpu.matmul %max3A_23, %get3A_26, %dot_general3A {dimension_numbers = #tpu.dot_dimension_numbers<[1], [0], [0], [1], [0, 0, 1, 1], [], []>, transpose_lhs_hint = false} : vector<1280x128xf32>, vector<128x128xf32>, vector<1280x128xf32> -> vector<1280x128xf32>
    %swap3A = arith.constant 0 : index
    %swap3A_28 = arith.constant 0 : index
    %swap3A_29 = vector.load %arg7[%swap3A, %swap3A_28] : memref<1280x128xf32, #tpu.memory_space<vmem>>, vector<1280x128xf32>
    tpu.vector_store %arg7[%swap3A, %swap3A_28], %dot_general3A_27 {strides = array<i32>} : memref<1280x128xf32, #tpu.memory_space<vmem>>, vector<1280x128xf32>,
    %get3A_30 = arith.constant 0 : index
    %get3A_31 = arith.constant 0 : index
    %get3A_32 = vector.load %arg6[%get3A_30, %get3A_31] : memref<128x128xf32, #tpu.memory_space<vmem>>, vector<128x128xf32>
    %dot_general3A_33 = arith.constant dense<0.000000e+00> : vector<1280x128xf32>
    %dot_general3A_34 = tpu.matmul %max3A_23, %get3A_32, %dot_general3A_33 {dimension_numbers = #tpu.dot_dimension_numbers<[1], [0], [0], [1], [0, 0, 1, 1], [], []>, transpose_lhs_hint = false} : vector<1280x128xf32>, vector<128x128xf32>, vector<1280x128xf32> -> vector<1280x128xf32>
    %swap3A_35 = arith.constant 0 : index
    %swap3A_36 = arith.constant 0 : index
    %swap3A_37 = vector.load %arg8[%swap3A_35, %swap3A_36] : memref<1280x128xf32, #tpu.memory_space<vmem>>, vector<1280x128xf32>
    tpu.vector_store %arg8[%swap3A_35, %swap3A_36], %dot_general3A_34 {strides = array<i32>} : memref<1280x128xf32, #tpu.memory_space<vmem>>, vector<1280x128xf32>,
    return
  }
  func.func @transform_0(%arg0: i32) -> (i32, i32, i32) {
    %c0_i32 = arith.constant 0 : i32
    %c0_i32_0 = arith.constant 0 : i32
    %c0_i32_1 = arith.constant 0 : i32
    return %c0_i32, %arg0, %c0_i32_0 : i32, i32, i32
  }
  func.func @transform_1(%arg0: i32) -> (i32, i32) {
    %c0_i32 = arith.constant 0 : i32
    %c0_i32_0 = arith.constant 0 : i32
    return %arg0, %c0_i32 : i32, i32
  }
  func.func @transform_2(%arg0: i32) -> (i32, i32) {
    %c0_i32 = arith.constant 0 : i32
    %c0_i32_0 = arith.constant 0 : i32
    return %arg0, %c0_i32 : i32, i32
  }
  func.func @transform_3(%arg0: i32) -> (i32, i32) {
    %c0_i32 = arith.constant 0 : i32
    %c0_i32_0 = arith.constant 0 : i32
    %c0_i32_1 = arith.constant 0 : i32
    return %c0_i32, %c0_i32_0 : i32, i32
  }
  func.func @transform_4(%arg0: i32) -> (i32, i32) {
    %c0_i32 = arith.constant 0 : i32
    %c0_i32_0 = arith.constant 0 : i32
    %c0_i32_1 = arith.constant 0 : i32
    return %c0_i32, %c0_i32_0 : i32, i32
  }
  func.func @transform_5(%arg0: i32) -> (i32, i32) {
    %c0_i32 = arith.constant 0 : i32
    %c0_i32_0 = arith.constant 0 : i32
    %c0_i32_1 = arith.constant 0 : i32
    return %c0_i32, %c0_i32_0 : i32, i32
  }
  func.func @transform_6(%arg0: i32) -> (i32, i32) {
    %c0_i32 = arith.constant 0 : i32
    %c0_i32_0 = arith.constant 0 : i32
    return %arg0, %c0_i32 : i32, i32
  }
  func.func @transform_7(%arg0: i32) -> (i32, i32) {
    %c0_i32 = arith.constant 0 : i32
    %c0_i32_0 = arith.constant 0 : i32
    return %arg0, %c0_i32 : i32, i32
  }
}

module attributes {stable_mosaic.version = 14 : i64} {
  func.func @_out_body(%arg0: i32, %arg1: memref<2x1280x128xf32, #tpu.memory_space<vmem>>, %arg2: memref<1280x1xf32, #tpu.memory_space<vmem>>, %arg3: memref<1280x128xf32, #tpu.memory_space<vmem>>, %arg4: memref<1x128xf32, #tpu.memory_space<vmem>>, %arg5: memref<1280x128xf32, #tpu.memory_space<vmem>>) attributes {dimension_semantics = [#tpu.dimension_semantics<arbitrary>], iteration_bounds = array<i64: 8>, scalar_prefetch = 0 : i64, scratch_operands = 0 : i64, tpu.core_type = #tpu.core_type<tc>, window_params = [{transform_indices = @transform_0, window_bounds = array<i64: 2, 1280, 128>}, {transform_indices = @transform_1, window_bounds = array<i64: 1280, 1>}, {transform_indices = @transform_2, window_bounds = array<i64: 1280, 128>}, {pipeline_mode = #tpu.pipeline_mode<synchronous>, transform_indices = @transform_3, window_bounds = array<i64: 1, 128>}, {transform_indices = @transform_4, window_bounds = array<i64: 1280, 128>}]} {
    %get3A = arith.constant 0 : index
    %get3A_0 = arith.constant 0 : index
    %get3A_1 = arith.constant 0 : index
    %get3A_2 = vector.load %arg1[%get3A, %get3A_0, %get3A_1] : memref<2x1280x128xf32, #tpu.memory_space<vmem>>, vector<1x1280x128xf32>
    %get3A_3 = vector.shape_cast %get3A_2 : vector<1x1280x128xf32> to vector<1280x128xf32>
    %get3A_4 = arith.constant 1 : index
    %get3A_5 = arith.constant 0 : index
    %get3A_6 = arith.constant 0 : index
    %get3A_7 = vector.load %arg1[%get3A_4, %get3A_5, %get3A_6] : memref<2x1280x128xf32, #tpu.memory_space<vmem>>, vector<1x1280x128xf32>
    %get3A_8 = vector.shape_cast %get3A_7 : vector<1x1280x128xf32> to vector<1280x128xf32>
    %add3A = arith.addf %get3A_3, %get3A_8 : vector<1280x128xf32>
    %get3A_9 = arith.constant 0 : index
    %get3A_10 = arith.constant 0 : index
    %get3A_11 = vector.load %arg2[%get3A_9, %get3A_10] : memref<1280x1xf32, #tpu.memory_space<vmem>>, vector<1280x1xf32>
    %div3A = vector.broadcast %get3A_11 : vector<1280x1xf32> to vector<1280x128xf32>
    %div3A_12 = arith.divf %add3A, %div3A : vector<1280x128xf32>
    %get3A_13 = arith.constant 0 : index
    %get3A_14 = arith.constant 0 : index
    %get3A_15 = vector.load %arg3[%get3A_13, %get3A_14] : memref<1280x128xf32, #tpu.memory_space<vmem>>, vector<1280x128xf32>
    %add3A_16 = arith.addf %div3A_12, %get3A_15 : vector<1280x128xf32>
    %get3A_17 = arith.constant 0 : index
    %get3A_18 = arith.constant 0 : index
    %get3A_19 = vector.load %arg4[%get3A_17, %get3A_18] : memref<1x128xf32, #tpu.memory_space<vmem>>, vector<1x128xf32>
    %add3A_20 = vector.broadcast %get3A_19 : vector<1x128xf32> to vector<1280x128xf32>
    %add3A_21 = arith.addf %add3A_16, %add3A_20 : vector<1280x128xf32>
    %logistic3A = arith.negf %add3A_21 : vector<1280x128xf32>
    %logistic3A_22 = math.exp %logistic3A : vector<1280x128xf32>
    %logistic3A_23 = arith.constant 1.000000e+00 : f32
    %logistic3A_24 = vector.broadcast %logistic3A_23 : f32 to vector<1280x128xf32>
    %logistic3A_25 = arith.addf %logistic3A_24, %logistic3A_22 : vector<1280x128xf32>
    %logistic3A_26 = arith.divf %logistic3A_24, %logistic3A_25 : vector<1280x128xf32>
    %swap3A = arith.constant 0 : index
    %swap3A_27 = arith.constant 0 : index
    %swap3A_28 = vector.load %arg5[%swap3A, %swap3A_27] : memref<1280x128xf32, #tpu.memory_space<vmem>>, vector<1280x128xf32>
    tpu.vector_store %arg5[%swap3A, %swap3A_27], %logistic3A_26 {strides = array<i32>} : memref<1280x128xf32, #tpu.memory_space<vmem>>, vector<1280x128xf32>,
    return
  }
  func.func @transform_0(%arg0: i32) -> (i32, i32, i32) {
    %c0_i32 = arith.constant 0 : i32
    %c0_i32_0 = arith.constant 0 : i32
    %c0_i32_1 = arith.constant 0 : i32
    return %c0_i32, %arg0, %c0_i32_0 : i32, i32, i32
  }
  func.func @transform_1(%arg0: i32) -> (i32, i32) {
    %c0_i32 = arith.constant 0 : i32
    %c0_i32_0 = arith.constant 0 : i32
    return %arg0, %c0_i32 : i32, i32
  }
  func.func @transform_2(%arg0: i32) -> (i32, i32) {
    %c0_i32 = arith.constant 0 : i32
    %c0_i32_0 = arith.constant 0 : i32
    return %arg0, %c0_i32 : i32, i32
  }
  func.func @transform_3(%arg0: i32) -> (i32, i32) {
    %c0_i32 = arith.constant 0 : i32
    %c0_i32_0 = arith.constant 0 : i32
    %c0_i32_1 = arith.constant 0 : i32
    return %c0_i32, %c0_i32_0 : i32, i32
  }
  func.func @transform_4(%arg0: i32) -> (i32, i32) {
    %c0_i32 = arith.constant 0 : i32
    %c0_i32_0 = arith.constant 0 : i32
    return %arg0, %c0_i32 : i32, i32
  }
}

</mosaic_0001>

<sc_bundles>
// kernel: kernel.11.cloned.1.call-start
scs
__scs_entry_jumppad:
0x0: {  	(pc) =	sbr.rel $0x88, $3  }
0x1: {  	(tag) =	ssettag $0x0;
	lr =	simm.s32 $0x1  }
0x2: {  	[smem:$0x3F99] =	sst lr;
	_ =	strace $0xD0000000  }
0x3: {  	_ = 	snop  }
0x4: {  	_ = 	snop  }
0x5: {  	_ = 	snop  }
0x6: {  	_ = 	snop  }
0x7: {  	_ = 	snop  }
__scs_overlays_trampoline_lowered:
0x8: {  	[smem:$0x3FA8] =	sst s0  }
0x9: {  	[smem:$0x3FA9] =	sst s1  }
0xa: {  	[smem:$0x3FAA] =	sst s2  }
0xb: {  	[smem:$0x3FAB] =	sst s3  }
0xc: {  	[smem:$0x3FAC] =	sst s4  }
0xd: {  	[smem:$0x3FAD] =	sst s5  }
0xe: {  	[smem:$0x3FAE] =	sst s6  }
0xf: {  	[smem:$0x3FAF] =	sst s7  }
0x10: {  	[smem:$0x3FB0] =	sst s8  }
0x11: {  	[smem:$0x3FB1] =	sst s9;
	s0 =	simm.s32 @!p0 $0x0  }
0x12: {  	s1 =	sld [smem:$0x3F97];
	s0 =	simm.s32 @p0 $0x1  }
0x13: {  	[smem:$0x3FB2] =	sst s0;
	s0 =	simm.s32 @!p1 $0x0  }
0x14: {  	s2 =	sld [smem:$0x3F96];
	s0 =	simm.s32 @p1 $0x1  }
0x15: {  	[smem:$0x3FB3] =	sst s0;
	s0 =	simm.s32 @!p2 $0x0  }
0x16: {  	s3 =	sld [smem:$0x3FDB];
	s0 =	simm.s32 @p2 $0x1  }
0x17: {  	s4 =	simm.s32 $0x1BF5;
	[smem:$0x3FB5] =	sst s0  }
0x18: {  	s0 =	sld [smem:$0x3F98];
	_ =	swait.ge [sflag:s4], $0x0  }
0x19: {  	s7 =	sld [smem:$0x3F99]  }
0x1a: {  	s8 =	sadd.s32 $0xFFFFE003, lr  }
0x1b: {  	s9 =	sadd.s32 $0xFFFFFEF7, lr;
	s5 =	simm.s32 $0xFFFFFFFF;
	p2 =	slt.u32 s8, $0xFFFFF086  }
0x1c: {  	p1 =	slt.u32 s9, $0xF7A;
	s5 =	simm.s32 @!p2 $0x0  }
0x1d: {  	s5 =	simm.s32 @p1 $0x1;
	p0 =	seq.s32 s7, s2  }
0x1e: {  	s7 =	smul.u32 @!p0 $0xF7A, s2;
	p2 =	seq.s32 @!p0 s5, $0x0  }
0x1f: {  	s9 =	smul.u32 $0xF7A, s1;
	s8 =	simm.s32 @!p0 $0x1BF5;
	p2 =	por !p2, p0  }
0x20: {  	[sflag:s8] =	ssyncset.s32 @!p0 $0xFFFFF086;
	s6 =	sadd.s32 @!p0 s3, s7;
	s7 =	simm.s32 @!p0 $0x108  }
0x21: {  	s3 =	sadd.s32 s3, s9;
	s6 =	sadd.s32 @!p0 $0x88, s6;
	s7 =	simm.s32 @p2 $0x1082  }
0x22: {  	[simem:s7], [sflag:s8] =	dma.local @!p0 [hbm:s6], $0xF7A  }
0x23: {  	s9 =	sor.u32 $0xD0000000, s2;
	s6 =	simm.s32 $0x108;
	_ =	swait.ge @!p0 [sflag:s8], $0x0  }
0x24: {  	s3 =	sadd.s32 $0x88, s3;
	s6 =	simm.s32 @!p1 $0x1082;
	[sflag:s4] =	ssyncset.s32 $0xFFFFF086  }
0x25: {  	[simem:s6], [sflag:s4] =	dma.local [hbm:s3], $0xF7A  }
0x26: {  	[smem:$0x3F99] =	sst s1;
	(tag) =	ssettag s2;
	_ =	strace s9  }
0x27: {  	s1 =	sld [smem:$0x3FA9]  }
0x28: {  	s2 =	sld [smem:$0x3FAA]  }
0x29: {  	s4 =	sld [smem:$0x3FAC]  }
0x2a: {  	p0 =	seq.s32 s5, $0x0;
	s5 =	sld [smem:$0x3FAD]  }
0x2b: {  	s6 =	sld [smem:$0x3FAE]  }
0x2c: {  	s7 =	sld [smem:$0x3FAF]  }
0x2d: {  	s3 =	simm.s32 $0x108;
	s8 =	sld [smem:$0x3FB0]  }
0x2e: {  	s3 =	simm.s32 @!p0 $0x1082;
	s9 =	sld [smem:$0x3FB1]  }
0x2f: {  	lr =	sadd.s32 s0, s3;
	s0 =	sld [smem:$0x3FA8]  }
0x30: {  	s3 =	sld [smem:$0x3FAB]  }
0x31: {  	[smem:$0x3FB4] =	sst s10  }
0x32: {  	s10 =	sld [smem:$0x3FB2];
	_ =	sdelay $0x3  }
0x33: {  	p0 =	seq.s32 s10, $0x1;
	s10 =	sld [smem:$0x3FB4];
	_ =	sdelay $0x3  }
0x34: {  	[smem:$0x3FB4] =	sst s10  }
0x35: {  	s10 =	sld [smem:$0x3FB3];
	_ =	sdelay $0x3  }
0x36: {  	p1 =	seq.s32 s10, $0x1;
	s10 =	sld [smem:$0x3FB4];
	_ =	sdelay $0x3  }
0x37: {  	[smem:$0x3FB4] =	sst s10  }
0x38: {  	s10 =	sld [smem:$0x3FB5]  }
0x39: {  	_ = 	snop;
	(pc) =	sbr.ind lr, $3  }
0x3a: {  	_ = 	snop  }
0x3b: {  	_ = 	snop  }
0x3c: {  	p2 =	seq.s32 s10, $0x1;
	s10 =	sld [smem:$0x3FB4]  }
0x3d: {  	_ =	shalt  }
0x3e: {  	_ =	shalt  }
0x3f: {  	_ =	shalt  }
0x40: {  	_ =	shalt  }
0x41: {  	_ =	shalt  }
0x42: {  	_ =	shalt  }
0x43: {  	_ =	shalt  }
0x44: {  	_ =	shalt  }
0x45: {  	_ =	shalt  }
0x46: {  	_ =	shalt  }
0x47: {  	_ =	shalt  }
0x48: {  	_ =	shalt  }
0x49: {  	_ =	shalt  }
0x4a: {  	_ =	shalt  }
0x4b: {  	_ =	shalt  }
0x4c: {  	_ =	shalt  }
0x4d: {  	_ =	shalt  }
0x4e: {  	_ =	shalt  }
0x4f: {  	_ =	shalt  }
0x50: {  	_ =	shalt  }
0x51: {  	_ =	shalt  }
0x52: {  	_ =	shalt  }
0x53: {  	_ =	shalt  }
0x54: {  	_ =	shalt  }
0x55: {  	_ =	shalt  }
0x56: {  	_ =	shalt  }
0x57: {  	_ =	shalt  }
0x58: {  	_ =	shalt  }
0x59: {  	_ =	shalt  }
0x5a: {  	_ =	shalt  }
0x5b: {  	_ =	shalt  }
0x5c: {  	_ =	shalt  }
0x5d: {  	_ =	shalt  }
0x5e: {  	_ =	shalt  }
0x5f: {  	_ =	shalt  }
0x60: {  	_ =	shalt  }
0x61: {  	_ =	shalt  }
0x62: {  	_ =	shalt  }
0x63: {  	_ =	shalt  }
0x64: {  	_ =	shalt  }
0x65: {  	_ =	shalt  }
0x66: {  	_ =	shalt  }
0x67: {  	_ =	shalt  }
0x68: {  	_ =	shalt  }
0x69: {  	_ =	shalt  }
0x6a: {  	_ =	shalt  }
0x6b: {  	_ =	shalt  }
0x6c: {  	_ =	shalt  }
0x6d: {  	_ =	shalt  }
0x6e: {  	_ =	shalt  }
0x6f: {  	_ =	shalt  }
0x70: {  	_ =	shalt  }
0x71: {  	_ =	shalt  }
0x72: {  	_ =	shalt  }
0x73: {  	_ =	shalt  }
0x74: {  	_ =	shalt  }
0x75: {  	_ =	shalt  }
0x76: {  	_ =	shalt  }
0x77: {  	_ =	shalt  }
0x78: {  	_ =	shalt  }
0x79: {  	_ =	shalt  }
0x7a: {  	_ =	shalt  }
0x7b: {  	_ =	shalt  }
0x7c: {  	_ =	shalt  }
0x7d: {  	_ =	shalt  }
0x7e: {  	_ =	shalt  }
0x7f: {  	_ =	shalt  }
0x80: {  	_ =	shalt  }
0x81: {  	_ =	shalt  }
0x82: {  	_ =	shalt  }
0x83: {  	_ =	shalt  }
0x84: {  	_ =	shalt  }
0x85: {  	_ =	shalt  }
0x86: {  	_ =	shalt  }
0x87: {  	_ =	shalt  }
.Lfunc_end0:
.L_simem_size_0:
called_computation.1_lowered:
.L_overlay_start_0:
0x88: {  	s2 =	sld [smem:$0x3FD9]  }
0x89: {  	s3 =	sld [smem:$0x3FFE];
	_ =	sdelay $0x1  }
0x8a: {  	s1 =	srdreg.scid  }
0x8b: {  	s0 =	sand.u32 $0x1, s1  }
0x8c: {  	s17 =	sshll.u32 s0, $0xA;
	s2 =	sadd.s32 s3, s2  }
0x8d: {  	s2 =	sadd.s32 s2, s17  }
0x8e: {  	[smem:$0x3FC0] =	sst s2  }
0x8f: {  	_ = 	snop  }
0x90: {  	s18 =	sld [smem:$0x3FD0];
	(tm) =	ssettm $0x1  }
0x91: {  	s19 =	sld [smem:$0x3FFB];
	_ =	sdelay $0x3  }
0x92: {  	_ =	strace s19  }
0x93: {  	s2 =	sld [smem:$0x3FFC];
	_ =	sdelay $0x3  }
0x94: {  	_ =	strace s2  }
0x95: {  	s2 =	sld [smem:$0x3FFD];
	_ =	sdelay $0x3  }
0x96: {  	_ =	strace s2  }
0x97: {  	_ =	strace $0x8FFFFFFF  }
0x98: {  	s20 =	sld [smem:$0x3FDB];
	_ =	sdelay $0x1  }
0x99: {  	s4 =	simm.s32 $_scs_section_size  }
0x9a: {  	s5 =	simm.s32 $_size__tile_overlayer_lowered;
	s6 =	simm.s32 $_tile_overlayer_lowered  }
0x9b: {  	s7 =	simm.s32 $0x1BFF;
	s21 =	sshll.u32 s6, $0x1;
	s4 =	sadd.s32 s4, s20  }
0x9c: {  	s22 =	simm.s32 $0x0;
	s5 =	sshll.u32 s5, $0x1;
	s6 =	sadd.s32 s21, s4  }
0x9d: {  	[timem:s22], [sflag:s7] =	dma.local [hbm:s6], s5  }
0x9e: {  	_ =	swait.ge [sflag:s7], s5  }
0x9f: {  	s5 =	ssub.s32 $0x0, s5;
	[sflag:s7] =	ssyncset.done $0x0  }
0xa0: {  	[sflag:s7] =	ssyncadd.s32 s5;
	_ =	sdelay $0x1  }
0xa1: {  	s23 =	simm.s32 $0x1B8B  }
0xa2: {  	_ =	swait.ge [sflag:s23], $0x1  }
0xa3: {  	[sflag:s23] =	ssyncset.done $0x0  }
0xa4: {  	[sflag:s23] =	ssyncadd.s32 $0xFFFFFFFF  }
0xa5: {  	s5 =	sld [smem:$0x0]  }
0xa6: {  	s6 =	sand.u32 $0xFFFFFFFE, s1  }
0xa7: {  	p0 =	sne.s32 s1, s6  }
0xa8: {  	s6 =	sshll.u32 @p0 s6, $0xE  }
0xa9: {  	s6 =	sadd.s32 @p0 $0x11B8D, s6;
	s7 =	sshll.u32 @p0 s5, $0x11  }
0xaa: {  	s6 =	sor.u32 @p0 s7, s6  }
0xab: {  	[sflag:s6] =	ssyncadd.remote.s32 @p0 $0x1;
	_ =	sdelay $0x1  }
0xac: {  	s6 =	simm.s32 @p0 $0x1B8D  }
0xad: {  	_ =	swait.eq @p0 [sflag:s6], $0x1  }
0xae: {  	[sflag:s6] =	ssyncadd.s32 @p0 $0xFFFFFFFF  }
0xaf: {  	s7 =	sshll.u32 @!p0 s1, $0xE  }
0xb0: {  	s7 =	sor.u32 @!p0 $0x4000, s7;
	s6 =	simm.s32 @!p0 $0x1B8D  }
0xb1: {  	s5 =	sshll.u32 @!p0 s5, $0x11;
	s7 =	sadd.s32 @!p0 $0x11B8D, s7;
	_ =	swait.eq @!p0 [sflag:s6], $0x1  }
0xb2: {  	s5 =	sor.u32 @!p0 s5, s7;
	[sflag:s6] =	ssyncadd.s32 @!p0 $0xFFFFFFFF  }
0xb3: {  	s25 =	simm.s32 $0x1B8E;
	s24 =	sld [smem:$0x3FFE];
	[sflag:s5] =	ssyncadd.remote.s32 @!p0 $0x1  }
0xb4: {  	s26 =	simm.s32 $execute0_lowered;
	[smem:$0x3FD2] =	sst s25  }
0xb5: {  	s6 =	sshll.u32 s26, $0x1;
	_ =	strace $0x80000049;
	[dreg:$0x1] =	wrdreg $0xFFFFFFFF  }
0xb6: {  	s28 =	simm.s32 $_size_execute0_lowered;
	s4 =	sadd.s32 s4, s6;
	[dreg:$0x0] =	wrdreg $0x0  }
0xb7: {  	s6 =	sshll.u32 s28, $0x1;
	[dreg:$0x2] =	wrdreg s4  }
0xb8: {  	[dreg:$0x3] =	wrdreg s6  }
0xb9: {  	[dreg:$0x4] =	wrdreg $0xC0  }
0xba: {  	_ =	task [dreg:s22], $0x5FFFF  }
0xbb: {  	[dreg:$0x1] =	wrdreg $0xFFFFFFFF  }
0xbc: {  	[dreg:$0x0] =	wrdreg $0x60  }
0xbd: {  	[dreg:$0x2] =	wrdreg s24  }
0xbe: {  	[dreg:$0x3] =	wrdreg s18  }
0xbf: {  	[dreg:$0x4] =	wrdreg $0x82000  }
0xc0: {  	[dreg:$0x5] =	wrdreg $0xA  }
0xc1: {  	_ =	task.clear_ibuf [dreg:s22], $0x6FFFF;
	_ =	strace $0x90000049  }
0xc2: {  	s29 =	simm.s32 $0xA;
	_ =	strace $0x8000004B  }
0xc3: {  	_ =	swait.ge [sflag:s29], $0x1  }
0xc4: {  	[sflag:s29] =	ssyncadd.s32 $0xFFFFFFFF  }
0xc5: {  	_ =	strace $0x9000004B  }
0xc6: {  	_ =	sfence  }
0xc7: {  	s30 =	sld [smem:$0x0];
	_ =	sdelay $0x2  }
0xc8: {  	s31 =	sshll.u32 s1, $0xD;
	s1 =	sshrl.u32 s1, $0x2  }
0xc9: {  	s4 =	sand.u32 $0x4000, s31;
	s1 =	sadd.s32 s1, s30  }
0xca: {  	s0 =	sor.u32 s4, s0;
	s1 =	sshll.u32 s1, $0x11  }
0xcb: {  	s0 =	sor.u32 s1, s0  }
0xcc: {  	s0 =	sadd.s32 $0x8F2B, s0  }
0xcd: {  	[sflag:s0] =	ssyncadd.remote.s32 $0x1  }
0xce: {  	_ =	sfence.sel $0xFFFF  }
0xcf: {  	[dreg:$0x0] =	wrdreg $0xFFFFFFFF;
	(pc) =	sbr.abs _section_cstart, $3  }
0xd0: {  	[dreg:$0x1] =	wrdreg $0xFFFFFFFF  }
0xd1: {  	_ =	task.clear_ibuf [dreg:s22], $0x2FFFF;
	_ =	strace $0x9FFFFFFF  }
0xd2: {  	(tm) =	ssettm $0x7FFFFFFF  }
0xd3: {  	_ =	shalt  }
tec
execute0_lowered:
.L_overlay_start_1:
0x0: {  	(tag) =	ssettag $0x1  }
0x1: {  	s1 =	rddreg [dreg:$0x0]  }
0x2: {  	s2 =	rddreg [dreg:$0x1];
	s4 =	srdreg.scid  }
0x3: {  	s0 =	stileid.u32;
	s3 =	rddreg [dreg:$0x2];
	s28 =	simm.s32 $0x1  }
0x4: {  	s29 =	simm.s32 $0x2;
	s30 =	simm.s32 $0x180;
	s5 =	smul.u32 $0x280, s0  }
0x5: {  	s31 =	simm.s32 $0x0;
	s14 =	sand.u32 $0x1, s4;
	s8 =	smul.u32 $0x50000, s0  }
0x6: {  	s4 =	simm.s32 $0x0;
	s21 =	sadd.s32 $0x2000, s1;
	s6 =	smul.u32 $0x2800, s14  }
0x7: {  	[smem:$0x7FF] =	sst s4;
	s22 =	sshll.u32 s14, $0x4;
	s9 =	ssub.s32 $0x2, s14  }
0x8: {  	_ =	strace $0x8000004A;
	[dreg:$0x4] =	wrdreg s21;
	s21 =	smul.u32 $0x500, s14  }
0x9: {  	s10 =	sor.u32 s0, s22;
	s23 =	sshrl.u32 s8, $0x2;
	s22 =	smul.u32 $0x50, s0  }
0xa: {  	s24 =	sshrl.u32 s9, $0x1;
	s6 =	sadd.s32 s5, s6;
	s11 =	smul.u32 $0xA00, s10  }
0xb: {  	s5 =	sadd.s32 $0x53000, s1;
	s20 =	ssub.s32 s9, s24;
	s15 =	smul.u32 $0x50, s10  }
0xc: {  	s24 =	simm.s32 $0x80;
	s7 =	sshll.u32 s6, $0x4;
	s20 =	smax.u32 s20, $0x1  }
0xd: {  	s21 =	sadd.s32 s22, s21;
	s22 =	simm.s32 $0x200;
	s1 =	sadd.s32 s7, s1  }
0xe: {  	s7 =	sadd.s32 s23, s3;
	s11 =	sadd.s32 s2, s11;
	s15 =	sadd.s32 $0x4F, s15  }
0xf: {  	s23 =	simm.s32 $0x3;
	s8 =	sadd.s32 $0x4000, s7;
	s9 =	sadd.s32 $0x8000, s7  }
0x10: {  	s10 =	sadd.s32 $0xC000, s7;
	s12 =	sadd.s32 $0x10000, s7;
	s25 =	sadd.s32 $0x20, s11  }
0x11: {  	s26 =	sadd.s32 $0x7B000, s1;
	s16 =	sadd.s32 $0x7B800, s1;
	s17 =	sadd.s32 $0x7C000, s1  }
0x12: {  	s18 =	sadd.s32 $0x7C800, s1;
	s19 =	sadd.s32 $0x7D000, s1;
	[dreg:$0x5] =	wrdreg s25  }
0x13: {  	[dreg:$0x6] =	wrdreg s26;
	s25 =	simm.s32 $0x100;
	s26 =	simm.s32 $0x4200  }
.LBB2_1:
0x14: {  	s0 =	rddreg [dreg:$0x4]  }
0x15: {  	[tilespmem:s22], [sflag:$0x3] =	stream.linear.gather [hbm4b:s0+s4], $0x4000, $0x38;
	[tilespmem:$0x1C200] =	vst v63  }
0x16: {  	_ =	swait.ge [sflag:s23], $0x4000  }
0x17: {  	[sflag:s23] =	ssyncset.done $0x0  }
0x18: {  	[sflag:s23] =	ssyncadd.s32 $0xFFFFC000  }
0x19: {  	[spmem:s7] =	stream.linear.scatter [tilespmem:s22], [sflag:$0x3], $0x4000, $0x38;
	[tilespmem:$0x1C200] =	vst v63  }
0x1a: {  	_ =	swait.ge [sflag:s23], $0x4000  }
0x1b: {  	[sflag:s23] =	ssyncset.done $0x0  }
0x1c: {  	[sflag:s23] =	ssyncadd.s32 $0xFFFFC000  }
0x1d: {  	[spmem:s8] =	stream.linear.scatter [tilespmem:s22], [sflag:$0x3], $0x4000, $0x38;
	[tilespmem:$0x1C200] =	vst v63  }
0x1e: {  	_ =	swait.ge [sflag:s23], $0x4000  }
0x1f: {  	[sflag:s23] =	ssyncset.done $0x0  }
0x20: {  	[sflag:s23] =	ssyncadd.s32 $0xFFFFC000  }
0x21: {  	[spmem:s9] =	stream.linear.scatter [tilespmem:s22], [sflag:$0x3], $0x4000, $0x38;
	[tilespmem:$0x1C200] =	vst v63  }
0x22: {  	_ =	swait.ge [sflag:s23], $0x4000  }
0x23: {  	[sflag:s23] =	ssyncset.done $0x0  }
0x24: {  	[sflag:s23] =	ssyncadd.s32 $0xFFFFC000  }
0x25: {  	[spmem:s10] =	stream.linear.scatter [tilespmem:s22], [sflag:$0x3], $0x4000, $0x38;
	[tilespmem:$0x1C200] =	vst v63  }
0x26: {  	_ =	swait.ge [sflag:s23], $0x4000  }
0x27: {  	[sflag:s23] =	ssyncset.done $0x0  }
0x28: {  	[sflag:s23] =	ssyncadd.s32 $0xFFFFC000  }
0x29: {  	[spmem:s12] =	stream.linear.scatter [tilespmem:s22], [sflag:$0x3], $0x4000, $0x38;
	[tilespmem:$0x1C200] =	vst v63  }
0x2a: {  	_ =	swait.ge [sflag:s23], $0x4000  }
0x2b: {  	[sflag:s23] =	ssyncset.done $0x0  }
0x2c: {  	[sflag:s23] =	ssyncadd.s32 $0xFFFFC000  }
0x2d: {  	[bflag:$0x0] =	sbarrier.arrive $0xFFFF  }
0x2e: {  	[tilespmem:s4], [sflag:$0x3] =	stream.linear.gather [hbm4b:s11+s4], $0x100, $0x38;
	[tilespmem:$0x1C200] =	vst v63  }
0x2f: {  	_ =	swait.ge [sflag:s23], $0x100  }
0x30: {  	[sflag:s23] =	ssyncset.done $0x0  }
0x31: {  	[sflag:s23] =	ssyncadd.s32 $0xFFFFFF00  }
0x32: {  	[tilespmem:s22], [sflag:$0x1] =	stream.indirect.gather [hbm4b:s5+s24], $0x80, s4, s24, $0xb8;
	[tilespmem:$0x1C200] =	vst v63  }
0x33: {  	s14 =	rddreg [dreg:$0x5]  }
0x34: {  	[tilespmem:s25], [sflag:$0x3] =	stream.linear.gather [hbm4b:s14+s4], $0x100, $0x38;
	[tilespmem:$0x1C200] =	vst v63  }
0x35: {  	_ =	swait.ge [sflag:s23], $0x100  }
0x36: {  	[sflag:s23] =	ssyncset.done $0x0  }
0x37: {  	s1 =	sadd.s32 $0xFFFFFFB0, s21;
	[sflag:s23] =	ssyncadd.s32 $0xFFFFFF00  }
0x38: {  	[tilespmem:s26], [sflag:$0x2] =	stream.indirect.gather [hbm4b:s5+s24], $0x80, s25, s24, $0xb8;
	[tilespmem:$0x1C200] =	vst v63  }
0x39: {  	s0 =	sadd.s32 $0x52, s1;
	_ =	swait.ge [sflag:s28], $0x4000  }
0x3a: {  	s6 =	smov.u32 s15;
	p0 =	slt.s32 s0, s15;
	[sflag:s28] =	ssyncset.done $0x0  }
0x3b: {  	s6 =	smov.u32 @p0 s0;
	[sflag:s28] =	ssyncadd.s32 $0xFFFFC000  }
0x3c: {  	[spmem:s3] =	stream.indirect.scatter.add.f32 [tilespmem:s22], [sflag:$0x3], $0x80, s24, s24, $0xb8;
	[tilespmem:$0x1C200] =	vst v63  }
0x3d: {  	s0 =	sshll.u32 s6, $0x5;
	_ =	swait.ge [sflag:s23], $0x4000  }
0x3e: {  	s0 =	sand.u32 $0x1FFFFFE0, s0;
	[sflag:s23] =	ssyncset.done $0x0  }
0x3f: {  	s0 =	sadd.s32 s2, s0;
	[sflag:s23] =	ssyncadd.s32 $0xFFFFC000  }
0x40: {  	[tilespmem:s4], [sflag:$0x3] =	stream.linear.gather [hbm4b:s0+s4], $0x100, $0x38;
	[tilespmem:$0x1C200] =	vst v63  }
0x41: {  	_ =	swait.ge [sflag:s23], $0x100  }
0x42: {  	[sflag:s23] =	ssyncset.done $0x0  }
0x43: {  	[sflag:s23] =	ssyncadd.s32 $0xFFFFFF00  }
0x44: {  	[tilespmem:s22], [sflag:$0x1] =	stream.indirect.gather [hbm4b:s5+s24], $0x80, s4, s24, $0xb8;
	[tilespmem:$0x1C200] =	vst v63  }
0x45: {  	s0 =	sadd.s32 $0x53, s1;
	_ =	swait.ge [sflag:s29], $0x4000  }
0x46: {  	s1 =	smov.u32 s15;
	p0 =	slt.s32 s0, s15;
	[sflag:s29] =	ssyncset.done $0x0  }
0x47: {  	s1 =	smov.u32 @p0 s0;
	[sflag:s29] =	ssyncadd.s32 $0xFFFFC000  }
0x48: {  	[spmem:s3] =	stream.indirect.scatter.add.f32 [tilespmem:s26], [sflag:$0x3], $0x80, s30, s24, $0xb8;
	[tilespmem:$0x1C200] =	vst v63  }
0x49: {  	s0 =	sshll.u32 s1, $0x5;
	_ =	swait.ge [sflag:s23], $0x4000  }
0x4a: {  	s0 =	sand.u32 $0x1FFFFFE0, s0;
	[sflag:s23] =	ssyncset.done $0x0  }
0x4b: {  	s0 =	sadd.s32 s2, s0;
	[sflag:s23] =	ssyncadd.s32 $0xFFFFC000  }
0x4c: {  	[tilespmem:s25], [sflag:$0x3] =	stream.linear.gather [hbm4b:s0+s4], $0x100, $0x38;
	[tilespmem:$0x1C200] =	vst v63  }
0x4d: {  	_ =	swait.ge [sflag:s23], $0x100  }
0x4e: {  	s1 =	simm.s32 $0xFFFFFFB2;
	[sflag:s23] =	ssyncset.done $0x0  }
.LBB2_2:
0x4f: {  	s0 =	sadd.s32 s1, s21  }
0x50: {  	[sflag:s23] =	ssyncadd.s32 $0xFFFFFF00;
	s6 =	smov.u32 s1;
	s14 =	smov.u32 s15  }
0x51: {  	s6 =	sadd.s32 $0x2, s1;
	s13 =	sadd.s32 $0x52, s0;
	s0 =	sadd.s32 $0x53, s0  }
0x52: {  	[tilespmem:s26], [sflag:$0x2] =	stream.indirect.gather [hbm4b:s5+s24], $0x80, s25, s24, $0xb8;
	[tilespmem:$0x1C200] =	vst v63  }
0x53: {  	p0 =	slt.s32 s13, s15;
	p1 =	slt.s32 s0, s15;
	_ =	swait.ge [sflag:s28], $0x4000  }
0x54: {  	s14 =	smov.u32 @p0 s13;
	s13 =	smov.u32 s15;
	[sflag:s28] =	ssyncset.done $0x0  }
0x55: {  	s13 =	smov.u32 @p1 s0;
	[sflag:s28] =	ssyncadd.s32 $0xFFFFC000  }
0x56: {  	[spmem:s3] =	stream.indirect.scatter.add.f32 [tilespmem:s22], [sflag:$0x3], $0x80, s24, s24, $0xb8;
	[tilespmem:$0x1C200] =	vst v63  }
0x57: {  	s0 =	sshll.u32 s14, $0x5;
	s13 =	sshll.u32 s13, $0x5;
	_ =	swait.ge [sflag:s23], $0x4000  }
0x58: {  	s0 =	sand.u32 $0x1FFFFFE0, s0;
	s13 =	sand.u32 $0x1FFFFFE0, s13;
	[sflag:s23] =	ssyncset.done $0x0  }
0x59: {  	p0 =	sne.s32 s1, $0xFFFFFFFE;
	s0 =	sadd.s32 s2, s0;
	[sflag:s23] =	ssyncadd.s32 $0xFFFFC000  }
0x5a: {  	[tilespmem:s4], [sflag:$0x3] =	stream.linear.gather [hbm4b:s0+s4], $0x100, $0x38;
	[tilespmem:$0x1C200] =	vst v63  }
0x5b: {  	_ =	swait.ge [sflag:s23], $0x100  }
0x5c: {  	[sflag:s23] =	ssyncset.done $0x0  }
0x5d: {  	[sflag:s23] =	ssyncadd.s32 $0xFFFFFF00  }
0x5e: {  	[tilespmem:s22], [sflag:$0x1] =	stream.indirect.gather [hbm4b:s5+s24], $0x80, s4, s24, $0xb8;
	[tilespmem:$0x1C200] =	vst v63  }
0x5f: {  	_ =	swait.ge [sflag:s29], $0x4000  }
0x60: {  	[sflag:s29] =	ssyncset.done $0x0  }
0x61: {  	[sflag:s29] =	ssyncadd.s32 $0xFFFFC000  }
0x62: {  	[spmem:s3] =	stream.indirect.scatter.add.f32 [tilespmem:s26], [sflag:$0x3], $0x80, s30, s24, $0xb8;
	[tilespmem:$0x1C200] =	vst v63  }
0x63: {  	_ =	swait.ge [sflag:s23], $0x4000  }
.Ltmp0:
0x64: {  	s0 =	sadd.s32 s2, s13;
	[sflag:s23] =	ssyncset.done $0x0;
	(pc) =	sbr.rel @p0 .LBB2_2-.Ltmp0, $4  }
0x65: {  	[sflag:s23] =	ssyncadd.s32 $0xFFFFC000  }
0x66: {  	[tilespmem:s25], [sflag:$0x3] =	stream.linear.gather [hbm4b:s0+s4], $0x100, $0x38;
	[tilespmem:$0x1C200] =	vst v63  }
0x67: {  	_ =	swait.ge [sflag:s23], $0x100  }
0x68: {  	s1 =	smov.u32 s6;
	[sflag:s23] =	ssyncset.done $0x0  }
0x69: {  	[sflag:s23] =	ssyncadd.s32 $0xFFFFFF00  }
0x6a: {  	[tilespmem:s26], [sflag:$0x2] =	stream.indirect.gather [hbm4b:s5+s24], $0x80, s25, s24, $0xb8;
	[tilespmem:$0x1C200] =	vst v63  }
0x6b: {  	_ =	swait.ge [sflag:s28], $0x4000  }
0x6c: {  	[sflag:s28] =	ssyncset.done $0x0  }
0x6d: {  	[sflag:s28] =	ssyncadd.s32 $0xFFFFC000  }
0x6e: {  	_ =	swait.ge [sflag:s29], $0x4000  }
0x6f: {  	[sflag:s29] =	ssyncset.done $0x0  }
0x70: {  	[sflag:s29] =	ssyncadd.s32 $0xFFFFC000  }
0x71: {  	[bflag:$0x0] =	sbarrier.arrive $0xFFFF  }
0x72: {  	[tilespmem:s22], [sflag:$0x3] =	stream.linear.gather [spmem:s7], $0x4000, $0x38;
	[tilespmem:$0x1C200] =	vst v63  }
0x73: {  	_ =	swait.ge [sflag:s23], $0x4000  }
0x74: {  	[sflag:s23] =	ssyncset.done $0x0  }
0x75: {  	s0 =	rddreg [dreg:$0x6];
	[sflag:s23] =	ssyncadd.s32 $0xFFFFC000  }
0x76: {  	[hbm4b:s0+s4] =	stream.linear.scatter [tilespmem:s22], [sflag:$0x3], $0x4000, $0x38;
	[tilespmem:$0x1C200] =	vst v63  }
0x77: {  	_ =	swait.ge [sflag:s23], $0x4000  }
0x78: {  	[sflag:s23] =	ssyncset.done $0x0  }
0x79: {  	[sflag:s23] =	ssyncadd.s32 $0xFFFFC000  }
0x7a: {  	[tilespmem:s22], [sflag:$0x3] =	stream.linear.gather [spmem:s8], $0x4000, $0x38;
	[tilespmem:$0x1C200] =	vst v63  }
0x7b: {  	_ =	swait.ge [sflag:s23], $0x4000  }
0x7c: {  	[sflag:s23] =	ssyncset.done $0x0  }
0x7d: {  	[sflag:s23] =	ssyncadd.s32 $0xFFFFC000  }
0x7e: {  	[hbm4b:s16+s4] =	stream.linear.scatter [tilespmem:s22], [sflag:$0x3], $0x4000, $0x38;
	[tilespmem:$0x1C200] =	vst v63  }
0x7f: {  	_ =	swait.ge [sflag:s23], $0x4000  }
0x80: {  	[sflag:s23] =	ssyncset.done $0x0  }
0x81: {  	[sflag:s23] =	ssyncadd.s32 $0xFFFFC000  }
0x82: {  	[tilespmem:s22], [sflag:$0x3] =	stream.linear.gather [spmem:s9], $0x4000, $0x38;
	[tilespmem:$0x1C200] =	vst v63  }
0x83: {  	_ =	swait.ge [sflag:s23], $0x4000  }
0x84: {  	[sflag:s23] =	ssyncset.done $0x0  }
0x85: {  	[sflag:s23] =	ssyncadd.s32 $0xFFFFC000  }
0x86: {  	[hbm4b:s17+s4] =	stream.linear.scatter [tilespmem:s22], [sflag:$0x3], $0x4000, $0x38;
	[tilespmem:$0x1C200] =	vst v63  }
0x87: {  	_ =	swait.ge [sflag:s23], $0x4000  }
0x88: {  	[sflag:s23] =	ssyncset.done $0x0  }
0x89: {  	[sflag:s23] =	ssyncadd.s32 $0xFFFFC000  }
0x8a: {  	[tilespmem:s22], [sflag:$0x3] =	stream.linear.gather [spmem:s10], $0x4000, $0x38;
	[tilespmem:$0x1C200] =	vst v63  }
0x8b: {  	_ =	swait.ge [sflag:s23], $0x4000  }
0x8c: {  	[sflag:s23] =	ssyncset.done $0x0  }
0x8d: {  	[sflag:s23] =	ssyncadd.s32 $0xFFFFC000  }
0x8e: {  	[hbm4b:s18+s4] =	stream.linear.scatter [tilespmem:s22], [sflag:$0x3], $0x4000, $0x38;
	[tilespmem:$0x1C200] =	vst v63  }
0x8f: {  	_ =	swait.ge [sflag:s23], $0x4000  }
0x90: {  	[sflag:s23] =	ssyncset.done $0x0  }
0x91: {  	[sflag:s23] =	ssyncadd.s32 $0xFFFFC000  }
0x92: {  	[tilespmem:s22], [sflag:$0x3] =	stream.linear.gather [spmem:s12], $0x4000, $0x38;
	[tilespmem:$0x1C200] =	vst v63  }
0x93: {  	s31 =	sadd.s32 $0x1, s31;
	_ =	swait.ge [sflag:s23], $0x4000  }
0x94: {  	p0 =	sne.s32 s31, s20;
	[sflag:s23] =	ssyncset.done $0x0  }
.Ltmp1:
0x95: {  	[sflag:s23] =	ssyncadd.s32 $0xFFFFC000;
	(pc) =	sbr.rel @p0 .LBB2_1-.Ltmp1, $4  }
0x96: {  	[hbm4b:s19+s4] =	stream.linear.scatter [tilespmem:s22], [sflag:$0x3], $0x4000, $0x38;
	[tilespmem:$0x1C200] =	vst v63  }
0x97: {  	_ =	swait.ge [sflag:s23], $0x4000  }
0x98: {  	[sflag:s23] =	ssyncset.done $0x0  }
0x99: {  	[sflag:s23] =	ssyncadd.s32 $0xFFFFC000  }
0x9a: {  	_ =	sfence.sel $0x180000  }
0x9b: {  	[bflag:$0x0] =	sbarrier.arrive $0xFFFF  }
0x9c: {  	_ =	strace $0x9000004A  }
0x9d: {  	s0 =	stileid.u32;
	[bflag:$0x2] =	sbarrier.arrive $0xFFFF  }
0x9e: {  	p0 =	sne.s32 s0, $0x0;
	s0 =	rddreg [dreg:$0x3]  }
0x9f: {  	s0 =	sadd.s32 @!p0 $0x100000, s0  }
0xa0: {  	[sflag:s0] =	ssyncadd.tile.s32 @!p0 $0x1;
	_ =	shalt  }
.Lfunc_end2:
_tile_overlayer_lowered:
.L_overlay_start_2:
0xa1: {  	(tag) =	ssettag $0x2  }
0xa2: {  	s0 =	rddreg [dreg:$0x0];
	s2 =	stileid.u32  }
0xa3: {  	s1 =	rddreg [dreg:$0x1];
	p0 =	sne.s32 s2, $0x0  }
0xa4: {  	s3 =	rddreg [dreg:$0x2];
	[bflag:$0x3] =	sbarrier.arrive $0xFFFF;
	s2 =	simm.s32 @!p0 $0x1C03  }
0xa5: {  	[timem:s3], [sflag:s2] =	dma.local @!p0 [hbm:s0], s1  }
0xa6: {  	s0 =	simm.s32 @!p0 $0x3  }
0xa7: {  	_ =	swait.ge @!p0 [sflag:s0], s1  }
0xa8: {  	s1 =	ssub.s32 @!p0 $0x0, s1;
	[sflag:s0] =	ssyncset.done @!p0 $0x0  }
0xa9: {  	[sflag:s0] =	ssyncadd.s32 @!p0 s1  }
0xaa: {  	[bflag:$0x3] =	sbarrier.arrive $0xFFFF  }
0xab: {  	_ =	shalt  }

// kernel: kernel.14.cloned.1.call-start
scs
__scs_entry_jumppad:
0x0: {  	(pc) =	sbr.rel $0x88, $3  }
0x1: {  	(tag) =	ssettag $0x0;
	lr =	simm.s32 $0x1  }
0x2: {  	[smem:$0x3F99] =	sst lr;
	_ =	strace $0xD0000000  }
0x3: {  	_ = 	snop  }
0x4: {  	_ = 	snop  }
0x5: {  	_ = 	snop  }
0x6: {  	_ = 	snop  }
0x7: {  	_ = 	snop  }
__scs_overlays_trampoline_lowered:
0x8: {  	[smem:$0x3FA8] =	sst s0  }
0x9: {  	[smem:$0x3FA9] =	sst s1  }
0xa: {  	[smem:$0x3FAA] =	sst s2  }
0xb: {  	[smem:$0x3FAB] =	sst s3  }
0xc: {  	[smem:$0x3FAC] =	sst s4  }
0xd: {  	[smem:$0x3FAD] =	sst s5  }
0xe: {  	[smem:$0x3FAE] =	sst s6  }
0xf: {  	[smem:$0x3FAF] =	sst s7  }
0x10: {  	[smem:$0x3FB0] =	sst s8  }
0x11: {  	[smem:$0x3FB1] =	sst s9;
	s0 =	simm.s32 @!p0 $0x0  }
0x12: {  	s1 =	sld [smem:$0x3F97];
	s0 =	simm.s32 @p0 $0x1  }
0x13: {  	[smem:$0x3FB2] =	sst s0;
	s0 =	simm.s32 @!p1 $0x0  }
0x14: {  	s2 =	sld [smem:$0x3F96];
	s0 =	simm.s32 @p1 $0x1  }
0x15: {  	[smem:$0x3FB3] =	sst s0;
	s0 =	simm.s32 @!p2 $0x0  }
0x16: {  	s3 =	sld [smem:$0x3FDB];
	s0 =	simm.s32 @p2 $0x1  }
0x17: {  	s4 =	simm.s32 $0x1BF5;
	[smem:$0x3FB5] =	sst s0  }
0x18: {  	s0 =	sld [smem:$0x3F98];
	_ =	swait.ge [sflag:s4], $0x0  }
0x19: {  	s7 =	sld [smem:$0x3F99]  }
0x1a: {  	s8 =	sadd.s32 $0xFFFFE003, lr  }
0x1b: {  	s9 =	sadd.s32 $0xFFFFFEF7, lr;
	s5 =	simm.s32 $0xFFFFFFFF;
	p2 =	slt.u32 s8, $0xFFFFF086  }
0x1c: {  	p1 =	slt.u32 s9, $0xF7A;
	s5 =	simm.s32 @!p2 $0x0  }
0x1d: {  	s5 =	simm.s32 @p1 $0x1;
	p0 =	seq.s32 s7, s2  }
0x1e: {  	s7 =	smul.u32 @!p0 $0xF7A, s2;
	p2 =	seq.s32 @!p0 s5, $0x0  }
0x1f: {  	s9 =	smul.u32 $0xF7A, s1;
	s8 =	simm.s32 @!p0 $0x1BF5;
	p2 =	por !p2, p0  }
0x20: {  	[sflag:s8] =	ssyncset.s32 @!p0 $0xFFFFF086;
	s6 =	sadd.s32 @!p0 s3, s7;
	s7 =	simm.s32 @!p0 $0x108  }
0x21: {  	s3 =	sadd.s32 s3, s9;
	s6 =	sadd.s32 @!p0 $0x88, s6;
	s7 =	simm.s32 @p2 $0x1082  }
0x22: {  	[simem:s7], [sflag:s8] =	dma.local @!p0 [hbm:s6], $0xF7A  }
0x23: {  	s9 =	sor.u32 $0xD0000000, s2;
	s6 =	simm.s32 $0x108;
	_ =	swait.ge @!p0 [sflag:s8], $0x0  }
0x24: {  	s3 =	sadd.s32 $0x88, s3;
	s6 =	simm.s32 @!p1 $0x1082;
	[sflag:s4] =	ssyncset.s32 $0xFFFFF086  }
0x25: {  	[simem:s6], [sflag:s4] =	dma.local [hbm:s3], $0xF7A  }
0x26: {  	[smem:$0x3F99] =	sst s1;
	(tag) =	ssettag s2;
	_ =	strace s9  }
0x27: {  	s1 =	sld [smem:$0x3FA9]  }
0x28: {  	s2 =	sld [smem:$0x3FAA]  }
0x29: {  	s4 =	sld [smem:$0x3FAC]  }
0x2a: {  	p0 =	seq.s32 s5, $0x0;
	s5 =	sld [smem:$0x3FAD]  }
0x2b: {  	s6 =	sld [smem:$0x3FAE]  }
0x2c: {  	s7 =	sld [smem:$0x3FAF]  }
0x2d: {  	s3 =	simm.s32 $0x108;
	s8 =	sld [smem:$0x3FB0]  }
0x2e: {  	s3 =	simm.s32 @!p0 $0x1082;
	s9 =	sld [smem:$0x3FB1]  }
0x2f: {  	lr =	sadd.s32 s0, s3;
	s0 =	sld [smem:$0x3FA8]  }
0x30: {  	s3 =	sld [smem:$0x3FAB]  }
0x31: {  	[smem:$0x3FB4] =	sst s10  }
0x32: {  	s10 =	sld [smem:$0x3FB2];
	_ =	sdelay $0x3  }
0x33: {  	p0 =	seq.s32 s10, $0x1;
	s10 =	sld [smem:$0x3FB4];
	_ =	sdelay $0x3  }
0x34: {  	[smem:$0x3FB4] =	sst s10  }
0x35: {  	s10 =	sld [smem:$0x3FB3];
	_ =	sdelay $0x3  }
0x36: {  	p1 =	seq.s32 s10, $0x1;
	s10 =	sld [smem:$0x3FB4];
	_ =	sdelay $0x3  }
0x37: {  	[smem:$0x3FB4] =	sst s10  }
0x38: {  	s10 =	sld [smem:$0x3FB5]  }
0x39: {  	_ = 	snop;
	(pc) =	sbr.ind lr, $3  }
0x3a: {  	_ = 	snop  }
0x3b: {  	_ = 	snop  }
0x3c: {  	p2 =	seq.s32 s10, $0x1;
	s10 =	sld [smem:$0x3FB4]  }
0x3d: {  	_ =	shalt  }
0x3e: {  	_ =	shalt  }
0x3f: {  	_ =	shalt  }
0x40: {  	_ =	shalt  }
0x41: {  	_ =	shalt  }
0x42: {  	_ =	shalt  }
0x43: {  	_ =	shalt  }
0x44: {  	_ =	shalt  }
0x45: {  	_ =	shalt  }
0x46: {  	_ =	shalt  }
0x47: {  	_ =	shalt  }
0x48: {  	_ =	shalt  }
0x49: {  	_ =	shalt  }
0x4a: {  	_ =	shalt  }
0x4b: {  	_ =	shalt  }
0x4c: {  	_ =	shalt  }
0x4d: {  	_ =	shalt  }
0x4e: {  	_ =	shalt  }
0x4f: {  	_ =	shalt  }
0x50: {  	_ =	shalt  }
0x51: {  	_ =	shalt  }
0x52: {  	_ =	shalt  }
0x53: {  	_ =	shalt  }
0x54: {  	_ =	shalt  }
0x55: {  	_ =	shalt  }
0x56: {  	_ =	shalt  }
0x57: {  	_ =	shalt  }
0x58: {  	_ =	shalt  }
0x59: {  	_ =	shalt  }
0x5a: {  	_ =	shalt  }
0x5b: {  	_ =	shalt  }
0x5c: {  	_ =	shalt  }
0x5d: {  	_ =	shalt  }
0x5e: {  	_ =	shalt  }
0x5f: {  	_ =	shalt  }
0x60: {  	_ =	shalt  }
0x61: {  	_ =	shalt  }
0x62: {  	_ =	shalt  }
0x63: {  	_ =	shalt  }
0x64: {  	_ =	shalt  }
0x65: {  	_ =	shalt  }
0x66: {  	_ =	shalt  }
0x67: {  	_ =	shalt  }
0x68: {  	_ =	shalt  }
0x69: {  	_ =	shalt  }
0x6a: {  	_ =	shalt  }
0x6b: {  	_ =	shalt  }
0x6c: {  	_ =	shalt  }
0x6d: {  	_ =	shalt  }
0x6e: {  	_ =	shalt  }
0x6f: {  	_ =	shalt  }
0x70: {  	_ =	shalt  }
0x71: {  	_ =	shalt  }
0x72: {  	_ =	shalt  }
0x73: {  	_ =	shalt  }
0x74: {  	_ =	shalt  }
0x75: {  	_ =	shalt  }
0x76: {  	_ =	shalt  }
0x77: {  	_ =	shalt  }
0x78: {  	_ =	shalt  }
0x79: {  	_ =	shalt  }
0x7a: {  	_ =	shalt  }
0x7b: {  	_ =	shalt  }
0x7c: {  	_ =	shalt  }
0x7d: {  	_ =	shalt  }
0x7e: {  	_ =	shalt  }
0x7f: {  	_ =	shalt  }
0x80: {  	_ =	shalt  }
0x81: {  	_ =	shalt  }
0x82: {  	_ =	shalt  }
0x83: {  	_ =	shalt  }
0x84: {  	_ =	shalt  }
0x85: {  	_ =	shalt  }
0x86: {  	_ =	shalt  }
0x87: {  	_ =	shalt  }
.Lfunc_end0:
.L_simem_size_0:
called_computation.2_lowered:
.L_overlay_start_0:
0x88: {  	s2 =	sld [smem:$0x3FD9]  }
0x89: {  	s3 =	sld [smem:$0x3FFE];
	_ =	sdelay $0x1  }
0x8a: {  	s1 =	srdreg.scid  }
0x8b: {  	s0 =	sand.u32 $0x1, s1  }
0x8c: {  	s17 =	sshll.u32 s0, $0xA;
	s2 =	sadd.s32 s3, s2  }
0x8d: {  	s2 =	sadd.s32 s2, s17  }
0x8e: {  	[smem:$0x3FC0] =	sst s2  }
0x8f: {  	_ = 	snop  }
0x90: {  	s2 =	sld [smem:$0x3FD0];
	(tm) =	ssettm $0x1  }
0x91: {  	s18 =	sld [smem:$0x3FFB];
	_ =	sdelay $0x3  }
0x92: {  	_ =	strace s18  }
0x93: {  	s3 =	sld [smem:$0x3FFC];
	_ =	sdelay $0x3  }
0x94: {  	_ =	strace s3  }
0x95: {  	s3 =	sld [smem:$0x3FFD];
	_ =	sdelay $0x3  }
0x96: {  	_ =	strace s3  }
0x97: {  	_ =	strace $0x8FFFFFFF  }
0x98: {  	s19 =	sld [smem:$0x3FDB];
	_ =	sdelay $0x1  }
0x99: {  	s4 =	simm.s32 $_scs_section_size  }
0x9a: {  	s5 =	simm.s32 $_size__tile_overlayer_lowered;
	s6 =	simm.s32 $_tile_overlayer_lowered  }
0x9b: {  	s22 =	simm.s32 $0x1BFF;
	s21 =	sshll.u32 s6, $0x1;
	s3 =	sadd.s32 s4, s19  }
0x9c: {  	s7 =	simm.s32 $0x0;
	s20 =	sshll.u32 s5, $0x1;
	s5 =	sadd.s32 s21, s3  }
0x9d: {  	[timem:s7], [sflag:s22] =	dma.local [hbm:s5], s20  }
0x9e: {  	_ =	swait.ge [sflag:s22], s20  }
0x9f: {  	s4 =	ssub.s32 $0x0, s20;
	[sflag:s22] =	ssyncset.done $0x0  }
0xa0: {  	[sflag:s22] =	ssyncadd.s32 s4;
	_ =	sdelay $0x1  }
0xa1: {  	s23 =	simm.s32 $0x1B8B  }
0xa2: {  	_ =	swait.ge [sflag:s23], $0x1  }
0xa3: {  	[sflag:s23] =	ssyncset.done $0x0  }
0xa4: {  	s25 =	simm.s32 $0x1B8E;
	s24 =	sld [smem:$0x3FFE];
	[sflag:s23] =	ssyncadd.s32 $0xFFFFFFFF  }
0xa5: {  	s26 =	simm.s32 $execute0_lowered;
	[smem:$0x3FD2] =	sst s25  }
0xa6: {  	s5 =	sshll.u32 s26, $0x1;
	_ =	strace $0x8000004C;
	[dreg:$0x1] =	wrdreg $0xFFFFFFFF  }
0xa7: {  	s28 =	simm.s32 $_size_execute0_lowered;
	s3 =	sadd.s32 s3, s5;
	[dreg:$0x0] =	wrdreg $0x0  }
0xa8: {  	s5 =	sshll.u32 s28, $0x1;
	[dreg:$0x2] =	wrdreg s3  }
0xa9: {  	[dreg:$0x3] =	wrdreg s5  }
0xaa: {  	[dreg:$0x4] =	wrdreg $0xC0  }
0xab: {  	_ =	task [dreg:s7], $0x5FFFF  }
0xac: {  	[dreg:$0x1] =	wrdreg $0xFFFFFFFF  }
0xad: {  	[dreg:$0x0] =	wrdreg $0x60  }
0xae: {  	[dreg:$0x2] =	wrdreg s24  }
0xaf: {  	[dreg:$0x3] =	wrdreg s2  }
0xb0: {  	[dreg:$0x4] =	wrdreg $0x82000  }
0xb1: {  	[dreg:$0x5] =	wrdreg $0x9  }
0xb2: {  	_ =	task.clear_ibuf [dreg:s7], $0x6FFFF;
	_ =	strace $0x9000004C  }
0xb3: {  	s29 =	simm.s32 $0x9;
	_ =	strace $0x8000004E  }
0xb4: {  	_ =	swait.ge [sflag:s29], $0x1  }
0xb5: {  	[sflag:s29] =	ssyncadd.s32 $0xFFFFFFFF  }
0xb6: {  	_ =	strace $0x9000004E  }
0xb7: {  	_ =	sfence  }
0xb8: {  	s30 =	sld [smem:$0x0];
	_ =	sdelay $0x2  }
0xb9: {  	s31 =	sshll.u32 s1, $0xD;
	s1 =	sshrl.u32 s1, $0x2  }
0xba: {  	s3 =	sand.u32 $0x4000, s31;
	s1 =	sadd.s32 s1, s30  }
0xbb: {  	s0 =	sor.u32 s3, s0;
	s1 =	sshll.u32 s1, $0x11  }
0xbc: {  	s0 =	sor.u32 s1, s0  }
0xbd: {  	s0 =	sadd.s32 $0x8F2B, s0  }
0xbe: {  	[sflag:s0] =	ssyncadd.remote.s32 $0x1  }
0xbf: {  	_ =	sfence.sel $0xFFFF  }
0xc0: {  	[dreg:$0x0] =	wrdreg $0xFFFFFFFF;
	(pc) =	sbr.abs _section_cstart, $3  }
0xc1: {  	[dreg:$0x1] =	wrdreg $0xFFFFFFFF  }
0xc2: {  	_ =	task.clear_ibuf [dreg:s7], $0x2FFFF;
	_ =	strace $0x9FFFFFFF  }
0xc3: {  	(tm) =	ssettm $0x7FFFFFFF  }
tec
execute0_lowered:
.L_overlay_start_1:
0x0: {  	(tag) =	ssettag $0x1  }
0x1: {  	s1 =	rddreg [dreg:$0x0]  }
0x2: {  	s2 =	rddreg [dreg:$0x1];
	s4 =	srdreg.scid  }
0x3: {  	s0 =	stileid.u32;
	s3 =	rddreg [dreg:$0x2];
	s28 =	simm.s32 $0x1  }
0x4: {  	s29 =	simm.s32 $0x2;
	s30 =	simm.s32 $0x180;
	s5 =	smul.u32 $0x280, s0  }
0x5: {  	s31 =	simm.s32 $0x0;
	s14 =	sand.u32 $0x1, s4;
	s8 =	smul.u32 $0x50000, s0  }
0x6: {  	s4 =	simm.s32 $0x0;
	s21 =	sadd.s32 $0x2000, s1;
	s6 =	smul.u32 $0x2800, s14  }
0x7: {  	[smem:$0x7FF] =	sst s4;
	s22 =	sshll.u32 s14, $0x4;
	s9 =	ssub.s32 $0x2, s14  }
0x8: {  	_ =	strace $0x8000004D;
	[dreg:$0x4] =	wrdreg s21;
	s21 =	smul.u32 $0x500, s14  }
0x9: {  	s10 =	sor.u32 s0, s22;
	s23 =	sshrl.u32 s8, $0x2;
	s22 =	smul.u32 $0x50, s0  }
0xa: {  	s24 =	sshrl.u32 s9, $0x1;
	s6 =	sadd.s32 s5, s6;
	s11 =	smul.u32 $0xA00, s10  }
0xb: {  	s5 =	sadd.s32 $0x2800, s1;
	s20 =	ssub.s32 s9, s24;
	s15 =	smul.u32 $0x50, s10  }
0xc: {  	s24 =	simm.s32 $0x80;
	s7 =	sshll.u32 s6, $0x4;
	s20 =	smax.u32 s20, $0x1  }
0xd: {  	s21 =	sadd.s32 s22, s21;
	s22 =	simm.s32 $0x200;
	s1 =	sadd.s32 s7, s1  }
0xe: {  	s7 =	sadd.s32 s23, s3;
	s11 =	sadd.s32 s2, s11;
	s15 =	sadd.s32 $0x4F, s15  }
0xf: {  	s23 =	simm.s32 $0x3;
	s8 =	sadd.s32 $0x4000, s7;
	s9 =	sadd.s32 $0x8000, s7  }
0x10: {  	s10 =	sadd.s32 $0xC000, s7;
	s12 =	sadd.s32 $0x10000, s7;
	s25 =	sadd.s32 $0x20, s11  }
0x11: {  	s26 =	sadd.s32 $0x2A800, s1;
	s16 =	sadd.s32 $0x2B000, s1;
	s17 =	sadd.s32 $0x2B800, s1  }
0x12: {  	s18 =	sadd.s32 $0x2C000, s1;
	s19 =	sadd.s32 $0x2C800, s1;
	[dreg:$0x5] =	wrdreg s25  }
0x13: {  	[dreg:$0x6] =	wrdreg s26;
	s25 =	simm.s32 $0x100;
	s26 =	simm.s32 $0x4200  }
.LBB2_1:
0x14: {  	s0 =	rddreg [dreg:$0x4]  }
0x15: {  	[tilespmem:s22], [sflag:$0x3] =	stream.linear.gather [hbm4b:s0+s4], $0x4000, $0x38;
	[tilespmem:$0x1C200] =	vst v63  }
0x16: {  	_ =	swait.ge [sflag:s23], $0x4000  }
0x17: {  	[sflag:s23] =	ssyncset.done $0x0  }
0x18: {  	[sflag:s23] =	ssyncadd.s32 $0xFFFFC000  }
0x19: {  	[spmem:s7] =	stream.linear.scatter [tilespmem:s22], [sflag:$0x3], $0x4000, $0x38;
	[tilespmem:$0x1C200] =	vst v63  }
0x1a: {  	_ =	swait.ge [sflag:s23], $0x4000  }
0x1b: {  	[sflag:s23] =	ssyncset.done $0x0  }
0x1c: {  	[sflag:s23] =	ssyncadd.s32 $0xFFFFC000  }
0x1d: {  	[spmem:s8] =	stream.linear.scatter [tilespmem:s22], [sflag:$0x3], $0x4000, $0x38;
	[tilespmem:$0x1C200] =	vst v63  }
0x1e: {  	_ =	swait.ge [sflag:s23], $0x4000  }
0x1f: {  	[sflag:s23] =	ssyncset.done $0x0  }
0x20: {  	[sflag:s23] =	ssyncadd.s32 $0xFFFFC000  }
0x21: {  	[spmem:s9] =	stream.linear.scatter [tilespmem:s22], [sflag:$0x3], $0x4000, $0x38;
	[tilespmem:$0x1C200] =	vst v63  }
0x22: {  	_ =	swait.ge [sflag:s23], $0x4000  }
0x23: {  	[sflag:s23] =	ssyncset.done $0x0  }
0x24: {  	[sflag:s23] =	ssyncadd.s32 $0xFFFFC000  }
0x25: {  	[spmem:s10] =	stream.linear.scatter [tilespmem:s22], [sflag:$0x3], $0x4000, $0x38;
	[tilespmem:$0x1C200] =	vst v63  }
0x26: {  	_ =	swait.ge [sflag:s23], $0x4000  }
0x27: {  	[sflag:s23] =	ssyncset.done $0x0  }
0x28: {  	[sflag:s23] =	ssyncadd.s32 $0xFFFFC000  }
0x29: {  	[spmem:s12] =	stream.linear.scatter [tilespmem:s22], [sflag:$0x3], $0x4000, $0x38;
	[tilespmem:$0x1C200] =	vst v63  }
0x2a: {  	_ =	swait.ge [sflag:s23], $0x4000  }
0x2b: {  	[sflag:s23] =	ssyncset.done $0x0  }
0x2c: {  	[sflag:s23] =	ssyncadd.s32 $0xFFFFC000  }
0x2d: {  	[bflag:$0x0] =	sbarrier.arrive $0xFFFF  }
0x2e: {  	[tilespmem:s4], [sflag:$0x3] =	stream.linear.gather [hbm4b:s11+s4], $0x100, $0x38;
	[tilespmem:$0x1C200] =	vst v63  }
0x2f: {  	_ =	swait.ge [sflag:s23], $0x100  }
0x30: {  	[sflag:s23] =	ssyncset.done $0x0  }
0x31: {  	[sflag:s23] =	ssyncadd.s32 $0xFFFFFF00  }
0x32: {  	[tilespmem:s22], [sflag:$0x1] =	stream.indirect.gather [hbm4b:s5+s24], $0x80, s4, s24, $0xb8;
	[tilespmem:$0x1C200] =	vst v63  }
0x33: {  	s14 =	rddreg [dreg:$0x5]  }
0x34: {  	[tilespmem:s25], [sflag:$0x3] =	stream.linear.gather [hbm4b:s14+s4], $0x100, $0x38;
	[tilespmem:$0x1C200] =	vst v63  }
0x35: {  	_ =	swait.ge [sflag:s23], $0x100  }
0x36: {  	[sflag:s23] =	ssyncset.done $0x0  }
0x37: {  	s1 =	sadd.s32 $0xFFFFFFB0, s21;
	[sflag:s23] =	ssyncadd.s32 $0xFFFFFF00  }
0x38: {  	[tilespmem:s26], [sflag:$0x2] =	stream.indirect.gather [hbm4b:s5+s24], $0x80, s25, s24, $0xb8;
	[tilespmem:$0x1C200] =	vst v63  }
0x39: {  	s0 =	sadd.s32 $0x52, s1;
	_ =	swait.ge [sflag:s28], $0x4000  }
0x3a: {  	s6 =	smov.u32 s15;
	p0 =	slt.s32 s0, s15;
	[sflag:s28] =	ssyncset.done $0x0  }
0x3b: {  	s6 =	smov.u32 @p0 s0;
	[sflag:s28] =	ssyncadd.s32 $0xFFFFC000  }
0x3c: {  	[spmem:s3] =	stream.indirect.scatter.add.f32 [tilespmem:s22], [sflag:$0x3], $0x80, s24, s24, $0xb8;
	[tilespmem:$0x1C200] =	vst v63  }
0x3d: {  	s0 =	sshll.u32 s6, $0x5;
	_ =	swait.ge [sflag:s23], $0x4000  }
0x3e: {  	s0 =	sand.u32 $0x1FFFFFE0, s0;
	[sflag:s23] =	ssyncset.done $0x0  }
0x3f: {  	s0 =	sadd.s32 s2, s0;
	[sflag:s23] =	ssyncadd.s32 $0xFFFFC000  }
0x40: {  	[tilespmem:s4], [sflag:$0x3] =	stream.linear.gather [hbm4b:s0+s4], $0x100, $0x38;
	[tilespmem:$0x1C200] =	vst v63  }
0x41: {  	_ =	swait.ge [sflag:s23], $0x100  }
0x42: {  	[sflag:s23] =	ssyncset.done $0x0  }
0x43: {  	[sflag:s23] =	ssyncadd.s32 $0xFFFFFF00  }
0x44: {  	[tilespmem:s22], [sflag:$0x1] =	stream.indirect.gather [hbm4b:s5+s24], $0x80, s4, s24, $0xb8;
	[tilespmem:$0x1C200] =	vst v63  }
0x45: {  	s0 =	sadd.s32 $0x53, s1;
	_ =	swait.ge [sflag:s29], $0x4000  }
0x46: {  	s1 =	smov.u32 s15;
	p0 =	slt.s32 s0, s15;
	[sflag:s29] =	ssyncset.done $0x0  }
0x47: {  	s1 =	smov.u32 @p0 s0;
	[sflag:s29] =	ssyncadd.s32 $0xFFFFC000  }
0x48: {  	[spmem:s3] =	stream.indirect.scatter.add.f32 [tilespmem:s26], [sflag:$0x3], $0x80, s30, s24, $0xb8;
	[tilespmem:$0x1C200] =	vst v63  }
0x49: {  	s0 =	sshll.u32 s1, $0x5;
	_ =	swait.ge [sflag:s23], $0x4000  }
0x4a: {  	s0 =	sand.u32 $0x1FFFFFE0, s0;
	[sflag:s23] =	ssyncset.done $0x0  }
0x4b: {  	s0 =	sadd.s32 s2, s0;
	[sflag:s23] =	ssyncadd.s32 $0xFFFFC000  }
0x4c: {  	[tilespmem:s25], [sflag:$0x3] =	stream.linear.gather [hbm4b:s0+s4], $0x100, $0x38;
	[tilespmem:$0x1C200] =	vst v63  }
0x4d: {  	_ =	swait.ge [sflag:s23], $0x100  }
0x4e: {  	s1 =	simm.s32 $0xFFFFFFB2;
	[sflag:s23] =	ssyncset.done $0x0  }
.LBB2_2:
0x4f: {  	s0 =	sadd.s32 s1, s21  }
0x50: {  	[sflag:s23] =	ssyncadd.s32 $0xFFFFFF00;
	s6 =	smov.u32 s1;
	s14 =	smov.u32 s15  }
0x51: {  	s6 =	sadd.s32 $0x2, s1;
	s13 =	sadd.s32 $0x52, s0;
	s0 =	sadd.s32 $0x53, s0  }
0x52: {  	[tilespmem:s26], [sflag:$0x2] =	stream.indirect.gather [hbm4b:s5+s24], $0x80, s25, s24, $0xb8;
	[tilespmem:$0x1C200] =	vst v63  }
0x53: {  	p0 =	slt.s32 s13, s15;
	p1 =	slt.s32 s0, s15;
	_ =	swait.ge [sflag:s28], $0x4000  }
0x54: {  	s14 =	smov.u32 @p0 s13;
	s13 =	smov.u32 s15;
	[sflag:s28] =	ssyncset.done $0x0  }
0x55: {  	s13 =	smov.u32 @p1 s0;
	[sflag:s28] =	ssyncadd.s32 $0xFFFFC000  }
0x56: {  	[spmem:s3] =	stream.indirect.scatter.add.f32 [tilespmem:s22], [sflag:$0x3], $0x80, s24, s24, $0xb8;
	[tilespmem:$0x1C200] =	vst v63  }
0x57: {  	s0 =	sshll.u32 s14, $0x5;
	s13 =	sshll.u32 s13, $0x5;
	_ =	swait.ge [sflag:s23], $0x4000  }
0x58: {  	s0 =	sand.u32 $0x1FFFFFE0, s0;
	s13 =	sand.u32 $0x1FFFFFE0, s13;
	[sflag:s23] =	ssyncset.done $0x0  }
0x59: {  	p0 =	sne.s32 s1, $0xFFFFFFFE;
	s0 =	sadd.s32 s2, s0;
	[sflag:s23] =	ssyncadd.s32 $0xFFFFC000  }
0x5a: {  	[tilespmem:s4], [sflag:$0x3] =	stream.linear.gather [hbm4b:s0+s4], $0x100, $0x38;
	[tilespmem:$0x1C200] =	vst v63  }
0x5b: {  	_ =	swait.ge [sflag:s23], $0x100  }
0x5c: {  	[sflag:s23] =	ssyncset.done $0x0  }
0x5d: {  	[sflag:s23] =	ssyncadd.s32 $0xFFFFFF00  }
0x5e: {  	[tilespmem:s22], [sflag:$0x1] =	stream.indirect.gather [hbm4b:s5+s24], $0x80, s4, s24, $0xb8;
	[tilespmem:$0x1C200] =	vst v63  }
0x5f: {  	_ =	swait.ge [sflag:s29], $0x4000  }
0x60: {  	[sflag:s29] =	ssyncset.done $0x0  }
0x61: {  	[sflag:s29] =	ssyncadd.s32 $0xFFFFC000  }
0x62: {  	[spmem:s3] =	stream.indirect.scatter.add.f32 [tilespmem:s26], [sflag:$0x3], $0x80, s30, s24, $0xb8;
	[tilespmem:$0x1C200] =	vst v63  }
0x63: {  	_ =	swait.ge [sflag:s23], $0x4000  }
.Ltmp0:
0x64: {  	s0 =	sadd.s32 s2, s13;
	[sflag:s23] =	ssyncset.done $0x0;
	(pc) =	sbr.rel @p0 .LBB2_2-.Ltmp0, $4  }
0x65: {  	[sflag:s23] =	ssyncadd.s32 $0xFFFFC000  }
0x66: {  	[tilespmem:s25], [sflag:$0x3] =	stream.linear.gather [hbm4b:s0+s4], $0x100, $0x38;
	[tilespmem:$0x1C200] =	vst v63  }
0x67: {  	_ =	swait.ge [sflag:s23], $0x100  }
0x68: {  	s1 =	smov.u32 s6;
	[sflag:s23] =	ssyncset.done $0x0  }
0x69: {  	[sflag:s23] =	ssyncadd.s32 $0xFFFFFF00  }
0x6a: {  	[tilespmem:s26], [sflag:$0x2] =	stream.indirect.gather [hbm4b:s5+s24], $0x80, s25, s24, $0xb8;
	[tilespmem:$0x1C200] =	vst v63  }
0x6b: {  	_ =	swait.ge [sflag:s28], $0x4000  }
0x6c: {  	[sflag:s28] =	ssyncset.done $0x0  }
0x6d: {  	[sflag:s28] =	ssyncadd.s32 $0xFFFFC000  }
0x6e: {  	_ =	swait.ge [sflag:s29], $0x4000  }
0x6f: {  	[sflag:s29] =	ssyncset.done $0x0  }
0x70: {  	[sflag:s29] =	ssyncadd.s32 $0xFFFFC000  }
0x71: {  	[bflag:$0x0] =	sbarrier.arrive $0xFFFF  }
0x72: {  	[tilespmem:s22], [sflag:$0x3] =	stream.linear.gather [spmem:s7], $0x4000, $0x38;
	[tilespmem:$0x1C200] =	vst v63  }
0x73: {  	_ =	swait.ge [sflag:s23], $0x4000  }
0x74: {  	[sflag:s23] =	ssyncset.done $0x0  }
0x75: {  	s0 =	rddreg [dreg:$0x6];
	[sflag:s23] =	ssyncadd.s32 $0xFFFFC000  }
0x76: {  	[hbm4b:s0+s4] =	stream.linear.scatter [tilespmem:s22], [sflag:$0x3], $0x4000, $0x38;
	[tilespmem:$0x1C200] =	vst v63  }
0x77: {  	_ =	swait.ge [sflag:s23], $0x4000  }
0x78: {  	[sflag:s23] =	ssyncset.done $0x0  }
0x79: {  	[sflag:s23] =	ssyncadd.s32 $0xFFFFC000  }
0x7a: {  	[tilespmem:s22], [sflag:$0x3] =	stream.linear.gather [spmem:s8], $0x4000, $0x38;
	[tilespmem:$0x1C200] =	vst v63  }
0x7b: {  	_ =	swait.ge [sflag:s23], $0x4000  }
0x7c: {  	[sflag:s23] =	ssyncset.done $0x0  }
0x7d: {  	[sflag:s23] =	ssyncadd.s32 $0xFFFFC000  }
0x7e: {  	[hbm4b:s16+s4] =	stream.linear.scatter [tilespmem:s22], [sflag:$0x3], $0x4000, $0x38;
	[tilespmem:$0x1C200] =	vst v63  }
0x7f: {  	_ =	swait.ge [sflag:s23], $0x4000  }
0x80: {  	[sflag:s23] =	ssyncset.done $0x0  }
0x81: {  	[sflag:s23] =	ssyncadd.s32 $0xFFFFC000  }
0x82: {  	[tilespmem:s22], [sflag:$0x3] =	stream.linear.gather [spmem:s9], $0x4000, $0x38;
	[tilespmem:$0x1C200] =	vst v63  }
0x83: {  	_ =	swait.ge [sflag:s23], $0x4000  }
0x84: {  	[sflag:s23] =	ssyncset.done $0x0  }
0x85: {  	[sflag:s23] =	ssyncadd.s32 $0xFFFFC000  }
0x86: {  	[hbm4b:s17+s4] =	stream.linear.scatter [tilespmem:s22], [sflag:$0x3], $0x4000, $0x38;
	[tilespmem:$0x1C200] =	vst v63  }
0x87: {  	_ =	swait.ge [sflag:s23], $0x4000  }
0x88: {  	[sflag:s23] =	ssyncset.done $0x0  }
0x89: {  	[sflag:s23] =	ssyncadd.s32 $0xFFFFC000  }
0x8a: {  	[tilespmem:s22], [sflag:$0x3] =	stream.linear.gather [spmem:s10], $0x4000, $0x38;
	[tilespmem:$0x1C200] =	vst v63  }
0x8b: {  	_ =	swait.ge [sflag:s23], $0x4000  }
0x8c: {  	[sflag:s23] =	ssyncset.done $0x0  }
0x8d: {  	[sflag:s23] =	ssyncadd.s32 $0xFFFFC000  }
0x8e: {  	[hbm4b:s18+s4] =	stream.linear.scatter [tilespmem:s22], [sflag:$0x3], $0x4000, $0x38;
	[tilespmem:$0x1C200] =	vst v63  }
0x8f: {  	_ =	swait.ge [sflag:s23], $0x4000  }
0x90: {  	[sflag:s23] =	ssyncset.done $0x0  }
0x91: {  	[sflag:s23] =	ssyncadd.s32 $0xFFFFC000  }
0x92: {  	[tilespmem:s22], [sflag:$0x3] =	stream.linear.gather [spmem:s12], $0x4000, $0x38;
	[tilespmem:$0x1C200] =	vst v63  }
0x93: {  	s31 =	sadd.s32 $0x1, s31;
	_ =	swait.ge [sflag:s23], $0x4000  }
0x94: {  	p0 =	sne.s32 s31, s20;
	[sflag:s23] =	ssyncset.done $0x0  }
.Ltmp1:
0x95: {  	[sflag:s23] =	ssyncadd.s32 $0xFFFFC000;
	(pc) =	sbr.rel @p0 .LBB2_1-.Ltmp1, $4  }
0x96: {  	[hbm4b:s19+s4] =	stream.linear.scatter [tilespmem:s22], [sflag:$0x3], $0x4000, $0x38;
	[tilespmem:$0x1C200] =	vst v63  }
0x97: {  	_ =	swait.ge [sflag:s23], $0x4000  }
0x98: {  	[sflag:s23] =	ssyncset.done $0x0  }
0x99: {  	[sflag:s23] =	ssyncadd.s32 $0xFFFFC000  }
0x9a: {  	_ =	sfence.sel $0x180000  }
0x9b: {  	[bflag:$0x0] =	sbarrier.arrive $0xFFFF  }
0x9c: {  	_ =	strace $0x9000004D  }
0x9d: {  	s0 =	stileid.u32;
	[bflag:$0x2] =	sbarrier.arrive $0xFFFF  }
0x9e: {  	p0 =	sne.s32 s0, $0x0;
	s0 =	rddreg [dreg:$0x3]  }
0x9f: {  	s0 =	sadd.s32 @!p0 $0x100000, s0  }
0xa0: {  	[sflag:s0] =	ssyncadd.tile.s32 @!p0 $0x1;
	_ =	shalt  }
.Lfunc_end2:
_tile_overlayer_lowered:
.L_overlay_start_2:
0xa1: {  	(tag) =	ssettag $0x2  }
0xa2: {  	s0 =	rddreg [dreg:$0x0];
	s2 =	stileid.u32  }
0xa3: {  	s1 =	rddreg [dreg:$0x1];
	p0 =	sne.s32 s2, $0x0  }
0xa4: {  	s3 =	rddreg [dreg:$0x2];
	[bflag:$0x3] =	sbarrier.arrive $0xFFFF;
	s2 =	simm.s32 @!p0 $0x1C03  }
0xa5: {  	[timem:s3], [sflag:s2] =	dma.local @!p0 [hbm:s0], s1  }
0xa6: {  	s0 =	simm.s32 @!p0 $0x3  }
0xa7: {  	_ =	swait.ge @!p0 [sflag:s0], s1  }
0xa8: {  	s1 =	ssub.s32 @!p0 $0x0, s1;
	[sflag:s0] =	ssyncset.done @!p0 $0x0  }
0xa9: {  	[sflag:s0] =	ssyncadd.s32 @!p0 s1  }
0xaa: {  	[bflag:$0x3] =	sbarrier.arrive $0xFFFF  }
0xab: {  	_ =	shalt  }

// kernel: kernel.8.cloned.1.call-start
scs
__scs_entry_jumppad:
0x0: {  	(pc) =	sbr.rel $0x88, $3  }
0x1: {  	(tag) =	ssettag $0x0;
	lr =	simm.s32 $0x1  }
0x2: {  	[smem:$0x3F99] =	sst lr;
	_ =	strace $0xD0000000  }
0x3: {  	_ = 	snop  }
0x4: {  	_ = 	snop  }
0x5: {  	_ = 	snop  }
0x6: {  	_ = 	snop  }
0x7: {  	_ = 	snop  }
__scs_overlays_trampoline_lowered:
0x8: {  	[smem:$0x3FA8] =	sst s0  }
0x9: {  	[smem:$0x3FA9] =	sst s1  }
0xa: {  	[smem:$0x3FAA] =	sst s2  }
0xb: {  	[smem:$0x3FAB] =	sst s3  }
0xc: {  	[smem:$0x3FAC] =	sst s4  }
0xd: {  	[smem:$0x3FAD] =	sst s5  }
0xe: {  	[smem:$0x3FAE] =	sst s6  }
0xf: {  	[smem:$0x3FAF] =	sst s7  }
0x10: {  	[smem:$0x3FB0] =	sst s8  }
0x11: {  	[smem:$0x3FB1] =	sst s9;
	s0 =	simm.s32 @!p0 $0x0  }
0x12: {  	s1 =	sld [smem:$0x3F97];
	s0 =	simm.s32 @p0 $0x1  }
0x13: {  	[smem:$0x3FB2] =	sst s0;
	s0 =	simm.s32 @!p1 $0x0  }
0x14: {  	s2 =	sld [smem:$0x3F96];
	s0 =	simm.s32 @p1 $0x1  }
0x15: {  	[smem:$0x3FB3] =	sst s0;
	s0 =	simm.s32 @!p2 $0x0  }
0x16: {  	s3 =	sld [smem:$0x3FDB];
	s0 =	simm.s32 @p2 $0x1  }
0x17: {  	s4 =	simm.s32 $0x1BF5;
	[smem:$0x3FB5] =	sst s0  }
0x18: {  	s0 =	sld [smem:$0x3F98];
	_ =	swait.ge [sflag:s4], $0x0  }
0x19: {  	s7 =	sld [smem:$0x3F99]  }
0x1a: {  	s8 =	sadd.s32 $0xFFFFE003, lr  }
0x1b: {  	s9 =	sadd.s32 $0xFFFFFEF7, lr;
	s5 =	simm.s32 $0xFFFFFFFF;
	p2 =	slt.u32 s8, $0xFFFFF086  }
0x1c: {  	p1 =	slt.u32 s9, $0xF7A;
	s5 =	simm.s32 @!p2 $0x0  }
0x1d: {  	s5 =	simm.s32 @p1 $0x1;
	p0 =	seq.s32 s7, s2  }
0x1e: {  	s7 =	smul.u32 @!p0 $0xF7A, s2;
	p2 =	seq.s32 @!p0 s5, $0x0  }
0x1f: {  	s9 =	smul.u32 $0xF7A, s1;
	s8 =	simm.s32 @!p0 $0x1BF5;
	p2 =	por !p2, p0  }
0x20: {  	[sflag:s8] =	ssyncset.s32 @!p0 $0xFFFFF086;
	s6 =	sadd.s32 @!p0 s3, s7;
	s7 =	simm.s32 @!p0 $0x108  }
0x21: {  	s3 =	sadd.s32 s3, s9;
	s6 =	sadd.s32 @!p0 $0x88, s6;
	s7 =	simm.s32 @p2 $0x1082  }
0x22: {  	[simem:s7], [sflag:s8] =	dma.local @!p0 [hbm:s6], $0xF7A  }
0x23: {  	s9 =	sor.u32 $0xD0000000, s2;
	s6 =	simm.s32 $0x108;
	_ =	swait.ge @!p0 [sflag:s8], $0x0  }
0x24: {  	s3 =	sadd.s32 $0x88, s3;
	s6 =	simm.s32 @!p1 $0x1082;
	[sflag:s4] =	ssyncset.s32 $0xFFFFF086  }
0x25: {  	[simem:s6], [sflag:s4] =	dma.local [hbm:s3], $0xF7A  }
0x26: {  	[smem:$0x3F99] =	sst s1;
	(tag) =	ssettag s2;
	_ =	strace s9  }
0x27: {  	s1 =	sld [smem:$0x3FA9]  }
0x28: {  	s2 =	sld [smem:$0x3FAA]  }
0x29: {  	s4 =	sld [smem:$0x3FAC]  }
0x2a: {  	p0 =	seq.s32 s5, $0x0;
	s5 =	sld [smem:$0x3FAD]  }
0x2b: {  	s6 =	sld [smem:$0x3FAE]  }
0x2c: {  	s7 =	sld [smem:$0x3FAF]  }
0x2d: {  	s3 =	simm.s32 $0x108;
	s8 =	sld [smem:$0x3FB0]  }
0x2e: {  	s3 =	simm.s32 @!p0 $0x1082;
	s9 =	sld [smem:$0x3FB1]  }
0x2f: {  	lr =	sadd.s32 s0, s3;
	s0 =	sld [smem:$0x3FA8]  }
0x30: {  	s3 =	sld [smem:$0x3FAB]  }
0x31: {  	[smem:$0x3FB4] =	sst s10  }
0x32: {  	s10 =	sld [smem:$0x3FB2];
	_ =	sdelay $0x3  }
0x33: {  	p0 =	seq.s32 s10, $0x1;
	s10 =	sld [smem:$0x3FB4];
	_ =	sdelay $0x3  }
0x34: {  	[smem:$0x3FB4] =	sst s10  }
0x35: {  	s10 =	sld [smem:$0x3FB3];
	_ =	sdelay $0x3  }
0x36: {  	p1 =	seq.s32 s10, $0x1;
	s10 =	sld [smem:$0x3FB4];
	_ =	sdelay $0x3  }
0x37: {  	[smem:$0x3FB4] =	sst s10  }
0x38: {  	s10 =	sld [smem:$0x3FB5]  }
0x39: {  	_ = 	snop;
	(pc) =	sbr.ind lr, $3  }
0x3a: {  	_ = 	snop  }
0x3b: {  	_ = 	snop  }
0x3c: {  	p2 =	seq.s32 s10, $0x1;
	s10 =	sld [smem:$0x3FB4]  }
0x3d: {  	_ =	shalt  }
0x3e: {  	_ =	shalt  }
0x3f: {  	_ =	shalt  }
0x40: {  	_ =	shalt  }
0x41: {  	_ =	shalt  }
0x42: {  	_ =	shalt  }
0x43: {  	_ =	shalt  }
0x44: {  	_ =	shalt  }
0x45: {  	_ =	shalt  }
0x46: {  	_ =	shalt  }
0x47: {  	_ =	shalt  }
0x48: {  	_ =	shalt  }
0x49: {  	_ =	shalt  }
0x4a: {  	_ =	shalt  }
0x4b: {  	_ =	shalt  }
0x4c: {  	_ =	shalt  }
0x4d: {  	_ =	shalt  }
0x4e: {  	_ =	shalt  }
0x4f: {  	_ =	shalt  }
0x50: {  	_ =	shalt  }
0x51: {  	_ =	shalt  }
0x52: {  	_ =	shalt  }
0x53: {  	_ =	shalt  }
0x54: {  	_ =	shalt  }
0x55: {  	_ =	shalt  }
0x56: {  	_ =	shalt  }
0x57: {  	_ =	shalt  }
0x58: {  	_ =	shalt  }
0x59: {  	_ =	shalt  }
0x5a: {  	_ =	shalt  }
0x5b: {  	_ =	shalt  }
0x5c: {  	_ =	shalt  }
0x5d: {  	_ =	shalt  }
0x5e: {  	_ =	shalt  }
0x5f: {  	_ =	shalt  }
0x60: {  	_ =	shalt  }
0x61: {  	_ =	shalt  }
0x62: {  	_ =	shalt  }
0x63: {  	_ =	shalt  }
0x64: {  	_ =	shalt  }
0x65: {  	_ =	shalt  }
0x66: {  	_ =	shalt  }
0x67: {  	_ =	shalt  }
0x68: {  	_ =	shalt  }
0x69: {  	_ =	shalt  }
0x6a: {  	_ =	shalt  }
0x6b: {  	_ =	shalt  }
0x6c: {  	_ =	shalt  }
0x6d: {  	_ =	shalt  }
0x6e: {  	_ =	shalt  }
0x6f: {  	_ =	shalt  }
0x70: {  	_ =	shalt  }
0x71: {  	_ =	shalt  }
0x72: {  	_ =	shalt  }
0x73: {  	_ =	shalt  }
0x74: {  	_ =	shalt  }
0x75: {  	_ =	shalt  }
0x76: {  	_ =	shalt  }
0x77: {  	_ =	shalt  }
0x78: {  	_ =	shalt  }
0x79: {  	_ =	shalt  }
0x7a: {  	_ =	shalt  }
0x7b: {  	_ =	shalt  }
0x7c: {  	_ =	shalt  }
0x7d: {  	_ =	shalt  }
0x7e: {  	_ =	shalt  }
0x7f: {  	_ =	shalt  }
0x80: {  	_ =	shalt  }
0x81: {  	_ =	shalt  }
0x82: {  	_ =	shalt  }
0x83: {  	_ =	shalt  }
0x84: {  	_ =	shalt  }
0x85: {  	_ =	shalt  }
0x86: {  	_ =	shalt  }
0x87: {  	_ =	shalt  }
.Lfunc_end0:
.L_simem_size_0:
called_computation_lowered:
.L_overlay_start_0:
0x88: {  	s2 =	sld [smem:$0x3FD9]  }
0x89: {  	s3 =	sld [smem:$0x3FFE];
	_ =	sdelay $0x1  }
0x8a: {  	s1 =	srdreg.scid  }
0x8b: {  	s0 =	sand.u32 $0x1, s1  }
0x8c: {  	s17 =	sshll.u32 s0, $0xA;
	s2 =	sadd.s32 s3, s2  }
0x8d: {  	s2 =	sadd.s32 s2, s17  }
0x8e: {  	[smem:$0x3FC0] =	sst s2  }
0x8f: {  	_ = 	snop  }
0x90: {  	s2 =	sld [smem:$0x3FD0];
	(tm) =	ssettm $0x1  }
0x91: {  	s18 =	sld [smem:$0x3FFB];
	_ =	sdelay $0x3  }
0x92: {  	_ =	strace s18  }
0x93: {  	s3 =	sld [smem:$0x3FFC];
	_ =	sdelay $0x3  }
0x94: {  	_ =	strace s3  }
0x95: {  	s3 =	sld [smem:$0x3FFD];
	_ =	sdelay $0x3  }
0x96: {  	_ =	strace s3  }
0x97: {  	_ =	strace $0x8FFFFFFF  }
0x98: {  	s19 =	sld [smem:$0x3FDB];
	_ =	sdelay $0x1  }
0x99: {  	s4 =	simm.s32 $_scs_section_size  }
0x9a: {  	s5 =	simm.s32 $_size__tile_overlayer_lowered;
	s6 =	simm.s32 $_tile_overlayer_lowered  }
0x9b: {  	s22 =	simm.s32 $0x1BFF;
	s21 =	sshll.u32 s6, $0x1;
	s3 =	sadd.s32 s4, s19  }
0x9c: {  	s7 =	simm.s32 $0x0;
	s20 =	sshll.u32 s5, $0x1;
	s5 =	sadd.s32 s21, s3  }
0x9d: {  	[timem:s7], [sflag:s22] =	dma.local [hbm:s5], s20  }
0x9e: {  	_ =	swait.ge [sflag:s22], s20  }
0x9f: {  	s4 =	ssub.s32 $0x0, s20;
	[sflag:s22] =	ssyncset.done $0x0  }
0xa0: {  	[sflag:s22] =	ssyncadd.s32 s4;
	_ =	sdelay $0x1  }
0xa1: {  	s23 =	simm.s32 $0x1B8B  }
0xa2: {  	_ =	swait.ge [sflag:s23], $0x1  }
0xa3: {  	[sflag:s23] =	ssyncset.done $0x0  }
0xa4: {  	s25 =	simm.s32 $0x1B8E;
	s24 =	sld [smem:$0x3FFE];
	[sflag:s23] =	ssyncadd.s32 $0xFFFFFFFF  }
0xa5: {  	s26 =	simm.s32 $execute0_lowered;
	[smem:$0x3FD2] =	sst s25  }
0xa6: {  	s5 =	sshll.u32 s26, $0x1;
	_ =	strace $0x80000046;
	[dreg:$0x1] =	wrdreg $0xFFFFFFFF  }
0xa7: {  	s28 =	simm.s32 $_size_execute0_lowered;
	s3 =	sadd.s32 s3, s5;
	[dreg:$0x0] =	wrdreg $0x0  }
0xa8: {  	s5 =	sshll.u32 s28, $0x1;
	[dreg:$0x2] =	wrdreg s3  }
0xa9: {  	[dreg:$0x3] =	wrdreg s5  }
0xaa: {  	[dreg:$0x4] =	wrdreg $0xC0  }
0xab: {  	_ =	task [dreg:s7], $0x5FFFF  }
0xac: {  	[dreg:$0x1] =	wrdreg $0xFFFFFFFF  }
0xad: {  	[dreg:$0x0] =	wrdreg $0x60  }
0xae: {  	[dreg:$0x2] =	wrdreg s2  }
0xaf: {  	[dreg:$0x3] =	wrdreg s24  }
0xb0: {  	[dreg:$0x4] =	wrdreg $0x82000  }
0xb1: {  	[dreg:$0x5] =	wrdreg $0x9  }
0xb2: {  	_ =	task.clear_ibuf [dreg:s7], $0x6FFFF;
	_ =	strace $0x90000046  }
0xb3: {  	s29 =	simm.s32 $0x9;
	_ =	strace $0x80000048  }
0xb4: {  	_ =	swait.ge [sflag:s29], $0x1  }
0xb5: {  	[sflag:s29] =	ssyncadd.s32 $0xFFFFFFFF  }
0xb6: {  	_ =	strace $0x90000048  }
0xb7: {  	_ =	sfence  }
0xb8: {  	s30 =	sld [smem:$0x0];
	_ =	sdelay $0x2  }
0xb9: {  	s31 =	sshll.u32 s1, $0xD;
	s1 =	sshrl.u32 s1, $0x2  }
0xba: {  	s3 =	sand.u32 $0x4000, s31;
	s1 =	sadd.s32 s1, s30  }
0xbb: {  	s0 =	sor.u32 s3, s0;
	s1 =	sshll.u32 s1, $0x11  }
0xbc: {  	s0 =	sor.u32 s1, s0  }
0xbd: {  	s0 =	sadd.s32 $0x8F2B, s0  }
0xbe: {  	[sflag:s0] =	ssyncadd.remote.s32 $0x1  }
0xbf: {  	_ =	sfence.sel $0xFFFF  }
0xc0: {  	[dreg:$0x0] =	wrdreg $0xFFFFFFFF;
	(pc) =	sbr.abs _section_cstart, $3  }
0xc1: {  	[dreg:$0x1] =	wrdreg $0xFFFFFFFF  }
0xc2: {  	_ =	task.clear_ibuf [dreg:s7], $0x2FFFF;
	_ =	strace $0x9FFFFFFF  }
0xc3: {  	(tm) =	ssettm $0x7FFFFFFF  }
tec
execute0_lowered:
.L_overlay_start_1:
0x0: {  	(tag) =	ssettag $0x1  }
0x1: {  	s1 =	rddreg [dreg:$0x0]  }
0x2: {  	s0 =	rddreg [dreg:$0x1];
	s2 =	srdreg.scid  }
0x3: {  	s5 =	stileid.u32;
	s3 =	rddreg [dreg:$0x2];
	s4 =	simm.s32 $0x0  }
0x4: {  	s28 =	simm.s32 $0x80;
	s29 =	simm.s32 $0x2;
	s6 =	smul.u32 $0x280, s5  }
0x5: {  	s30 =	simm.s32 $0x180;
	s31 =	simm.s32 $0x0;
	s24 =	smul.u32 $0x50000, s5  }
0x6: {  	s2 =	sand.u32 $0x1, s2;
	[smem:$0x7FF] =	sst s4;
	s20 =	smul.u32 $0xA00, s5  }
0x7: {  	s8 =	sadd.s32 $0x2000, s0;
	s23 =	sadd.s32 $0x2800, s0;
	s22 =	smul.u32 $0x50, s5  }
0x8: {  	s7 =	smul.u32 $0x2800, s2;
	_ =	strace $0x80000047;
	[dreg:$0x4] =	wrdreg s8  }
0x9: {  	[dreg:$0x5] =	wrdreg s23;
	s25 =	ssub.s32 $0x2, s2;
	s17 =	smul.u32 $0xA000, s2  }
0xa: {  	s9 =	sshll.u32 s2, $0x4;
	s2 =	smul.u32 $0x500, s2;
	s23 =	simm.s32 $0x3  }
0xb: {  	s10 =	sshrl.u32 s25, $0x1;
	s11 =	sor.u32 s5, s9;
	s8 =	sshrl.u32 s24, $0x2  }
0xc: {  	s24 =	simm.s32 $0x4200;
	s7 =	sadd.s32 s6, s7;
	s13 =	smul.u32 $0x50, s11  }
0xd: {  	s19 =	ssub.s32 s25, s10;
	s12 =	smul.u32 $0xA00, s11;
	s21 =	sadd.s32 s17, s1  }
0xe: {  	s25 =	simm.s32 $0x100;
	s7 =	sshll.u32 s7, $0x4;
	s26 =	sadd.s32 s20, s21  }
0xf: {  	s19 =	smax.u32 s19, $0x1;
	s21 =	sadd.s32 s22, s2;
	s22 =	simm.s32 $0x200  }
0x10: {  	s0 =	sadd.s32 s7, s0;
	s7 =	sadd.s32 s8, s3;
	s12 =	sadd.s32 s1, s12  }
0x11: {  	s6 =	sadd.s32 $0x4F, s13;
	s8 =	sadd.s32 $0x4000, s7;
	s9 =	sadd.s32 $0x8000, s7  }
0x12: {  	s10 =	sadd.s32 $0xC000, s7;
	s11 =	sadd.s32 $0x10000, s7;
	s14 =	sadd.s32 $0x3000, s0  }
0x13: {  	s15 =	sadd.s32 $0x3800, s0;
	s16 =	sadd.s32 $0x4000, s0;
	s17 =	sadd.s32 $0x4800, s0  }
0x14: {  	s18 =	sadd.s32 $0x5000, s0;
	s0 =	sadd.s32 $0x20, s26;
	s26 =	simm.s32 $0x1  }
.LBB2_1:
0x15: {  	s2 =	rddreg [dreg:$0x4]  }
0x16: {  	[tilespmem:s22], [sflag:$0x3] =	stream.linear.gather [hbm4b:s2+s4], $0x4000, $0x38;
	[tilespmem:$0x1C200] =	vst v63  }
0x17: {  	_ =	swait.ge [sflag:s23], $0x4000  }
0x18: {  	[sflag:s23] =	ssyncset.done $0x0  }
0x19: {  	s20 =	rddreg [dreg:$0x5];
	[sflag:s23] =	ssyncadd.s32 $0xFFFFC000  }
0x1a: {  	[tilespmem:s24], [sflag:$0x3] =	stream.linear.gather [hbm4b:s20+s4], $0x4000, $0x38;
	[tilespmem:$0x1C200] =	vst v63  }
0x1b: {  	_ =	swait.ge [sflag:s23], $0x4000  }
0x1c: {  	[sflag:s23] =	ssyncset.done $0x0  }
0x1d: {  	[sflag:s23] =	ssyncadd.s32 $0xFFFFC000  }
0x1e: {  	[spmem:s7] =	stream.linear.scatter [tilespmem:s22], [sflag:$0x3], $0x4000, $0x38;
	[tilespmem:$0x1C200] =	vst v63  }
0x1f: {  	_ =	swait.ge [sflag:s23], $0x4000  }
0x20: {  	[sflag:s23] =	ssyncset.done $0x0  }
0x21: {  	[sflag:s23] =	ssyncadd.s32 $0xFFFFC000  }
0x22: {  	[spmem:s8] =	stream.linear.scatter [tilespmem:s22], [sflag:$0x3], $0x4000, $0x38;
	[tilespmem:$0x1C200] =	vst v63  }
0x23: {  	_ =	swait.ge [sflag:s23], $0x4000  }
0x24: {  	[sflag:s23] =	ssyncset.done $0x0  }
0x25: {  	[sflag:s23] =	ssyncadd.s32 $0xFFFFC000  }
0x26: {  	[spmem:s9] =	stream.linear.scatter [tilespmem:s22], [sflag:$0x3], $0x4000, $0x38;
	[tilespmem:$0x1C200] =	vst v63  }
0x27: {  	_ =	swait.ge [sflag:s23], $0x4000  }
0x28: {  	[sflag:s23] =	ssyncset.done $0x0  }
0x29: {  	[sflag:s23] =	ssyncadd.s32 $0xFFFFC000  }
0x2a: {  	[spmem:s10] =	stream.linear.scatter [tilespmem:s22], [sflag:$0x3], $0x4000, $0x38;
	[tilespmem:$0x1C200] =	vst v63  }
0x2b: {  	_ =	swait.ge [sflag:s23], $0x4000  }
0x2c: {  	[sflag:s23] =	ssyncset.done $0x0  }
0x2d: {  	[sflag:s23] =	ssyncadd.s32 $0xFFFFC000  }
0x2e: {  	[spmem:s11] =	stream.linear.scatter [tilespmem:s22], [sflag:$0x3], $0x4000, $0x38;
	[tilespmem:$0x1C200] =	vst v63  }
0x2f: {  	_ =	swait.ge [sflag:s23], $0x4000  }
0x30: {  	[sflag:s23] =	ssyncset.done $0x0  }
0x31: {  	[sflag:s23] =	ssyncadd.s32 $0xFFFFC000  }
0x32: {  	[bflag:$0x0] =	sbarrier.arrive $0xFFFF  }
0x33: {  	[tilespmem:s4], [sflag:$0x1] =	stream.linear.gather [hbm4b:s12+s4], $0x100, $0x38;
	[tilespmem:$0x1C200] =	vst v63  }
0x34: {  	_ = 	snop  }
0x35: {  	[tilespmem:s25], [sflag:$0x2] =	stream.linear.gather [hbm4b:s0+s4], $0x100, $0x38;
	[tilespmem:$0x1C200] =	vst v63  }
0x36: {  	s2 =	sadd.s32 $0x2, s21;
	_ =	swait.ge [sflag:s26], $0x100  }
0x37: {  	p0 =	slt.s32 s2, s6;
	s20 =	smov.u32 s6;
	[sflag:s26] =	ssyncset.done $0x0  }
0x38: {  	s20 =	smov.u32 @p0 s2;
	[sflag:s26] =	ssyncadd.s32 $0xFFFFFF00  }
0x39: {  	[spmem:s3] =	stream.indirect.scatter.add.f32 [tilespmem:s24], [sflag:$0x3], $0x80, s28, s28, $0xb8;
	[tilespmem:$0x1C200] =	vst v63  }
0x3a: {  	s2 =	sshll.u32 s20, $0x5;
	_ =	swait.ge [sflag:s23], $0x4000  }
0x3b: {  	s2 =	sand.u32 $0x1FFFFFE0, s2;
	[sflag:s23] =	ssyncset.done $0x0  }
0x3c: {  	s2 =	sadd.s32 s1, s2;
	[sflag:s23] =	ssyncadd.s32 $0xFFFFC000  }
0x3d: {  	[tilespmem:s4], [sflag:$0x1] =	stream.linear.gather [hbm4b:s2+s4], $0x100, $0x38;
	[tilespmem:$0x1C200] =	vst v63  }
0x3e: {  	_ =	swait.ge [sflag:s29], $0x100  }
0x3f: {  	[sflag:s29] =	ssyncset.done $0x0  }
0x40: {  	[sflag:s29] =	ssyncadd.s32 $0xFFFFFF00  }
0x41: {  	[spmem:s3] =	stream.indirect.scatter.add.f32 [tilespmem:s24], [sflag:$0x3], $0x80, s30, s28, $0xb8;
	[tilespmem:$0x1C200] =	vst v63  }
0x42: {  	s20 =	smov.u32 s0;
	s2 =	simm.s32 $0x4;
	_ =	swait.ge [sflag:s23], $0x4000  }
.LBB2_2:
0x43: {  	p0 =	sne.s32 s2, $0x50;
	[sflag:s23] =	ssyncset.done $0x0;
	s20 =	sadd.s32 $0x40, s20  }
0x44: {  	s5 =	smov.u32 s2;
	s2 =	sadd.s32 $0x2, s2;
	[sflag:s23] =	ssyncadd.s32 $0xFFFFC000  }
0x45: {  	[tilespmem:s25], [sflag:$0x2] =	stream.linear.gather [hbm4b:s20+s4], $0x100, $0x38;
	[tilespmem:$0x1C200] =	vst v63  }
0x46: {  	s5 =	sadd.s32 s5, s21;
	_ =	swait.ge [sflag:s26], $0x100  }
0x47: {  	s13 =	smov.u32 s6;
	p1 =	slt.s32 s5, s6;
	[sflag:s26] =	ssyncset.done $0x0  }
0x48: {  	s13 =	smov.u32 @p1 s5;
	[sflag:s26] =	ssyncadd.s32 $0xFFFFFF00  }
0x49: {  	[spmem:s3] =	stream.indirect.scatter.add.f32 [tilespmem:s24], [sflag:$0x3], $0x80, s28, s28, $0xb8;
	[tilespmem:$0x1C200] =	vst v63  }
0x4a: {  	s5 =	sshll.u32 s13, $0x5;
	_ =	swait.ge [sflag:s23], $0x4000  }
0x4b: {  	s5 =	sand.u32 $0x1FFFFFE0, s5;
	[sflag:s23] =	ssyncset.done $0x0  }
0x4c: {  	s5 =	sadd.s32 s1, s5;
	[sflag:s23] =	ssyncadd.s32 $0xFFFFC000  }
0x4d: {  	[tilespmem:s4], [sflag:$0x1] =	stream.linear.gather [hbm4b:s5+s4], $0x100, $0x38;
	[tilespmem:$0x1C200] =	vst v63  }
.Ltmp0:
0x4e: {  	_ =	swait.ge [sflag:s29], $0x100;
	(pc) =	sbr.rel @p0 .LBB2_2-.Ltmp0, $4  }
0x4f: {  	[sflag:s29] =	ssyncset.done $0x0  }
0x50: {  	[sflag:s29] =	ssyncadd.s32 $0xFFFFFF00  }
0x51: {  	[spmem:s3] =	stream.indirect.scatter.add.f32 [tilespmem:s24], [sflag:$0x3], $0x80, s30, s28, $0xb8;
	[tilespmem:$0x1C200] =	vst v63  }
0x52: {  	_ =	swait.ge [sflag:s23], $0x4000  }
0x53: {  	[sflag:s23] =	ssyncset.done $0x0  }
0x54: {  	[sflag:s23] =	ssyncadd.s32 $0xFFFFC000  }
0x55: {  	_ =	swait.ge [sflag:s26], $0x100  }
0x56: {  	[sflag:s26] =	ssyncset.done $0x0  }
0x57: {  	[sflag:s26] =	ssyncadd.s32 $0xFFFFFF00  }
0x58: {  	[bflag:$0x0] =	sbarrier.arrive $0xFFFF  }
0x59: {  	[tilespmem:s22], [sflag:$0x3] =	stream.linear.gather [spmem:s7], $0x4000, $0x38;
	[tilespmem:$0x1C200] =	vst v63  }
0x5a: {  	_ =	swait.ge [sflag:s23], $0x4000  }
0x5b: {  	[sflag:s23] =	ssyncset.done $0x0  }
0x5c: {  	[sflag:s23] =	ssyncadd.s32 $0xFFFFC000  }
0x5d: {  	[hbm4b:s14+s4] =	stream.linear.scatter [tilespmem:s22], [sflag:$0x3], $0x4000, $0x38;
	[tilespmem:$0x1C200] =	vst v63  }
0x5e: {  	_ =	swait.ge [sflag:s23], $0x4000  }
0x5f: {  	[sflag:s23] =	ssyncset.done $0x0  }
0x60: {  	[sflag:s23] =	ssyncadd.s32 $0xFFFFC000  }
0x61: {  	[tilespmem:s22], [sflag:$0x3] =	stream.linear.gather [spmem:s8], $0x4000, $0x38;
	[tilespmem:$0x1C200] =	vst v63  }
0x62: {  	_ =	swait.ge [sflag:s23], $0x4000  }
0x63: {  	[sflag:s23] =	ssyncset.done $0x0  }
0x64: {  	[sflag:s23] =	ssyncadd.s32 $0xFFFFC000  }
0x65: {  	[hbm4b:s15+s4] =	stream.linear.scatter [tilespmem:s22], [sflag:$0x3], $0x4000, $0x38;
	[tilespmem:$0x1C200] =	vst v63  }
0x66: {  	_ =	swait.ge [sflag:s23], $0x4000  }
0x67: {  	[sflag:s23] =	ssyncset.done $0x0  }
0x68: {  	[sflag:s23] =	ssyncadd.s32 $0xFFFFC000  }
0x69: {  	[tilespmem:s22], [sflag:$0x3] =	stream.linear.gather [spmem:s9], $0x4000, $0x38;
	[tilespmem:$0x1C200] =	vst v63  }
0x6a: {  	_ =	swait.ge [sflag:s23], $0x4000  }
0x6b: {  	[sflag:s23] =	ssyncset.done $0x0  }
0x6c: {  	[sflag:s23] =	ssyncadd.s32 $0xFFFFC000  }
0x6d: {  	[hbm4b:s16+s4] =	stream.linear.scatter [tilespmem:s22], [sflag:$0x3], $0x4000, $0x38;
	[tilespmem:$0x1C200] =	vst v63  }
0x6e: {  	_ =	swait.ge [sflag:s23], $0x4000  }
0x6f: {  	[sflag:s23] =	ssyncset.done $0x0  }
0x70: {  	[sflag:s23] =	ssyncadd.s32 $0xFFFFC000  }
0x71: {  	[tilespmem:s22], [sflag:$0x3] =	stream.linear.gather [spmem:s10], $0x4000, $0x38;
	[tilespmem:$0x1C200] =	vst v63  }
0x72: {  	_ =	swait.ge [sflag:s23], $0x4000  }
0x73: {  	[sflag:s23] =	ssyncset.done $0x0  }
0x74: {  	[sflag:s23] =	ssyncadd.s32 $0xFFFFC000  }
0x75: {  	[hbm4b:s17+s4] =	stream.linear.scatter [tilespmem:s22], [sflag:$0x3], $0x4000, $0x38;
	[tilespmem:$0x1C200] =	vst v63  }
0x76: {  	_ =	swait.ge [sflag:s23], $0x4000  }
0x77: {  	[sflag:s23] =	ssyncset.done $0x0  }
0x78: {  	[sflag:s23] =	ssyncadd.s32 $0xFFFFC000  }
0x79: {  	[tilespmem:s22], [sflag:$0x3] =	stream.linear.gather [spmem:s11], $0x4000, $0x38;
	[tilespmem:$0x1C200] =	vst v63  }
0x7a: {  	s31 =	sadd.s32 $0x1, s31;
	_ =	swait.ge [sflag:s23], $0x4000  }
0x7b: {  	p0 =	sne.s32 s31, s19;
	[sflag:s23] =	ssyncset.done $0x0  }
.Ltmp1:
0x7c: {  	[sflag:s23] =	ssyncadd.s32 $0xFFFFC000;
	(pc) =	sbr.rel @p0 .LBB2_1-.Ltmp1, $4  }
0x7d: {  	[hbm4b:s18+s4] =	stream.linear.scatter [tilespmem:s22], [sflag:$0x3], $0x4000, $0x38;
	[tilespmem:$0x1C200] =	vst v63  }
0x7e: {  	_ =	swait.ge [sflag:s23], $0x4000  }
0x7f: {  	[sflag:s23] =	ssyncset.done $0x0  }
0x80: {  	[sflag:s23] =	ssyncadd.s32 $0xFFFFC000  }
0x81: {  	_ =	sfence.sel $0x180000  }
0x82: {  	[bflag:$0x0] =	sbarrier.arrive $0xFFFF  }
0x83: {  	_ =	strace $0x90000047  }
0x84: {  	s0 =	stileid.u32;
	[bflag:$0x2] =	sbarrier.arrive $0xFFFF  }
0x85: {  	p0 =	sne.s32 s0, $0x0;
	s0 =	rddreg [dreg:$0x3]  }
0x86: {  	s0 =	sadd.s32 @!p0 $0x100000, s0  }
0x87: {  	[sflag:s0] =	ssyncadd.tile.s32 @!p0 $0x1;
	_ =	shalt  }
.Lfunc_end2:
_tile_overlayer_lowered:
.L_overlay_start_2:
0x88: {  	(tag) =	ssettag $0x2  }
0x89: {  	s0 =	rddreg [dreg:$0x0];
	s2 =	stileid.u32  }
0x8a: {  	s1 =	rddreg [dreg:$0x1];
	p0 =	sne.s32 s2, $0x0  }
0x8b: {  	s3 =	rddreg [dreg:$0x2];
	[bflag:$0x3] =	sbarrier.arrive $0xFFFF;
	s2 =	simm.s32 @!p0 $0x1C03  }
0x8c: {  	[timem:s3], [sflag:s2] =	dma.local @!p0 [hbm:s0], s1  }
0x8d: {  	s0 =	simm.s32 @!p0 $0x3  }
0x8e: {  	_ =	swait.ge @!p0 [sflag:s0], s1  }
0x8f: {  	s1 =	ssub.s32 @!p0 $0x0, s1;
	[sflag:s0] =	ssyncset.done @!p0 $0x0  }
0x90: {  	[sflag:s0] =	ssyncadd.s32 @!p0 s1  }
0x91: {  	[bflag:$0x3] =	sbarrier.arrive $0xFFFF  }
0x92: {  	_ =	shalt  }

</sc_bundles>
